<compile_context>
chip_gen: v7x
topology: tpu7x:2x2x1
jax: 0.10.2.dev20260603
libtpu: 0.0.44.dev20260713+nightly
codegen_flags: <defaults>
</compile_context>

<pallas_src>
import functools

import jax
import jax.numpy as jnp
from jax import lax
from jax.experimental import pallas as pl
from jax.experimental.pallas import tpu as pltpu
from jax.experimental.pallas import tpu_sc as plsc

NC, NS = 2, 16
NW = NC * NS
CHUNK = 80

_SC_MESH = dict(core_axis_name="c", subcore_axis_name="s", num_cores=NC,
                num_subcores=NS)


def _node_pre_body(h_ref, g_ref, b_ref, ws_ref, wd_ref, be1_ref,
                   hn_ref, a_ref, bb_ref):
    h = h_ref[...]
    mu = jnp.mean(h, axis=1, keepdims=True)
    var = jnp.mean((h - mu) ** 2, axis=1, keepdims=True)
    hn = (h - mu) * lax.rsqrt(var + 1e-5) * g_ref[...] + b_ref[...]
    hn_ref[...] = hn
    a_ref[...] = jnp.dot(hn, ws_ref[...], preferred_element_type=jnp.float32)
    bb_ref[...] = (jnp.dot(hn, wd_ref[...], preferred_element_type=jnp.float32)
                   + be1_ref[...])


def _node_pre(h, ln_g, ln_b, w_src, w_dst, be1, tn):
    n, d = h.shape
    grid = n // tn
    blk = lambda i: (i, 0)
    full = lambda i: (0, 0)
    out = jax.ShapeDtypeStruct((n, d), jnp.float32)
    return pl.pallas_call(
        _node_pre_body,
        grid=(grid,),
        in_specs=[pl.BlockSpec((tn, d), blk),
                  pl.BlockSpec((1, d), full), pl.BlockSpec((1, d), full),
                  pl.BlockSpec((d, d), full), pl.BlockSpec((d, d), full),
                  pl.BlockSpec((1, d), full)],
        out_specs=[pl.BlockSpec((tn, d), blk)] * 3,
        out_shape=[out, out, out],
    )(h, ln_g.reshape(1, d), ln_b.reshape(1, d), w_src, w_dst,
      be1.reshape(1, d))


GC = 40


def _add_pack(ra, rb, rc, rd, pk, d):
    msk = jnp.int32(-65536)
    half = d // 2

    def pk16(lo_f, hi_f):
        ulo = lax.shift_right_logical(
            lax.bitcast_convert_type(lo_f, jnp.int32) + 0x8000, 16)
        uhi = (lax.bitcast_convert_type(hi_f, jnp.int32) + 0x8000) & msk
        return uhi | ulo

    def row(i, _):
        for j in range(half // 16):
            sl = pl.ds(j * 16, 16)
            sh = pl.ds(half + j * 16, 16)
            pk[i, sl] = pk16(ra[i, sl] + rb[i, sl], ra[i, sh] + rb[i, sh])
            pk[i, sh] = pk16(rc[i, sl] + rd[i, sl], rc[i, sh] + rd[i, sh])
        return 0

    lax.fori_loop(0, GC, row, 0)


def _gather_body(a_hbm, b_hbm, src_hbm, dst_hbm, og_hbm,
                 si0_v, di0_v, si1_v, di1_v,
                 ra0, rb0, rc0, rd0, pk0, ra1, rb1, rc1, rd1, pk1,
                 s1, s2, s3, s4, s5, s6, s7, s8, sw0, sw1):
    e = src_hbm.shape[0]
    d = a_hbm.shape[1]
    eh = e // 2
    epw = eh // NW
    wid = lax.axis_index("s") * NC + lax.axis_index("c")
    base0 = wid * epw

    pltpu.sync_copy(src_hbm.at[pl.ds(base0, epw)], si0_v)
    pltpu.sync_copy(dst_hbm.at[pl.ds(base0, epw)], di0_v)
    pltpu.sync_copy(src_hbm.at[pl.ds(eh + base0, epw)], si1_v)
    pltpu.sync_copy(dst_hbm.at[pl.ds(eh + base0, epw)], di1_v)

    nch = epw // GC

    def issue(k, ra, rb, rc, rd, sa, sb, sc, sd):
        q = pl.ds(k * GC, GC)
        return (pltpu.async_copy(a_hbm.at[si0_v.at[q]], ra, sa),
                pltpu.async_copy(b_hbm.at[di0_v.at[q]], rb, sb),
                pltpu.async_copy(a_hbm.at[si1_v.at[q]], rc, sc),
                pltpu.async_copy(b_hbm.at[di1_v.at[q]], rd, sd))

    def pair(kk, _):
        ka = kk * 2
        kb = ka + 1
        cps0 = issue(ka, ra0, rb0, rc0, rd0, s1, s2, s3, s4)
        cps1 = issue(kb, ra1, rb1, rc1, rd1, s5, s6, s7, s8)
        for cp in cps0:
            cp.wait()
        _add_pack(ra0, rb0, rc0, rd0, pk0, d)
        w0 = pltpu.async_copy(pk0, og_hbm.at[pl.ds(base0 + ka * GC, GC)],
                              sw0)
        for cp in cps1:
            cp.wait()
        _add_pack(ra1, rb1, rc1, rd1, pk1, d)
        w1 = pltpu.async_copy(pk1, og_hbm.at[pl.ds(base0 + kb * GC, GC)],
                              sw1)
        w0.wait()
        w1.wait()
        return 0

    lax.fori_loop(0, nch // 2, pair, 0)

    cps0 = issue(nch - 1, ra0, rb0, rc0, rd0, s1, s2, s3, s4)
    for cp in cps0:
        cp.wait()
    _add_pack(ra0, rb0, rc0, rd0, pk0, d)
    pltpu.async_copy(pk0, og_hbm.at[pl.ds(base0 + (nch - 1) * GC, GC)],
                     sw0).wait()


def _gather(a, b, src, dst):
    n, d = a.shape
    e = src.shape[0]
    epw = e // 2 // NW
    row_f32 = pltpu.VMEM((GC, d), jnp.float32)
    row_i32 = pltpu.VMEM((GC, d), jnp.int32)
    fn = pl.kernel(
        _gather_body,
        out_type=jax.ShapeDtypeStruct((e // 2, d), jnp.int32),
        mesh=plsc.VectorSubcoreMesh(**_SC_MESH),
        scratch_types=[
            pltpu.VMEM((epw,), jnp.int32),
            pltpu.VMEM((epw,), jnp.int32),
            pltpu.VMEM((epw,), jnp.int32),
            pltpu.VMEM((epw,), jnp.int32),
            row_f32, row_f32, row_f32, row_f32, row_i32,
            row_f32, row_f32, row_f32, row_f32, row_i32,
        ] + [pltpu.SemaphoreType.DMA] * 10,
    )
    return fn(a, b, src, dst)


def _edge_half(gp, gram, rbf, wg_ref, wr_ref, we2lo_ref, we2hi_ref, be2_ref):
    hd = gp.shape[1]
    xlo = lax.bitcast_convert_type(lax.shift_left(gp, 16), jnp.float32)
    xhi = lax.bitcast_convert_type(gp & jnp.int32(-65536), jnp.float32)
    c = jnp.dot(gram, wg_ref[...], preferred_element_type=jnp.float32)
    c = c + jnp.dot(rbf, wr_ref[...], preferred_element_type=jnp.float32)
    xlo = xlo + c[:, :hd]
    xhi = xhi + c[:, hd:]
    m1lo = xlo * jax.nn.sigmoid(xlo)
    m1hi = xhi * jax.nn.sigmoid(xhi)
    y = (jnp.dot(m1lo, we2lo_ref[...], preferred_element_type=jnp.float32)
         + jnp.dot(m1hi, we2hi_ref[...], preferred_element_type=jnp.float32)
         + be2_ref[...])
    return y * jax.nn.sigmoid(y)


def _edge_body(g_ref, gram0_ref, rbf0_ref, gram1_ref, rbf1_ref,
               wg_ref, wr_ref, we2lo_ref, we2hi_ref, be2_ref, m2_ref):
    gp = g_ref[...]
    hd = gp.shape[1] // 2
    m2_ref[0] = _edge_half(gp[:, :hd], gram0_ref[...], rbf0_ref[...],
                           wg_ref, wr_ref, we2lo_ref, we2hi_ref, be2_ref)
    m2_ref[1] = _edge_half(gp[:, hd:], gram1_ref[...], rbf1_ref[...],
                           wg_ref, wr_ref, we2lo_ref, we2hi_ref, be2_ref)


def _edge_mlp(gsum, gram, rbf, w_g, w_r, we2, be2, te):
    eh, d = gsum.shape
    hd = d // 2
    g = gram.shape[1]
    k = rbf.shape[1]
    grid = eh // te
    off = eh // te
    blk = lambda i: (i, 0)
    blk1 = lambda i: (i + off, 0)
    blk3 = lambda i: (0, i, 0)
    full = lambda i: (0, 0)
    m2 = pl.pallas_call(
        _edge_body,
        grid=(grid,),
        in_specs=[pl.BlockSpec((te, d), blk),
                  pl.BlockSpec((te, g), blk), pl.BlockSpec((te, k), blk),
                  pl.BlockSpec((te, g), blk1), pl.BlockSpec((te, k), blk1),
                  pl.BlockSpec((g, d), full), pl.BlockSpec((k, d), full),
                  pl.BlockSpec((hd, d), full), pl.BlockSpec((hd, d), full),
                  pl.BlockSpec((1, d), full)],
        out_specs=pl.BlockSpec((2, te, d), blk3),
        out_shape=jax.ShapeDtypeStruct((2, eh, d), jnp.float32),
    )(gsum, gram, rbf, gram, rbf, w_g, w_r, we2[:hd], we2[hd:],
      be2.reshape(1, d))
    return m2.reshape(2 * eh, d)


def _acc_init(zn_hbm, acc_s, stage_v, s, n):
    slab = n - (NS - 1) * 624
    nst = slab // 40

    def init(j, _):
        r = pl.ds(s * 624 + j * 40, 40)
        pltpu.sync_copy(zn_hbm.at[r], stage_v)
        pltpu.sync_copy(stage_v, acc_s.at[r])
        return 0

    lax.fori_loop(0, nst, init, 0)


def _acc_dump(acc_s, out_hbm, stage_v, c, s, n):
    slab = n - (NS - 1) * 624
    nst = slab // 40

    def dump(j, _):
        r = pl.ds(s * 624 + j * 40, 40)
        pltpu.sync_copy(acc_s.at[r], stage_v)
        pltpu.sync_copy(stage_v, out_hbm.at[c, r])
        return 0

    lax.fori_loop(0, nst, dump, 0)


def _scatter_sums_body(m2_hbm, dst_hbm, zn_hbm,
                       sums_hbm,
                       m20_v, m21_v, di0_v, di1_v, stage_v, acc_s,
                       sm0, sm1, si0, si1, sc0, sc1):
    e = dst_hbm.shape[0]
    n = zn_hbm.shape[0]
    epw = e // NW
    c = lax.axis_index("c")
    s = lax.axis_index("s")
    wid = s * NC + c
    _acc_init(zn_hbm, acc_s, stage_v, s, n)
    plsc.subcore_barrier()

    base0 = wid * epw
    nch = epw // CHUNK

    def pair(kk, _):
        base = base0 + kk * 2 * CHUNK
        ci0 = pltpu.async_copy(dst_hbm.at[pl.ds(base, CHUNK)], di0_v, si0)
        ci1 = pltpu.async_copy(
            dst_hbm.at[pl.ds(base + CHUNK, CHUNK)], di1_v, si1)
        cm0 = pltpu.async_copy(m2_hbm.at[pl.ds(base, CHUNK)], m20_v, sm0)
        cm1 = pltpu.async_copy(
            m2_hbm.at[pl.ds(base + CHUNK, CHUNK)], m21_v, sm1)
        ci0.wait()
        cm0.wait()
        a0 = pltpu.async_copy(m20_v, acc_s.at[di0_v], sc0, add=True)
        ci1.wait()
        cm1.wait()
        a1 = pltpu.async_copy(m21_v, acc_s.at[di1_v], sc1, add=True)
        a0.wait()
        a1.wait()
        return 0

    lax.fori_loop(0, nch // 2, pair, 0)

    base = base0 + (nch - 1) * CHUNK
    pltpu.sync_copy(dst_hbm.at[pl.ds(base, CHUNK)], di0_v)
    pltpu.sync_copy(m2_hbm.at[pl.ds(base, CHUNK)], m20_v)
    pltpu.sync_copy(m20_v, acc_s.at[di0_v], add=True)

    plsc.subcore_barrier()
    _acc_dump(acc_s, sums_hbm, stage_v, c, s, n)


def _scatter_counts_body(dst_hbm, zn_hbm, ones_hbm,
                         cnt_hbm,
                         ones_v, di0_v, di1_v, stage_v, acc_s,
                         si0, si1, sc0, sc1):
    e = dst_hbm.shape[0]
    n = zn_hbm.shape[0]
    epw = e // NW
    c = lax.axis_index("c")
    s = lax.axis_index("s")
    wid = s * NC + c
    _acc_init(zn_hbm, acc_s, stage_v, s, n)
    pltpu.sync_copy(ones_hbm, ones_v)
    plsc.subcore_barrier()

    base0 = wid * epw
    nch = epw // CHUNK

    def pair(kk, _):
        base = base0 + kk * 2 * CHUNK
        ci0 = pltpu.async_copy(dst_hbm.at[pl.ds(base, CHUNK)], di0_v, si0)
        ci1 = pltpu.async_copy(
            dst_hbm.at[pl.ds(base + CHUNK, CHUNK)], di1_v, si1)
        ci0.wait()
        a0 = pltpu.async_copy(ones_v, acc_s.at[di0_v], sc0, add=True)
        ci1.wait()
        a1 = pltpu.async_copy(ones_v, acc_s.at[di1_v], sc1, add=True)
        a0.wait()
        a1.wait()
        return 0

    lax.fori_loop(0, nch // 2, pair, 0)

    base = base0 + (nch - 1) * CHUNK
    pltpu.sync_copy(dst_hbm.at[pl.ds(base, CHUNK)], di0_v)
    pltpu.sync_copy(ones_v, acc_s.at[di0_v], add=True)

    plsc.subcore_barrier()
    _acc_dump(acc_s, cnt_hbm, stage_v, c, s, n)


def _scatter_sums(m2, dst, n):
    e, d = m2.shape
    zn = jnp.zeros((n, d), jnp.float32)
    return pl.kernel(
        _scatter_sums_body,
        out_type=jax.ShapeDtypeStruct((NC, n, d), jnp.float32),
        mesh=plsc.VectorSubcoreMesh(**_SC_MESH),
        scratch_types=[
            pltpu.VMEM((CHUNK, d), jnp.float32),
            pltpu.VMEM((CHUNK, d), jnp.float32),
            pltpu.VMEM((CHUNK,), jnp.int32),
            pltpu.VMEM((CHUNK,), jnp.int32),
            pltpu.VMEM((40, d), jnp.float32),
            pltpu.VMEM_SHARED((n, d), jnp.float32),
            pltpu.SemaphoreType.DMA,
            pltpu.SemaphoreType.DMA,
            pltpu.SemaphoreType.DMA,
            pltpu.SemaphoreType.DMA,
            pltpu.SemaphoreType.DMA,
            pltpu.SemaphoreType.DMA,
        ],
    )(m2, dst, zn)


def _scatter_counts(dst, n, d):
    zn = jnp.zeros((n, d), jnp.float32)
    ones = jnp.ones((CHUNK, d), jnp.float32)
    return pl.kernel(
        _scatter_counts_body,
        out_type=jax.ShapeDtypeStruct((NC, n, d), jnp.float32),
        mesh=plsc.VectorSubcoreMesh(**_SC_MESH),
        scratch_types=[
            pltpu.VMEM((CHUNK, d), jnp.float32),
            pltpu.VMEM((CHUNK,), jnp.int32),
            pltpu.VMEM((CHUNK,), jnp.int32),
            pltpu.VMEM((40, d), jnp.float32),
            pltpu.VMEM_SHARED((n, d), jnp.float32),
            pltpu.SemaphoreType.DMA,
            pltpu.SemaphoreType.DMA,
            pltpu.SemaphoreType.DMA,
            pltpu.SemaphoreType.DMA,
        ],
    )(dst, zn, ones)


def _node_upd_body(h_ref, hn_ref, sums_ref, cnt_ref, w1h_ref, w1m_ref,
                   bn1_ref, wn2_ref, bn2_ref, out_ref):
    cnt = cnt_ref[0, :, 0:1] + cnt_ref[1, :, 0:1]
    m = (sums_ref[0] + sums_ref[1]) / jnp.maximum(cnt, 1.0)
    t = (jnp.dot(hn_ref[...], w1h_ref[...], preferred_element_type=jnp.float32)
         + jnp.dot(m, w1m_ref[...], preferred_element_type=jnp.float32)
         + bn1_ref[...])
    t = t * jax.nn.sigmoid(t)
    y = jnp.dot(t, wn2_ref[...], preferred_element_type=jnp.float32) \
        + bn2_ref[...]
    out_ref[...] = h_ref[...] + y * jax.nn.sigmoid(y)


def _node_update(h, hn, sums, cnt, w1h, w1m, bn1, wn2, bn2, tn):
    n, d = h.shape
    grid = n // tn
    blk = lambda i: (i, 0)
    blk3 = lambda i: (0, i, 0)
    full = lambda i: (0, 0)
    return pl.pallas_call(
        _node_upd_body,
        grid=(grid,),
        in_specs=[pl.BlockSpec((tn, d), blk), pl.BlockSpec((tn, d), blk),
                  pl.BlockSpec((NC, tn, d), blk3),
                  pl.BlockSpec((NC, tn, d), blk3),
                  pl.BlockSpec((d, d), full), pl.BlockSpec((d, d), full),
                  pl.BlockSpec((1, d), full), pl.BlockSpec((d, d), full),
                  pl.BlockSpec((1, d), full)],
        out_specs=pl.BlockSpec((tn, d), blk),
        out_shape=jax.ShapeDtypeStruct((n, d), jnp.float32),
    )(h, hn, sums, cnt, w1h, w1m, bn1.reshape(1, d), wn2, bn2.reshape(1, d))


def kernel(h, rbf_edge, gram_edge, edge_index, ln_g, ln_b,
           We1, be1, We2, be2, Wn1, bn1, Wn2, bn2):
    n, d = h.shape
    src = edge_index[0]
    dst = edge_index[1]
    g = gram_edge.shape[1]

    w_src = We1[:d]
    w_dst = We1[d:2 * d]
    w_g = We1[2 * d:2 * d + g]
    w_r = We1[2 * d + g:]

    hn, a_proj, b_proj = _node_pre(h, ln_g, ln_b, w_src, w_dst, be1, tn=1000)
    gsum = _gather(a_proj, b_proj, src, dst)
    cnt = _scatter_counts(dst, n, d)
    m2 = _edge_mlp(gsum, gram_edge, rbf_edge, w_g, w_r, We2, be2,
                   te=2000)
    sums = _scatter_sums(m2, dst, n)
    return _node_update(h, hn, sums, cnt, Wn1[:d], Wn1[d:], bn1, Wn2, bn2,
                        tn=1000)

# --- scband reference (transcript-rebuilt; emitter-appended) ---
"""Pipeline reference for scband-csplayer-cartesian-9740985827766 (READ-ONLY COPY).

The authoritative reference and input builder live on the scoring server;
editing this copy changes nothing except your own understanding.
"""

import jax, jax.numpy as jnp
import numpy as np

N, E, D, K_RBF, G = 10000, 320000, 128, 50, 9
EDGE_IN = 2 * D + G + K_RBF  # 315
NODE_IN = 2 * D


def setup_inputs(seed: int = 0) -> dict:
    key = jax.random.key(seed)
    ks = jax.random.split(key, 16)
    h = jax.random.normal(ks[0], (N, D), dtype=jnp.float32)
    rbf_edge = jax.random.normal(ks[1], (E, K_RBF), dtype=jnp.float32)
    gram_edge = jax.random.normal(ks[2], (E, G), dtype=jnp.float32)
    edge_index = jax.random.randint(ks[3], (2, E), 0, N, dtype=jnp.int32)
    def lin(k, fan_in, fan_out):
        kw, kb = jax.random.split(k)
        W = jax.random.normal(kw, (fan_in, fan_out), dtype=jnp.float32) / np.sqrt(fan_in)
        b = jax.random.normal(kb, (fan_out,), dtype=jnp.float32) * 0.01
        return W, b
    We1, be1 = lin(ks[4], EDGE_IN, D)
    We2, be2 = lin(ks[5], D, D)
    Wn1, bn1 = lin(ks[6], NODE_IN, D)
    Wn2, bn2 = lin(ks[7], D, D)
    ln_g = jnp.ones((D,), dtype=jnp.float32)
    ln_b = jnp.zeros((D,), dtype=jnp.float32)
    return {
        "h": h, "rbf_edge": rbf_edge, "gram_edge": gram_edge, "edge_index": edge_index,
        "ln_g": ln_g, "ln_b": ln_b,
        "We1": We1, "be1": be1, "We2": We2, "be2": be2,
        "Wn1": Wn1, "bn1": bn1, "Wn2": Wn2, "bn2": bn2,
    }


def reference(h, rbf_edge, gram_edge, edge_index, ln_g, ln_b,
              We1, be1, We2, be2, Wn1, bn1, Wn2, bn2):
    residual = h
    # pre-norm LayerNorm (eps=1e-5, biased variance, like torch)
    mu = jnp.mean(h, axis=-1, keepdims=True)
    var = jnp.var(h, axis=-1, keepdims=True)
    hn = (h - mu) / jnp.sqrt(var + 1e-5) * ln_g + ln_b
    src = edge_index[0]
    dst = edge_index[1]
    # edge message MLP
    edge_in = jnp.concatenate([hn[src], hn[dst], gram_edge, rbf_edge], axis=-1)
    m_ij = jax.nn.silu(edge_in @ We1 + be1)
    m_ij = jax.nn.silu(m_ij @ We2 + be2)
    # scatter-mean over destination nodes
    sums = jax.ops.segment_sum(m_ij, dst, num_segments=h.shape[0])
    cnt = jax.ops.segment_sum(jnp.ones((dst.shape[0], 1), dtype=h.dtype), dst, num_segments=h.shape[0])
    m_i = sums / jnp.maximum(cnt, 1.0)
    # node update MLP
    node_in = jnp.concatenate([hn, m_i], axis=-1)
    h_new = jax.nn.silu(node_in @ Wn1 + bn1)
    h_new = jax.nn.silu(h_new @ Wn2 + bn2)
    return residual + h_new

if __name__ == "__main__":
    import jax
    _d = setup_inputs()
    print(jax.jit(kernel)(*tuple(_d.values())))

</pallas_src>

<mosaic_0001>
#map = affine_map<(d0, d1) -> (0, 0)>
#map1 = affine_map<(d0, d1) -> (0)>
module attributes {stable_mosaic.version = 14 : i64} {
  func.func @_gather_body(%arg0: i32, %arg1: i32, %arg2: memref<10000x128xf32, #tpu.memory_space<hbm>>, %arg3: memref<10000x128xf32, #tpu.memory_space<hbm>>, %arg4: memref<320000xi32, #tpu.memory_space<hbm>>, %arg5: memref<320000xi32, #tpu.memory_space<hbm>>, %arg6: memref<160000x128xi32, #tpu.memory_space<hbm>>, %arg7: memref<5000xi32, #tpu.memory_space<vmem>>, %arg8: memref<5000xi32, #tpu.memory_space<vmem>>, %arg9: memref<5000xi32, #tpu.memory_space<vmem>>, %arg10: memref<5000xi32, #tpu.memory_space<vmem>>, %arg11: memref<40x128xf32, #tpu.memory_space<vmem>>, %arg12: memref<40x128xf32, #tpu.memory_space<vmem>>, %arg13: memref<40x128xf32, #tpu.memory_space<vmem>>, %arg14: memref<40x128xf32, #tpu.memory_space<vmem>>, %arg15: memref<40x128xi32, #tpu.memory_space<vmem>>, %arg16: memref<40x128xf32, #tpu.memory_space<vmem>>, %arg17: memref<40x128xf32, #tpu.memory_space<vmem>>, %arg18: memref<40x128xf32, #tpu.memory_space<vmem>>, %arg19: memref<40x128xf32, #tpu.memory_space<vmem>>, %arg20: memref<40x128xi32, #tpu.memory_space<vmem>>, %arg21: memref<!tpu.dma_semaphore, #tpu.memory_space<semaphore_mem>>, %arg22: memref<!tpu.dma_semaphore, #tpu.memory_space<semaphore_mem>>, %arg23: memref<!tpu.dma_semaphore, #tpu.memory_space<semaphore_mem>>, %arg24: memref<!tpu.dma_semaphore, #tpu.memory_space<semaphore_mem>>, %arg25: memref<!tpu.dma_semaphore, #tpu.memory_space<semaphore_mem>>, %arg26: memref<!tpu.dma_semaphore, #tpu.memory_space<semaphore_mem>>, %arg27: memref<!tpu.dma_semaphore, #tpu.memory_space<semaphore_mem>>, %arg28: memref<!tpu.dma_semaphore, #tpu.memory_space<semaphore_mem>>, %arg29: memref<!tpu.dma_semaphore, #tpu.memory_space<semaphore_mem>>, %arg30: memref<!tpu.dma_semaphore, #tpu.memory_space<semaphore_mem>>) attributes {dimension_semantics = [#tpu.dimension_semantics<core_parallel>, #tpu.dimension_semantics<subcore_parallel>], iteration_bounds = array<i64: 2, 16>, scalar_prefetch = 0 : i64, scratch_operands = 24 : i64, tpu.core_type = #tpu.core_type<sc_vector_subcore>, window_params = [{transform_indices = #map}, {transform_indices = #map}, {transform_indices = #map1}, {transform_indices = #map1}, {transform_indices = #map}]} {
    %mul3A = arith.constant 2 : i32
    %mul3A_0 = arith.muli %arg1, %mul3A : i32
    %add3A = arith.addi %mul3A_0, %arg0 : i32
    %mul3A_1 = arith.constant 5000 : i32
    %mul3A_2 = arith.muli %add3A, %mul3A_1 : i32
    "tpu.region"() ({
      %run_scoped3A = tpu.sem_alloc : memref<!tpu.dma_semaphore, #tpu.memory_space<semaphore_mem>>
      %dma_start3A_69 = tpu.memref_slice %arg4[%mul3A_2] : memref<320000xi32, #tpu.memory_space<hbm>> -> memref<5000xi32, #tpu.memory_space<hbm>>
      %dma_start3A_70 = tpu.memref_slice %arg4[%mul3A_2] : memref<320000xi32, #tpu.memory_space<hbm>> -> memref<5000xi32, #tpu.memory_space<hbm>>
      tpu.enqueue_dma source(%dma_start3A_70 : memref<5000xi32, #tpu.memory_space<hbm>>) target(%arg7 : memref<5000xi32, #tpu.memory_space<vmem>>) target_semaphore(%run_scoped3A : memref<!tpu.dma_semaphore, #tpu.memory_space<semaphore_mem>>)
      %dma_wait3A_71 = tpu.memref_slice %arg4[%mul3A_2] : memref<320000xi32, #tpu.memory_space<hbm>> -> memref<5000xi32, #tpu.memory_space<hbm>>
      %dma_wait3A_72 = tpu.memref_slice %arg4[%mul3A_2] : memref<320000xi32, #tpu.memory_space<hbm>> -> memref<5000xi32, #tpu.memory_space<hbm>>
      tpu.wait_dma2 semaphore(%run_scoped3A : memref<!tpu.dma_semaphore, #tpu.memory_space<semaphore_mem>>) src(%dma_wait3A_72 : memref<5000xi32, #tpu.memory_space<hbm>>) dst(%arg7 : memref<5000xi32, #tpu.memory_space<vmem>>)
      tpu.yield
    }) : () -> ()
    "tpu.region"() ({
      %run_scoped3A = tpu.sem_alloc : memref<!tpu.dma_semaphore, #tpu.memory_space<semaphore_mem>>
      %dma_start3A_69 = tpu.memref_slice %arg5[%mul3A_2] : memref<320000xi32, #tpu.memory_space<hbm>> -> memref<5000xi32, #tpu.memory_space<hbm>>
      %dma_start3A_70 = tpu.memref_slice %arg5[%mul3A_2] : memref<320000xi32, #tpu.memory_space<hbm>> -> memref<5000xi32, #tpu.memory_space<hbm>>
      tpu.enqueue_dma source(%dma_start3A_70 : memref<5000xi32, #tpu.memory_space<hbm>>) target(%arg8 : memref<5000xi32, #tpu.memory_space<vmem>>) target_semaphore(%run_scoped3A : memref<!tpu.dma_semaphore, #tpu.memory_space<semaphore_mem>>)
      %dma_wait3A_71 = tpu.memref_slice %arg5[%mul3A_2] : memref<320000xi32, #tpu.memory_space<hbm>> -> memref<5000xi32, #tpu.memory_space<hbm>>
      %dma_wait3A_72 = tpu.memref_slice %arg5[%mul3A_2] : memref<320000xi32, #tpu.memory_space<hbm>> -> memref<5000xi32, #tpu.memory_space<hbm>>
      tpu.wait_dma2 semaphore(%run_scoped3A : memref<!tpu.dma_semaphore, #tpu.memory_space<semaphore_mem>>) src(%dma_wait3A_72 : memref<5000xi32, #tpu.memory_space<hbm>>) dst(%arg8 : memref<5000xi32, #tpu.memory_space<vmem>>)
      tpu.yield
    }) : () -> ()
    %add3A_3 = arith.constant 160000 : i32
    %add3A_4 = arith.addi %add3A_3, %mul3A_2 : i32
    "tpu.region"() ({
      %run_scoped3A = tpu.sem_alloc : memref<!tpu.dma_semaphore, #tpu.memory_space<semaphore_mem>>
      %dma_start3A_69 = tpu.memref_slice %arg4[%add3A_4] : memref<320000xi32, #tpu.memory_space<hbm>> -> memref<5000xi32, #tpu.memory_space<hbm>>
      %dma_start3A_70 = tpu.memref_slice %arg4[%add3A_4] : memref<320000xi32, #tpu.memory_space<hbm>> -> memref<5000xi32, #tpu.memory_space<hbm>>
      tpu.enqueue_dma source(%dma_start3A_70 : memref<5000xi32, #tpu.memory_space<hbm>>) target(%arg9 : memref<5000xi32, #tpu.memory_space<vmem>>) target_semaphore(%run_scoped3A : memref<!tpu.dma_semaphore, #tpu.memory_space<semaphore_mem>>)
      %dma_wait3A_71 = tpu.memref_slice %arg4[%add3A_4] : memref<320000xi32, #tpu.memory_space<hbm>> -> memref<5000xi32, #tpu.memory_space<hbm>>
      %dma_wait3A_72 = tpu.memref_slice %arg4[%add3A_4] : memref<320000xi32, #tpu.memory_space<hbm>> -> memref<5000xi32, #tpu.memory_space<hbm>>
      tpu.wait_dma2 semaphore(%run_scoped3A : memref<!tpu.dma_semaphore, #tpu.memory_space<semaphore_mem>>) src(%dma_wait3A_72 : memref<5000xi32, #tpu.memory_space<hbm>>) dst(%arg9 : memref<5000xi32, #tpu.memory_space<vmem>>)
      tpu.yield
    }) : () -> ()
    %add3A_5 = arith.constant 160000 : i32
    %add3A_6 = arith.addi %add3A_5, %mul3A_2 : i32
    "tpu.region"() ({
      %run_scoped3A = tpu.sem_alloc : memref<!tpu.dma_semaphore, #tpu.memory_space<semaphore_mem>>
      %dma_start3A_69 = tpu.memref_slice %arg5[%add3A_6] : memref<320000xi32, #tpu.memory_space<hbm>> -> memref<5000xi32, #tpu.memory_space<hbm>>
      %dma_start3A_70 = tpu.memref_slice %arg5[%add3A_6] : memref<320000xi32, #tpu.memory_space<hbm>> -> memref<5000xi32, #tpu.memory_space<hbm>>
      tpu.enqueue_dma source(%dma_start3A_70 : memref<5000xi32, #tpu.memory_space<hbm>>) target(%arg10 : memref<5000xi32, #tpu.memory_space<vmem>>) target_semaphore(%run_scoped3A : memref<!tpu.dma_semaphore, #tpu.memory_space<semaphore_mem>>)
      %dma_wait3A_71 = tpu.memref_slice %arg5[%add3A_6] : memref<320000xi32, #tpu.memory_space<hbm>> -> memref<5000xi32, #tpu.memory_space<hbm>>
      %dma_wait3A_72 = tpu.memref_slice %arg5[%add3A_6] : memref<320000xi32, #tpu.memory_space<hbm>> -> memref<5000xi32, #tpu.memory_space<hbm>>
      tpu.wait_dma2 semaphore(%run_scoped3A : memref<!tpu.dma_semaphore, #tpu.memory_space<semaphore_mem>>) src(%dma_wait3A_72 : memref<5000xi32, #tpu.memory_space<hbm>>) dst(%arg10 : memref<5000xi32, #tpu.memory_space<vmem>>)
      tpu.yield
    }) : () -> ()
    %scan3A = arith.constant 0 : i32
    %scan3A_7 = arith.constant 0 : i32
    %scan3A_8 = arith.constant 62 : i32
    %scan3A_9 = arith.addi %scan3A_7, %scan3A_8 : i32
    %scan3A_10 = arith.constant 1 : i32
    %scan3A_11 = scf.for %scan3A_69 = %scan3A_7 to %scan3A_9 step %scan3A_10 iter_args(%scan3A_70 = %scan3A) -> (i32)  : i32 {
      %mul3A_71 = arith.constant 2 : i32
      %mul3A_72 = arith.muli %scan3A_69, %mul3A_71 : i32
      %add3A_73 = arith.constant 1 : i32
      %add3A_74 = arith.addi %mul3A_72, %add3A_73 : i32
      %mul3A_75 = arith.constant 40 : i32
      %mul3A_76 = arith.muli %mul3A_72, %mul3A_75 : i32
      %dma_start3A_77 = tpu.memref_slice %arg7[%mul3A_76] : memref<5000xi32, #tpu.memory_space<vmem>> -> memref<40xi32, #tpu.memory_space<vmem>>
      %dma_start3A_78 = arith.constant 0 : i32
      %dma_start3A_79 = arith.constant 0 : i32
      %dma_start3A_80 = tpu.memref_slice %arg2[%dma_start3A_78, %dma_start3A_79] : memref<10000x128xf32, #tpu.memory_space<hbm>> -> memref<10000x128xf32, #tpu.memory_space<hbm>>
      tpu.enqueue_indirect_dma source(%dma_start3A_80 : memref<10000x128xf32, #tpu.memory_space<hbm>>) target(%arg11 : memref<40x128xf32, #tpu.memory_space<vmem>>) offsets(%dma_start3A_77 : memref<40xi32, #tpu.memory_space<vmem>>) semaphore(%arg21 : memref<!tpu.dma_semaphore, #tpu.memory_space<semaphore_mem>>)
      %dma_start3A_81 = tpu.memref_slice %arg8[%mul3A_76] : memref<5000xi32, #tpu.memory_space<vmem>> -> memref<40xi32, #tpu.memory_space<vmem>>
      %dma_start3A_82 = arith.constant 0 : i32
      %dma_start3A_83 = arith.constant 0 : i32
      %dma_start3A_84 = tpu.memref_slice %arg3[%dma_start3A_82, %dma_start3A_83] : memref<10000x128xf32, #tpu.memory_space<hbm>> -> memref<10000x128xf32, #tpu.memory_space<hbm>>
      tpu.enqueue_indirect_dma source(%dma_start3A_84 : memref<10000x128xf32, #tpu.memory_space<hbm>>) target(%arg12 : memref<40x128xf32, #tpu.memory_space<vmem>>) offsets(%dma_start3A_81 : memref<40xi32, #tpu.memory_space<vmem>>) semaphore(%arg22 : memref<!tpu.dma_semaphore, #tpu.memory_space<semaphore_mem>>)
      %dma_start3A_85 = tpu.memref_slice %arg9[%mul3A_76] : memref<5000xi32, #tpu.memory_space<vmem>> -> memref<40xi32, #tpu.memory_space<vmem>>
      %dma_start3A_86 = arith.constant 0 : i32
      %dma_start3A_87 = arith.constant 0 : i32
      %dma_start3A_88 = tpu.memref_slice %arg2[%dma_start3A_86, %dma_start3A_87] : memref<10000x128xf32, #tpu.memory_space<hbm>> -> memref<10000x128xf32, #tpu.memory_space<hbm>>
      tpu.enqueue_indirect_dma source(%dma_start3A_88 : memref<10000x128xf32, #tpu.memory_space<hbm>>) target(%arg13 : memref<40x128xf32, #tpu.memory_space<vmem>>) offsets(%dma_start3A_85 : memref<40xi32, #tpu.memory_space<vmem>>) semaphore(%arg23 : memref<!tpu.dma_semaphore, #tpu.memory_space<semaphore_mem>>)
      %dma_start3A_89 = tpu.memref_slice %arg10[%mul3A_76] : memref<5000xi32, #tpu.memory_space<vmem>> -> memref<40xi32, #tpu.memory_space<vmem>>
      %dma_start3A_90 = arith.constant 0 : i32
      %dma_start3A_91 = arith.constant 0 : i32
      %dma_start3A_92 = tpu.memref_slice %arg3[%dma_start3A_90, %dma_start3A_91] : memref<10000x128xf32, #tpu.memory_space<hbm>> -> memref<10000x128xf32, #tpu.memory_space<hbm>>
      tpu.enqueue_indirect_dma source(%dma_start3A_92 : memref<10000x128xf32, #tpu.memory_space<hbm>>) target(%arg14 : memref<40x128xf32, #tpu.memory_space<vmem>>) offsets(%dma_start3A_89 : memref<40xi32, #tpu.memory_space<vmem>>) semaphore(%arg24 : memref<!tpu.dma_semaphore, #tpu.memory_space<semaphore_mem>>)
      %mul3A_93 = arith.constant 40 : i32
      %mul3A_94 = arith.muli %add3A_74, %mul3A_93 : i32
      %dma_start3A_95 = tpu.memref_slice %arg7[%mul3A_94] : memref<5000xi32, #tpu.memory_space<vmem>> -> memref<40xi32, #tpu.memory_space<vmem>>
      %dma_start3A_96 = arith.constant 0 : i32
      %dma_start3A_97 = arith.constant 0 : i32
      %dma_start3A_98 = tpu.memref_slice %arg2[%dma_start3A_96, %dma_start3A_97] : memref<10000x128xf32, #tpu.memory_space<hbm>> -> memref<10000x128xf32, #tpu.memory_space<hbm>>
      tpu.enqueue_indirect_dma source(%dma_start3A_98 : memref<10000x128xf32, #tpu.memory_space<hbm>>) target(%arg16 : memref<40x128xf32, #tpu.memory_space<vmem>>) offsets(%dma_start3A_95 : memref<40xi32, #tpu.memory_space<vmem>>) semaphore(%arg25 : memref<!tpu.dma_semaphore, #tpu.memory_space<semaphore_mem>>)
      %dma_start3A_99 = tpu.memref_slice %arg8[%mul3A_94] : memref<5000xi32, #tpu.memory_space<vmem>> -> memref<40xi32, #tpu.memory_space<vmem>>
      %dma_start3A_100 = arith.constant 0 : i32
      %dma_start3A_101 = arith.constant 0 : i32
      %dma_start3A_102 = tpu.memref_slice %arg3[%dma_start3A_100, %dma_start3A_101] : memref<10000x128xf32, #tpu.memory_space<hbm>> -> memref<10000x128xf32, #tpu.memory_space<hbm>>
      tpu.enqueue_indirect_dma source(%dma_start3A_102 : memref<10000x128xf32, #tpu.memory_space<hbm>>) target(%arg17 : memref<40x128xf32, #tpu.memory_space<vmem>>) offsets(%dma_start3A_99 : memref<40xi32, #tpu.memory_space<vmem>>) semaphore(%arg26 : memref<!tpu.dma_semaphore, #tpu.memory_space<semaphore_mem>>)
      %dma_start3A_103 = tpu.memref_slice %arg9[%mul3A_94] : memref<5000xi32, #tpu.memory_space<vmem>> -> memref<40xi32, #tpu.memory_space<vmem>>
      %dma_start3A_104 = arith.constant 0 : i32
      %dma_start3A_105 = arith.constant 0 : i32
      %dma_start3A_106 = tpu.memref_slice %arg2[%dma_start3A_104, %dma_start3A_105] : memref<10000x128xf32, #tpu.memory_space<hbm>> -> memref<10000x128xf32, #tpu.memory_space<hbm>>
      tpu.enqueue_indirect_dma source(%dma_start3A_106 : memref<10000x128xf32, #tpu.memory_space<hbm>>) target(%arg18 : memref<40x128xf32, #tpu.memory_space<vmem>>) offsets(%dma_start3A_103 : memref<40xi32, #tpu.memory_space<vmem>>) semaphore(%arg27 : memref<!tpu.dma_semaphore, #tpu.memory_space<semaphore_mem>>)
      %dma_start3A_107 = tpu.memref_slice %arg10[%mul3A_94] : memref<5000xi32, #tpu.memory_space<vmem>> -> memref<40xi32, #tpu.memory_space<vmem>>
      %dma_start3A_108 = arith.constant 0 : i32
      %dma_start3A_109 = arith.constant 0 : i32
      %dma_start3A_110 = tpu.memref_slice %arg3[%dma_start3A_108, %dma_start3A_109] : memref<10000x128xf32, #tpu.memory_space<hbm>> -> memref<10000x128xf32, #tpu.memory_space<hbm>>
      tpu.enqueue_indirect_dma source(%dma_start3A_110 : memref<10000x128xf32, #tpu.memory_space<hbm>>) target(%arg19 : memref<40x128xf32, #tpu.memory_space<vmem>>) offsets(%dma_start3A_107 : memref<40xi32, #tpu.memory_space<vmem>>) semaphore(%arg28 : memref<!tpu.dma_semaphore, #tpu.memory_space<semaphore_mem>>)
      %dma_wait3A_111 = tpu.memref_slice %arg7[%mul3A_76] : memref<5000xi32, #tpu.memory_space<vmem>> -> memref<40xi32, #tpu.memory_space<vmem>>
      %dma_wait3A_112 = arith.constant 0 : i32
      %dma_wait3A_113 = arith.constant 0 : i32
      %dma_wait3A_114 = tpu.memref_slice %arg2[%dma_wait3A_112, %dma_wait3A_113] : memref<10000x128xf32, #tpu.memory_space<hbm>> -> memref<10000x128xf32, #tpu.memory_space<hbm>>
      tpu.wait_indirect_dma semaphore(%arg21 : memref<!tpu.dma_semaphore, #tpu.memory_space<semaphore_mem>>) src(%dma_wait3A_114 : memref<10000x128xf32, #tpu.memory_space<hbm>>) dst(%arg11 : memref<40x128xf32, #tpu.memory_space<vmem>>)
      %dma_wait3A_115 = tpu.memref_slice %arg8[%mul3A_76] : memref<5000xi32, #tpu.memory_space<vmem>> -> memref<40xi32, #tpu.memory_space<vmem>>
      %dma_wait3A_116 = arith.constant 0 : i32
      %dma_wait3A_117 = arith.constant 0 : i32
      %dma_wait3A_118 = tpu.memref_slice %arg3[%dma_wait3A_116, %dma_wait3A_117] : memref<10000x128xf32, #tpu.memory_space<hbm>> -> memref<10000x128xf32, #tpu.memory_space<hbm>>
      tpu.wait_indirect_dma semaphore(%arg22 : memref<!tpu.dma_semaphore, #tpu.memory_space<semaphore_mem>>) src(%dma_wait3A_118 : memref<10000x128xf32, #tpu.memory_space<hbm>>) dst(%arg12 : memref<40x128xf32, #tpu.memory_space<vmem>>)
      %dma_wait3A_119 = tpu.memref_slice %arg9[%mul3A_76] : memref<5000xi32, #tpu.memory_space<vmem>> -> memref<40xi32, #tpu.memory_space<vmem>>
      %dma_wait3A_120 = arith.constant 0 : i32
      %dma_wait3A_121 = arith.constant 0 : i32
      %dma_wait3A_122 = tpu.memref_slice %arg2[%dma_wait3A_120, %dma_wait3A_121] : memref<10000x128xf32, #tpu.memory_space<hbm>> -> memref<10000x128xf32, #tpu.memory_space<hbm>>
      tpu.wait_indirect_dma semaphore(%arg23 : memref<!tpu.dma_semaphore, #tpu.memory_space<semaphore_mem>>) src(%dma_wait3A_122 : memref<10000x128xf32, #tpu.memory_space<hbm>>) dst(%arg13 : memref<40x128xf32, #tpu.memory_space<vmem>>)
      %dma_wait3A_123 = tpu.memref_slice %arg10[%mul3A_76] : memref<5000xi32, #tpu.memory_space<vmem>> -> memref<40xi32, #tpu.memory_space<vmem>>
      %dma_wait3A_124 = arith.constant 0 : i32
      %dma_wait3A_125 = arith.constant 0 : i32
      %dma_wait3A_126 = tpu.memref_slice %arg3[%dma_wait3A_124, %dma_wait3A_125] : memref<10000x128xf32, #tpu.memory_space<hbm>> -> memref<10000x128xf32, #tpu.memory_space<hbm>>
      tpu.wait_indirect_dma semaphore(%arg24 : memref<!tpu.dma_semaphore, #tpu.memory_space<semaphore_mem>>) src(%dma_wait3A_126 : memref<10000x128xf32, #tpu.memory_space<hbm>>) dst(%arg14 : memref<40x128xf32, #tpu.memory_space<vmem>>)
      %scan3A_127 = arith.constant -65536 : i32
      %scan3A_128 = arith.constant 0 : i32
      %scan3A_129 = arith.constant 0 : i32
      %scan3A_130 = arith.constant 40 : i32
      %scan3A_131 = arith.addi %scan3A_129, %scan3A_130 : i32
      %scan3A_132 = arith.constant 1 : i32
      %scan3A_133 = scf.for %scan3A_182 = %scan3A_129 to %scan3A_131 step %scan3A_132 iter_args(%scan3A_183 = %scan3A_128) -> (i32)  : i32 {
        %get3A = arith.index_cast %scan3A_182 : i32 to index
        %get3A_184 = arith.constant 0 : index
        %get3A_185 = tpu.vector_load %arg11[%get3A, %get3A_184] {strides = array<i32>} : memref<40x128xf32, #tpu.memory_space<vmem>>, vector<1x16xf32>,
        %get3A_186 = vector.shape_cast %get3A_185 : vector<1x16xf32> to vector<16xf32>
        %get3A_187 = arith.index_cast %scan3A_182 : i32 to index
        %get3A_188 = arith.constant 0 : index
        %get3A_189 = tpu.vector_load %arg12[%get3A_187, %get3A_188] {strides = array<i32>} : memref<40x128xf32, #tpu.memory_space<vmem>>, vector<1x16xf32>,
        %get3A_190 = vector.shape_cast %get3A_189 : vector<1x16xf32> to vector<16xf32>
        %add3A_191 = arith.addf %get3A_186, %get3A_190 : vector<16xf32>
        %get3A_192 = arith.index_cast %scan3A_182 : i32 to index
        %get3A_193 = arith.constant 64 : index
        %get3A_194 = tpu.vector_load %arg11[%get3A_192, %get3A_193] {strides = array<i32>} : memref<40x128xf32, #tpu.memory_space<vmem>>, vector<1x16xf32>,
        %get3A_195 = vector.shape_cast %get3A_194 : vector<1x16xf32> to vector<16xf32>
        %get3A_196 = arith.index_cast %scan3A_182 : i32 to index
        %get3A_197 = arith.constant 64 : index
        %get3A_198 = tpu.vector_load %arg12[%get3A_196, %get3A_197] {strides = array<i32>} : memref<40x128xf32, #tpu.memory_space<vmem>>, vector<1x16xf32>,
        %get3A_199 = vector.shape_cast %get3A_198 : vector<1x16xf32> to vector<16xf32>
        %add3A_200 = arith.addf %get3A_195, %get3A_199 : vector<16xf32>
        %bitcast_convert_type3A = tpu.bitcast %add3A_191 : vector<16xf32> -> vector<16xi32>
        %add3A_201 = arith.constant 32768 : i32
        %add3A_202 = vector.broadcast %add3A_201 : i32 to vector<16xi32>
        %add3A_203 = arith.addi %bitcast_convert_type3A, %add3A_202 : vector<16xi32>
        %shift_right_logical3A = arith.constant 16 : i32
        %shift_right_logical3A_204 = vector.broadcast %shift_right_logical3A : i32 to vector<16xi32>
        %shift_right_logical3A_205 = arith.shrui %add3A_203, %shift_right_logical3A_204 : vector<16xi32>
        %bitcast_convert_type3A_206 = tpu.bitcast %add3A_200 : vector<16xf32> -> vector<16xi32>
        %add3A_207 = arith.constant 32768 : i32
        %add3A_208 = vector.broadcast %add3A_207 : i32 to vector<16xi32>
        %add3A_209 = arith.addi %bitcast_convert_type3A_206, %add3A_208 : vector<16xi32>
        %and3A = vector.broadcast %scan3A_127 : i32 to vector<16xi32>
        %and3A_210 = arith.andi %add3A_209, %and3A : vector<16xi32>
        %or3A = arith.ori %and3A_210, %shift_right_logical3A_205 : vector<16xi32>
        %swap3A = arith.index_cast %scan3A_182 : i32 to index
        %swap3A_211 = arith.constant 0 : index
        %swap3A_212 = tpu.vector_load %arg15[%swap3A, %swap3A_211] {strides = array<i32>} : memref<40x128xi32, #tpu.memory_space<vmem>>, vector<1x16xi32>,
        %swap3A_213 = vector.shape_cast %swap3A_212 : vector<1x16xi32> to vector<16xi32>
        %swap3A_214 = vector.shape_cast %or3A : vector<16xi32> to vector<1x16xi32>
        tpu.vector_store %arg15[%swap3A, %swap3A_211], %swap3A_214 {strides = array<i32>} : memref<40x128xi32, #tpu.memory_space<vmem>>, vector<1x16xi32>,
        %get3A_215 = arith.index_cast %scan3A_182 : i32 to index
        %get3A_216 = arith.constant 0 : index
        %get3A_217 = tpu.vector_load %arg13[%get3A_215, %get3A_216] {strides = array<i32>} : memref<40x128xf32, #tpu.memory_space<vmem>>, vector<1x16xf32>,
        %get3A_218 = vector.shape_cast %get3A_217 : vector<1x16xf32> to vector<16xf32>
        %get3A_219 = arith.index_cast %scan3A_182 : i32 to index
        %get3A_220 = arith.constant 0 : index
        %get3A_221 = tpu.vector_load %arg14[%get3A_219, %get3A_220] {strides = array<i32>} : memref<40x128xf32, #tpu.memory_space<vmem>>, vector<1x16xf32>,
        %get3A_222 = vector.shape_cast %get3A_221 : vector<1x16xf32> to vector<16xf32>
        %add3A_223 = arith.addf %get3A_218, %get3A_222 : vector<16xf32>
        %get3A_224 = arith.index_cast %scan3A_182 : i32 to index
        %get3A_225 = arith.constant 64 : index
        %get3A_226 = tpu.vector_load %arg13[%get3A_224, %get3A_225] {strides = array<i32>} : memref<40x128xf32, #tpu.memory_space<vmem>>, vector<1x16xf32>,
        %get3A_227 = vector.shape_cast %get3A_226 : vector<1x16xf32> to vector<16xf32>
        %get3A_228 = arith.index_cast %scan3A_182 : i32 to index
        %get3A_229 = arith.constant 64 : index
        %get3A_230 = tpu.vector_load %arg14[%get3A_228, %get3A_229] {strides = array<i32>} : memref<40x128xf32, #tpu.memory_space<vmem>>, vector<1x16xf32>,
        %get3A_231 = vector.shape_cast %get3A_230 : vector<1x16xf32> to vector<16xf32>
        %add3A_232 = arith.addf %get3A_227, %get3A_231 : vector<16xf32>
        %bitcast_convert_type3A_233 = tpu.bitcast %add3A_223 : vector<16xf32> -> vector<16xi32>
        %add3A_234 = arith.constant 32768 : i32
        %add3A_235 = vector.broadcast %add3A_234 : i32 to vector<16xi32>
        %add3A_236 = arith.addi %bitcast_convert_type3A_233, %add3A_235 : vector<16xi32>
        %shift_right_logical3A_237 = arith.constant 16 : i32
        %shift_right_logical3A_238 = vector.broadcast %shift_right_logical3A_237 : i32 to vector<16xi32>
        %shift_right_logical3A_239 = arith.shrui %add3A_236, %shift_right_logical3A_238 : vector<16xi32>
        %bitcast_convert_type3A_240 = tpu.bitcast %add3A_232 : vector<16xf32> -> vector<16xi32>
        %add3A_241 = arith.constant 32768 : i32
        %add3A_242 = vector.broadcast %add3A_241 : i32 to vector<16xi32>
        %add3A_243 = arith.addi %bitcast_convert_type3A_240, %add3A_242 : vector<16xi32>
        %and3A_244 = vector.broadcast %scan3A_127 : i32 to vector<16xi32>
        %and3A_245 = arith.andi %add3A_243, %and3A_244 : vector<16xi32>
        %or3A_246 = arith.ori %and3A_245, %shift_right_logical3A_239 : vector<16xi32>
        %swap3A_247 = arith.index_cast %scan3A_182 : i32 to index
        %swap3A_248 = arith.constant 64 : index
        %swap3A_249 = tpu.vector_load %arg15[%swap3A_247, %swap3A_248] {strides = array<i32>} : memref<40x128xi32, #tpu.memory_space<vmem>>, vector<1x16xi32>,
        %swap3A_250 = vector.shape_cast %swap3A_249 : vector<1x16xi32> to vector<16xi32>
        %swap3A_251 = vector.shape_cast %or3A_246 : vector<16xi32> to vector<1x16xi32>
        tpu.vector_store %arg15[%swap3A_247, %swap3A_248], %swap3A_251 {strides = array<i32>} : memref<40x128xi32, #tpu.memory_space<vmem>>, vector<1x16xi32>,
        %get3A_252 = arith.index_cast %scan3A_182 : i32 to index
        %get3A_253 = arith.constant 16 : index
        %get3A_254 = tpu.vector_load %arg11[%get3A_252, %get3A_253] {strides = array<i32>} : memref<40x128xf32, #tpu.memory_space<vmem>>, vector<1x16xf32>,
        %get3A_255 = vector.shape_cast %get3A_254 : vector<1x16xf32> to vector<16xf32>
        %get3A_256 = arith.index_cast %scan3A_182 : i32 to index
        %get3A_257 = arith.constant 16 : index
        %get3A_258 = tpu.vector_load %arg12[%get3A_256, %get3A_257] {strides = array<i32>} : memref<40x128xf32, #tpu.memory_space<vmem>>, vector<1x16xf32>,
        %get3A_259 = vector.shape_cast %get3A_258 : vector<1x16xf32> to vector<16xf32>
        %add3A_260 = arith.addf %get3A_255, %get3A_259 : vector<16xf32>
        %get3A_261 = arith.index_cast %scan3A_182 : i32 to index
        %get3A_262 = arith.constant 80 : index
        %get3A_263 = tpu.vector_load %arg11[%get3A_261, %get3A_262] {strides = array<i32>} : memref<40x128xf32, #tpu.memory_space<vmem>>, vector<1x16xf32>,
        %get3A_264 = vector.shape_cast %get3A_263 : vector<1x16xf32> to vector<16xf32>
        %get3A_265 = arith.index_cast %scan3A_182 : i32 to index
        %get3A_266 = arith.constant 80 : index
        %get3A_267 = tpu.vector_load %arg12[%get3A_265, %get3A_266] {strides = array<i32>} : memref<40x128xf32, #tpu.memory_space<vmem>>, vector<1x16xf32>,
        %get3A_268 = vector.shape_cast %get3A_267 : vector<1x16xf32> to vector<16xf32>
        %add3A_269 = arith.addf %get3A_264, %get3A_268 : vector<16xf32>
        %bitcast_convert_type3A_270 = tpu.bitcast %add3A_260 : vector<16xf32> -> vector<16xi32>
        %add3A_271 = arith.constant 32768 : i32
        %add3A_272 = vector.broadcast %add3A_271 : i32 to vector<16xi32>
        %add3A_273 = arith.addi %bitcast_convert_type3A_270, %add3A_272 : vector<16xi32>
        %shift_right_logical3A_274 = arith.constant 16 : i32
        %shift_right_logical3A_275 = vector.broadcast %shift_right_logical3A_274 : i32 to vector<16xi32>
        %shift_right_logical3A_276 = arith.shrui %add3A_273, %shift_right_logical3A_275 : vector<16xi32>
        %bitcast_convert_type3A_277 = tpu.bitcast %add3A_269 : vector<16xf32> -> vector<16xi32>
        %add3A_278 = arith.constant 32768 : i32
        %add3A_279 = vector.broadcast %add3A_278 : i32 to vector<16xi32>
        %add3A_280 = arith.addi %bitcast_convert_type3A_277, %add3A_279 : vector<16xi32>
        %and3A_281 = vector.broadcast %scan3A_127 : i32 to vector<16xi32>
        %and3A_282 = arith.andi %add3A_280, %and3A_281 : vector<16xi32>
        %or3A_283 = arith.ori %and3A_282, %shift_right_logical3A_276 : vector<16xi32>
        %swap3A_284 = arith.index_cast %scan3A_182 : i32 to index
        %swap3A_285 = arith.constant 16 : index
        %swap3A_286 = tpu.vector_load %arg15[%swap3A_284, %swap3A_285] {strides = array<i32>} : memref<40x128xi32, #tpu.memory_space<vmem>>, vector<1x16xi32>,
        %swap3A_287 = vector.shape_cast %swap3A_286 : vector<1x16xi32> to vector<16xi32>
        %swap3A_288 = vector.shape_cast %or3A_283 : vector<16xi32> to vector<1x16xi32>
        tpu.vector_store %arg15[%swap3A_284, %swap3A_285], %swap3A_288 {strides = array<i32>} : memref<40x128xi32, #tpu.memory_space<vmem>>, vector<1x16xi32>,
        %get3A_289 = arith.index_cast %scan3A_182 : i32 to index
        %get3A_290 = arith.constant 16 : index
        %get3A_291 = tpu.vector_load %arg13[%get3A_289, %get3A_290] {strides = array<i32>} : memref<40x128xf32, #tpu.memory_space<vmem>>, vector<1x16xf32>,
        %get3A_292 = vector.shape_cast %get3A_291 : vector<1x16xf32> to vector<16xf32>
        %get3A_293 = arith.index_cast %scan3A_182 : i32 to index
        %get3A_294 = arith.constant 16 : index
        %get3A_295 = tpu.vector_load %arg14[%get3A_293, %get3A_294] {strides = array<i32>} : memref<40x128xf32, #tpu.memory_space<vmem>>, vector<1x16xf32>,
        %get3A_296 = vector.shape_cast %get3A_295 : vector<1x16xf32> to vector<16xf32>
        %add3A_297 = arith.addf %get3A_292, %get3A_296 : vector<16xf32>
        %get3A_298 = arith.index_cast %scan3A_182 : i32 to index
        %get3A_299 = arith.constant 80 : index
        %get3A_300 = tpu.vector_load %arg13[%get3A_298, %get3A_299] {strides = array<i32>} : memref<40x128xf32, #tpu.memory_space<vmem>>, vector<1x16xf32>,
        %get3A_301 = vector.shape_cast %get3A_300 : vector<1x16xf32> to vector<16xf32>
        %get3A_302 = arith.index_cast %scan3A_182 : i32 to index
        %get3A_303 = arith.constant 80 : index
        %get3A_304 = tpu.vector_load %arg14[%get3A_302, %get3A_303] {strides = array<i32>} : memref<40x128xf32, #tpu.memory_space<vmem>>, vector<1x16xf32>,
        %get3A_305 = vector.shape_cast %get3A_304 : vector<1x16xf32> to vector<16xf32>
        %add3A_306 = arith.addf %get3A_301, %get3A_305 : vector<16xf32>
        %bitcast_convert_type3A_307 = tpu.bitcast %add3A_297 : vector<16xf32> -> vector<16xi32>
        %add3A_308 = arith.constant 32768 : i32
        %add3A_309 = vector.broadcast %add3A_308 : i32 to vector<16xi32>
        %add3A_310 = arith.addi %bitcast_convert_type3A_307, %add3A_309 : vector<16xi32>
        %shift_right_logical3A_311 = arith.constant 16 : i32
        %shift_right_logical3A_312 = vector.broadcast %shift_right_logical3A_311 : i32 to vector<16xi32>
        %shift_right_logical3A_313 = arith.shrui %add3A_310, %shift_right_logical3A_312 : vector<16xi32>
        %bitcast_convert_type3A_314 = tpu.bitcast %add3A_306 : vector<16xf32> -> vector<16xi32>
        %add3A_315 = arith.constant 32768 : i32
        %add3A_316 = vector.broadcast %add3A_315 : i32 to vector<16xi32>
        %add3A_317 = arith.addi %bitcast_convert_type3A_314, %add3A_316 : vector<16xi32>
        %and3A_318 = vector.broadcast %scan3A_127 : i32 to vector<16xi32>
        %and3A_319 = arith.andi %add3A_317, %and3A_318 : vector<16xi32>
        %or3A_320 = arith.ori %and3A_319, %shift_right_logical3A_313 : vector<16xi32>
        %swap3A_321 = arith.index_cast %scan3A_182 : i32 to index
        %swap3A_322 = arith.constant 80 : index
        %swap3A_323 = tpu.vector_load %arg15[%swap3A_321, %swap3A_322] {strides = array<i32>} : memref<40x128xi32, #tpu.memory_space<vmem>>, vector<1x16xi32>,
        %swap3A_324 = vector.shape_cast %swap3A_323 : vector<1x16xi32> to vector<16xi32>
        %swap3A_325 = vector.shape_cast %or3A_320 : vector<16xi32> to vector<1x16xi32>
        tpu.vector_store %arg15[%swap3A_321, %swap3A_322], %swap3A_325 {strides = array<i32>} : memref<40x128xi32, #tpu.memory_space<vmem>>, vector<1x16xi32>,
        %get3A_326 = arith.index_cast %scan3A_182 : i32 to index
        %get3A_327 = arith.constant 32 : index
        %get3A_328 = tpu.vector_load %arg11[%get3A_326, %get3A_327] {strides = array<i32>} : memref<40x128xf32, #tpu.memory_space<vmem>>, vector<1x16xf32>,
        %get3A_329 = vector.shape_cast %get3A_328 : vector<1x16xf32> to vector<16xf32>
        %get3A_330 = arith.index_cast %scan3A_182 : i32 to index
        %get3A_331 = arith.constant 32 : index
        %get3A_332 = tpu.vector_load %arg12[%get3A_330, %get3A_331] {strides = array<i32>} : memref<40x128xf32, #tpu.memory_space<vmem>>, vector<1x16xf32>,
        %get3A_333 = vector.shape_cast %get3A_332 : vector<1x16xf32> to vector<16xf32>
        %add3A_334 = arith.addf %get3A_329, %get3A_333 : vector<16xf32>
        %get3A_335 = arith.index_cast %scan3A_182 : i32 to index
        %get3A_336 = arith.constant 96 : index
        %get3A_337 = tpu.vector_load %arg11[%get3A_335, %get3A_336] {strides = array<i32>} : memref<40x128xf32, #tpu.memory_space<vmem>>, vector<1x16xf32>,
        %get3A_338 = vector.shape_cast %get3A_337 : vector<1x16xf32> to vector<16xf32>
        %get3A_339 = arith.index_cast %scan3A_182 : i32 to index
        %get3A_340 = arith.constant 96 : index
        %get3A_341 = tpu.vector_load %arg12[%get3A_339, %get3A_340] {strides = array<i32>} : memref<40x128xf32, #tpu.memory_space<vmem>>, vector<1x16xf32>,
        %get3A_342 = vector.shape_cast %get3A_341 : vector<1x16xf32> to vector<16xf32>
        %add3A_343 = arith.addf %get3A_338, %get3A_342 : vector<16xf32>
        %bitcast_convert_type3A_344 = tpu.bitcast %add3A_334 : vector<16xf32> -> vector<16xi32>
        %add3A_345 = arith.constant 32768 : i32
        %add3A_346 = vector.broadcast %add3A_345 : i32 to vector<16xi32>
        %add3A_347 = arith.addi %bitcast_convert_type3A_344, %add3A_346 : vector<16xi32>
        %shift_right_logical3A_348 = arith.constant 16 : i32
        %shift_right_logical3A_349 = vector.broadcast %shift_right_logical3A_348 : i32 to vector<16xi32>
        %shift_right_logical3A_350 = arith.shrui %add3A_347, %shift_right_logical3A_349 : vector<16xi32>
        %bitcast_convert_type3A_351 = tpu.bitcast %add3A_343 : vector<16xf32> -> vector<16xi32>
        %add3A_352 = arith.constant 32768 : i32
        %add3A_353 = vector.broadcast %add3A_352 : i32 to vector<16xi32>
        %add3A_354 = arith.addi %bitcast_convert_type3A_351, %add3A_353 : vector<16xi32>
        %and3A_355 = vector.broadcast %scan3A_127 : i32 to vector<16xi32>
        %and3A_356 = arith.andi %add3A_354, %and3A_355 : vector<16xi32>
        %or3A_357 = arith.ori %and3A_356, %shift_right_logical3A_350 : vector<16xi32>
        %swap3A_358 = arith.index_cast %scan3A_182 : i32 to index
        %swap3A_359 = arith.constant 32 : index
        %swap3A_360 = tpu.vector_load %arg15[%swap3A_358, %swap3A_359] {strides = array<i32>} : memref<40x128xi32, #tpu.memory_space<vmem>>, vector<1x16xi32>,
        %swap3A_361 = vector.shape_cast %swap3A_360 : vector<1x16xi32> to vector<16xi32>
        %swap3A_362 = vector.shape_cast %or3A_357 : vector<16xi32> to vector<1x16xi32>
        tpu.vector_store %arg15[%swap3A_358, %swap3A_359], %swap3A_362 {strides = array<i32>} : memref<40x128xi32, #tpu.memory_space<vmem>>, vector<1x16xi32>,
        %get3A_363 = arith.index_cast %scan3A_182 : i32 to index
        %get3A_364 = arith.constant 32 : index
        %get3A_365 = tpu.vector_load %arg13[%get3A_363, %get3A_364] {strides = array<i32>} : memref<40x128xf32, #tpu.memory_space<vmem>>, vector<1x16xf32>,
        %get3A_366 = vector.shape_cast %get3A_365 : vector<1x16xf32> to vector<16xf32>
        %get3A_367 = arith.index_cast %scan3A_182 : i32 to index
        %get3A_368 = arith.constant 32 : index
        %get3A_369 = tpu.vector_load %arg14[%get3A_367, %get3A_368] {strides = array<i32>} : memref<40x128xf32, #tpu.memory_space<vmem>>, vector<1x16xf32>,
        %get3A_370 = vector.shape_cast %get3A_369 : vector<1x16xf32> to vector<16xf32>
        %add3A_371 = arith.addf %get3A_366, %get3A_370 : vector<16xf32>
        %get3A_372 = arith.index_cast %scan3A_182 : i32 to index
        %get3A_373 = arith.constant 96 : index
        %get3A_374 = tpu.vector_load %arg13[%get3A_372, %get3A_373] {strides = array<i32>} : memref<40x128xf32, #tpu.memory_space<vmem>>, vector<1x16xf32>,
        %get3A_375 = vector.shape_cast %get3A_374 : vector<1x16xf32> to vector<16xf32>
        %get3A_376 = arith.index_cast %scan3A_182 : i32 to index
        %get3A_377 = arith.constant 96 : index
        %get3A_378 = tpu.vector_load %arg14[%get3A_376, %get3A_377] {strides = array<i32>} : memref<40x128xf32, #tpu.memory_space<vmem>>, vector<1x16xf32>,
        %get3A_379 = vector.shape_cast %get3A_378 : vector<1x16xf32> to vector<16xf32>
        %add3A_380 = arith.addf %get3A_375, %get3A_379 : vector<16xf32>
        %bitcast_convert_type3A_381 = tpu.bitcast %add3A_371 : vector<16xf32> -> vector<16xi32>
        %add3A_382 = arith.constant 32768 : i32
        %add3A_383 = vector.broadcast %add3A_382 : i32 to vector<16xi32>
        %add3A_384 = arith.addi %bitcast_convert_type3A_381, %add3A_383 : vector<16xi32>
        %shift_right_logical3A_385 = arith.constant 16 : i32
        %shift_right_logical3A_386 = vector.broadcast %shift_right_logical3A_385 : i32 to vector<16xi32>
        %shift_right_logical3A_387 = arith.shrui %add3A_384, %shift_right_logical3A_386 : vector<16xi32>
        %bitcast_convert_type3A_388 = tpu.bitcast %add3A_380 : vector<16xf32> -> vector<16xi32>
        %add3A_389 = arith.constant 32768 : i32
        %add3A_390 = vector.broadcast %add3A_389 : i32 to vector<16xi32>
        %add3A_391 = arith.addi %bitcast_convert_type3A_388, %add3A_390 : vector<16xi32>
        %and3A_392 = vector.broadcast %scan3A_127 : i32 to vector<16xi32>
        %and3A_393 = arith.andi %add3A_391, %and3A_392 : vector<16xi32>
        %or3A_394 = arith.ori %and3A_393, %shift_right_logical3A_387 : vector<16xi32>
        %swap3A_395 = arith.index_cast %scan3A_182 : i32 to index
        %swap3A_396 = arith.constant 96 : index
        %swap3A_397 = tpu.vector_load %arg15[%swap3A_395, %swap3A_396] {strides = array<i32>} : memref<40x128xi32, #tpu.memory_space<vmem>>, vector<1x16xi32>,
        %swap3A_398 = vector.shape_cast %swap3A_397 : vector<1x16xi32> to vector<16xi32>
        %swap3A_399 = vector.shape_cast %or3A_394 : vector<16xi32> to vector<1x16xi32>
        tpu.vector_store %arg15[%swap3A_395, %swap3A_396], %swap3A_399 {strides = array<i32>} : memref<40x128xi32, #tpu.memory_space<vmem>>, vector<1x16xi32>,
        %get3A_400 = arith.index_cast %scan3A_182 : i32 to index
        %get3A_401 = arith.constant 48 : index
        %get3A_402 = tpu.vector_load %arg11[%get3A_400, %get3A_401] {strides = array<i32>} : memref<40x128xf32, #tpu.memory_space<vmem>>, vector<1x16xf32>,
        %get3A_403 = vector.shape_cast %get3A_402 : vector<1x16xf32> to vector<16xf32>
        %get3A_404 = arith.index_cast %scan3A_182 : i32 to index
        %get3A_405 = arith.constant 48 : index
        %get3A_406 = tpu.vector_load %arg12[%get3A_404, %get3A_405] {strides = array<i32>} : memref<40x128xf32, #tpu.memory_space<vmem>>, vector<1x16xf32>,
        %get3A_407 = vector.shape_cast %get3A_406 : vector<1x16xf32> to vector<16xf32>
        %add3A_408 = arith.addf %get3A_403, %get3A_407 : vector<16xf32>
        %get3A_409 = arith.index_cast %scan3A_182 : i32 to index
        %get3A_410 = arith.constant 112 : index
        %get3A_411 = tpu.vector_load %arg11[%get3A_409, %get3A_410] {strides = array<i32>} : memref<40x128xf32, #tpu.memory_space<vmem>>, vector<1x16xf32>,
        %get3A_412 = vector.shape_cast %get3A_411 : vector<1x16xf32> to vector<16xf32>
        %get3A_413 = arith.index_cast %scan3A_182 : i32 to index
        %get3A_414 = arith.constant 112 : index
        %get3A_415 = tpu.vector_load %arg12[%get3A_413, %get3A_414] {strides = array<i32>} : memref<40x128xf32, #tpu.memory_space<vmem>>, vector<1x16xf32>,
        %get3A_416 = vector.shape_cast %get3A_415 : vector<1x16xf32> to vector<16xf32>
        %add3A_417 = arith.addf %get3A_412, %get3A_416 : vector<16xf32>
        %bitcast_convert_type3A_418 = tpu.bitcast %add3A_408 : vector<16xf32> -> vector<16xi32>
        %add3A_419 = arith.constant 32768 : i32
        %add3A_420 = vector.broadcast %add3A_419 : i32 to vector<16xi32>
        %add3A_421 = arith.addi %bitcast_convert_type3A_418, %add3A_420 : vector<16xi32>
        %shift_right_logical3A_422 = arith.constant 16 : i32
        %shift_right_logical3A_423 = vector.broadcast %shift_right_logical3A_422 : i32 to vector<16xi32>
        %shift_right_logical3A_424 = arith.shrui %add3A_421, %shift_right_logical3A_423 : vector<16xi32>
        %bitcast_convert_type3A_425 = tpu.bitcast %add3A_417 : vector<16xf32> -> vector<16xi32>
        %add3A_426 = arith.constant 32768 : i32
        %add3A_427 = vector.broadcast %add3A_426 : i32 to vector<16xi32>
        %add3A_428 = arith.addi %bitcast_convert_type3A_425, %add3A_427 : vector<16xi32>
        %and3A_429 = vector.broadcast %scan3A_127 : i32 to vector<16xi32>
        %and3A_430 = arith.andi %add3A_428, %and3A_429 : vector<16xi32>
        %or3A_431 = arith.ori %and3A_430, %shift_right_logical3A_424 : vector<16xi32>
        %swap3A_432 = arith.index_cast %scan3A_182 : i32 to index
        %swap3A_433 = arith.constant 48 : index
        %swap3A_434 = tpu.vector_load %arg15[%swap3A_432, %swap3A_433] {strides = array<i32>} : memref<40x128xi32, #tpu.memory_space<vmem>>, vector<1x16xi32>,
        %swap3A_435 = vector.shape_cast %swap3A_434 : vector<1x16xi32> to vector<16xi32>
        %swap3A_436 = vector.shape_cast %or3A_431 : vector<16xi32> to vector<1x16xi32>
        tpu.vector_store %arg15[%swap3A_432, %swap3A_433], %swap3A_436 {strides = array<i32>} : memref<40x128xi32, #tpu.memory_space<vmem>>, vector<1x16xi32>,
        %get3A_437 = arith.index_cast %scan3A_182 : i32 to index
        %get3A_438 = arith.constant 48 : index
        %get3A_439 = tpu.vector_load %arg13[%get3A_437, %get3A_438] {strides = array<i32>} : memref<40x128xf32, #tpu.memory_space<vmem>>, vector<1x16xf32>,
        %get3A_440 = vector.shape_cast %get3A_439 : vector<1x16xf32> to vector<16xf32>
        %get3A_441 = arith.index_cast %scan3A_182 : i32 to index
        %get3A_442 = arith.constant 48 : index
        %get3A_443 = tpu.vector_load %arg14[%get3A_441, %get3A_442] {strides = array<i32>} : memref<40x128xf32, #tpu.memory_space<vmem>>, vector<1x16xf32>,
        %get3A_444 = vector.shape_cast %get3A_443 : vector<1x16xf32> to vector<16xf32>
        %add3A_445 = arith.addf %get3A_440, %get3A_444 : vector<16xf32>
        %get3A_446 = arith.index_cast %scan3A_182 : i32 to index
        %get3A_447 = arith.constant 112 : index
        %get3A_448 = tpu.vector_load %arg13[%get3A_446, %get3A_447] {strides = array<i32>} : memref<40x128xf32, #tpu.memory_space<vmem>>, vector<1x16xf32>,
        %get3A_449 = vector.shape_cast %get3A_448 : vector<1x16xf32> to vector<16xf32>
        %get3A_450 = arith.index_cast %scan3A_182 : i32 to index
        %get3A_451 = arith.constant 112 : index
        %get3A_452 = tpu.vector_load %arg14[%get3A_450, %get3A_451] {strides = array<i32>} : memref<40x128xf32, #tpu.memory_space<vmem>>, vector<1x16xf32>,
        %get3A_453 = vector.shape_cast %get3A_452 : vector<1x16xf32> to vector<16xf32>
        %add3A_454 = arith.addf %get3A_449, %get3A_453 : vector<16xf32>
        %bitcast_convert_type3A_455 = tpu.bitcast %add3A_445 : vector<16xf32> -> vector<16xi32>
        %add3A_456 = arith.constant 32768 : i32
        %add3A_457 = vector.broadcast %add3A_456 : i32 to vector<16xi32>
        %add3A_458 = arith.addi %bitcast_convert_type3A_455, %add3A_457 : vector<16xi32>
        %shift_right_logical3A_459 = arith.constant 16 : i32
        %shift_right_logical3A_460 = vector.broadcast %shift_right_logical3A_459 : i32 to vector<16xi32>
        %shift_right_logical3A_461 = arith.shrui %add3A_458, %shift_right_logical3A_460 : vector<16xi32>
        %bitcast_convert_type3A_462 = tpu.bitcast %add3A_454 : vector<16xf32> -> vector<16xi32>
        %add3A_463 = arith.constant 32768 : i32
        %add3A_464 = vector.broadcast %add3A_463 : i32 to vector<16xi32>
        %add3A_465 = arith.addi %bitcast_convert_type3A_462, %add3A_464 : vector<16xi32>
        %and3A_466 = vector.broadcast %scan3A_127 : i32 to vector<16xi32>
        %and3A_467 = arith.andi %add3A_465, %and3A_466 : vector<16xi32>
        %or3A_468 = arith.ori %and3A_467, %shift_right_logical3A_461 : vector<16xi32>
        %swap3A_469 = arith.index_cast %scan3A_182 : i32 to index
        %swap3A_470 = arith.constant 112 : index
        %swap3A_471 = tpu.vector_load %arg15[%swap3A_469, %swap3A_470] {strides = array<i32>} : memref<40x128xi32, #tpu.memory_space<vmem>>, vector<1x16xi32>,
        %swap3A_472 = vector.shape_cast %swap3A_471 : vector<1x16xi32> to vector<16xi32>
        %swap3A_473 = vector.shape_cast %or3A_468 : vector<16xi32> to vector<1x16xi32>
        tpu.vector_store %arg15[%swap3A_469, %swap3A_470], %swap3A_473 {strides = array<i32>} : memref<40x128xi32, #tpu.memory_space<vmem>>, vector<1x16xi32>,
        %scan3A_474 = arith.constant 0 : i32
        scf.yield %scan3A_474 : i32
      }
      %scan3A_134 = arith.constant 40 : i32
      %mul3A_135 = arith.constant 40 : i32
      %mul3A_136 = arith.muli %mul3A_72, %mul3A_135 : i32
      %add3A_137 = arith.addi %mul3A_2, %mul3A_136 : i32
      %dma_start3A_138 = arith.constant 0 : i32
      %dma_start3A_139 = tpu.memref_slice %arg6[%add3A_137, %dma_start3A_138] : memref<160000x128xi32, #tpu.memory_space<hbm>> -> memref<40x128xi32, #tpu.memory_space<hbm>>
      %dma_start3A_140 = arith.constant 0 : i32
      %dma_start3A_141 = tpu.memref_slice %arg6[%add3A_137, %dma_start3A_140] : memref<160000x128xi32, #tpu.memory_space<hbm>> -> memref<40x128xi32, #tpu.memory_space<hbm>>
      tpu.enqueue_dma source(%arg15 : memref<40x128xi32, #tpu.memory_space<vmem>>) target(%dma_start3A_141 : memref<40x128xi32, #tpu.memory_space<hbm>>) target_semaphore(%arg29 : memref<!tpu.dma_semaphore, #tpu.memory_space<semaphore_mem>>)
      %dma_wait3A_142 = tpu.memref_slice %arg7[%mul3A_94] : memref<5000xi32, #tpu.memory_space<vmem>> -> memref<40xi32, #tpu.memory_space<vmem>>
      %dma_wait3A_143 = arith.constant 0 : i32
      %dma_wait3A_144 = arith.constant 0 : i32
      %dma_wait3A_145 = tpu.memref_slice %arg2[%dma_wait3A_143, %dma_wait3A_144] : memref<10000x128xf32, #tpu.memory_space<hbm>> -> memref<10000x128xf32, #tpu.memory_space<hbm>>
      tpu.wait_indirect_dma semaphore(%arg25 : memref<!tpu.dma_semaphore, #tpu.memory_space<semaphore_mem>>) src(%dma_wait3A_145 : memref<10000x128xf32, #tpu.memory_space<hbm>>) dst(%arg16 : memref<40x128xf32, #tpu.memory_space<vmem>>)
      %dma_wait3A_146 = tpu.memref_slice %arg8[%mul3A_94] : memref<5000xi32, #tpu.memory_space<vmem>> -> memref<40xi32, #tpu.memory_space<vmem>>
      %dma_wait3A_147 = arith.constant 0 : i32
      %dma_wait3A_148 = arith.constant 0 : i32
      %dma_wait3A_149 = tpu.memref_slice %arg3[%dma_wait3A_147, %dma_wait3A_148] : memref<10000x128xf32, #tpu.memory_space<hbm>> -> memref<10000x128xf32, #tpu.memory_space<hbm>>
      tpu.wait_indirect_dma semaphore(%arg26 : memref<!tpu.dma_semaphore, #tpu.memory_space<semaphore_mem>>) src(%dma_wait3A_149 : memref<10000x128xf32, #tpu.memory_space<hbm>>) dst(%arg17 : memref<40x128xf32, #tpu.memory_space<vmem>>)
      %dma_wait3A_150 = tpu.memref_slice %arg9[%mul3A_94] : memref<5000xi32, #tpu.memory_space<vmem>> -> memref<40xi32, #tpu.memory_space<vmem>>
      %dma_wait3A_151 = arith.constant 0 : i32
      %dma_wait3A_152 = arith.constant 0 : i32
      %dma_wait3A_153 = tpu.memref_slice %arg2[%dma_wait3A_151, %dma_wait3A_152] : memref<10000x128xf32, #tpu.memory_space<hbm>> -> memref<10000x128xf32, #tpu.memory_space<hbm>>
      tpu.wait_indirect_dma semaphore(%arg27 : memref<!tpu.dma_semaphore, #tpu.memory_space<semaphore_mem>>) src(%dma_wait3A_153 : memref<10000x128xf32, #tpu.memory_space<hbm>>) dst(%arg18 : memref<40x128xf32, #tpu.memory_space<vmem>>)
      %dma_wait3A_154 = tpu.memref_slice %arg10[%mul3A_94] : memref<5000xi32, #tpu.memory_space<vmem>> -> memref<40xi32, #tpu.memory_space<vmem>>
      %dma_wait3A_155 = arith.constant 0 : i32
      %dma_wait3A_156 = arith.constant 0 : i32
      %dma_wait3A_157 = tpu.memref_slice %arg3[%dma_wait3A_155, %dma_wait3A_156] : memref<10000x128xf32, #tpu.memory_space<hbm>> -> memref<10000x128xf32, #tpu.memory_space<hbm>>
      tpu.wait_indirect_dma semaphore(%arg28 : memref<!tpu.dma_semaphore, #tpu.memory_space<semaphore_mem>>) src(%dma_wait3A_157 : memref<10000x128xf32, #tpu.memory_space<hbm>>) dst(%arg19 : memref<40x128xf32, #tpu.memory_space<vmem>>)
      %scan3A_158 = arith.constant -65536 : i32
      %scan3A_159 = arith.constant 0 : i32
      %scan3A_160 = arith.constant 0 : i32
      %scan3A_161 = arith.constant 40 : i32
      %scan3A_162 = arith.addi %scan3A_160, %scan3A_161 : i32
      %scan3A_163 = arith.constant 1 : i32
      %scan3A_164 = scf.for %scan3A_182 = %scan3A_160 to %scan3A_162 step %scan3A_163 iter_args(%scan3A_183 = %scan3A_159) -> (i32)  : i32 {
        %get3A = arith.index_cast %scan3A_182 : i32 to index
        %get3A_184 = arith.constant 0 : index
        %get3A_185 = tpu.vector_load %arg16[%get3A, %get3A_184] {strides = array<i32>} : memref<40x128xf32, #tpu.memory_space<vmem>>, vector<1x16xf32>,
        %get3A_186 = vector.shape_cast %get3A_185 : vector<1x16xf32> to vector<16xf32>
        %get3A_187 = arith.index_cast %scan3A_182 : i32 to index
        %get3A_188 = arith.constant 0 : index
        %get3A_189 = tpu.vector_load %arg17[%get3A_187, %get3A_188] {strides = array<i32>} : memref<40x128xf32, #tpu.memory_space<vmem>>, vector<1x16xf32>,
        %get3A_190 = vector.shape_cast %get3A_189 : vector<1x16xf32> to vector<16xf32>
        %add3A_191 = arith.addf %get3A_186, %get3A_190 : vector<16xf32>
        %get3A_192 = arith.index_cast %scan3A_182 : i32 to index
        %get3A_193 = arith.constant 64 : index
        %get3A_194 = tpu.vector_load %arg16[%get3A_192, %get3A_193] {strides = array<i32>} : memref<40x128xf32, #tpu.memory_space<vmem>>, vector<1x16xf32>,
        %get3A_195 = vector.shape_cast %get3A_194 : vector<1x16xf32> to vector<16xf32>
        %get3A_196 = arith.index_cast %scan3A_182 : i32 to index
        %get3A_197 = arith.constant 64 : index
        %get3A_198 = tpu.vector_load %arg17[%get3A_196, %get3A_197] {strides = array<i32>} : memref<40x128xf32, #tpu.memory_space<vmem>>, vector<1x16xf32>,
        %get3A_199 = vector.shape_cast %get3A_198 : vector<1x16xf32> to vector<16xf32>
        %add3A_200 = arith.addf %get3A_195, %get3A_199 : vector<16xf32>
        %bitcast_convert_type3A = tpu.bitcast %add3A_191 : vector<16xf32> -> vector<16xi32>
        %add3A_201 = arith.constant 32768 : i32
        %add3A_202 = vector.broadcast %add3A_201 : i32 to vector<16xi32>
        %add3A_203 = arith.addi %bitcast_convert_type3A, %add3A_202 : vector<16xi32>
        %shift_right_logical3A = arith.constant 16 : i32
        %shift_right_logical3A_204 = vector.broadcast %shift_right_logical3A : i32 to vector<16xi32>
        %shift_right_logical3A_205 = arith.shrui %add3A_203, %shift_right_logical3A_204 : vector<16xi32>
        %bitcast_convert_type3A_206 = tpu.bitcast %add3A_200 : vector<16xf32> -> vector<16xi32>
        %add3A_207 = arith.constant 32768 : i32
        %add3A_208 = vector.broadcast %add3A_207 : i32 to vector<16xi32>
        %add3A_209 = arith.addi %bitcast_convert_type3A_206, %add3A_208 : vector<16xi32>
        %and3A = vector.broadcast %scan3A_158 : i32 to vector<16xi32>
        %and3A_210 = arith.andi %add3A_209, %and3A : vector<16xi32>
        %or3A = arith.ori %and3A_210, %shift_right_logical3A_205 : vector<16xi32>
        %swap3A = arith.index_cast %scan3A_182 : i32 to index
        %swap3A_211 = arith.constant 0 : index
        %swap3A_212 = tpu.vector_load %arg20[%swap3A, %swap3A_211] {strides = array<i32>} : memref<40x128xi32, #tpu.memory_space<vmem>>, vector<1x16xi32>,
        %swap3A_213 = vector.shape_cast %swap3A_212 : vector<1x16xi32> to vector<16xi32>
        %swap3A_214 = vector.shape_cast %or3A : vector<16xi32> to vector<1x16xi32>
        tpu.vector_store %arg20[%swap3A, %swap3A_211], %swap3A_214 {strides = array<i32>} : memref<40x128xi32, #tpu.memory_space<vmem>>, vector<1x16xi32>,
        %get3A_215 = arith.index_cast %scan3A_182 : i32 to index
        %get3A_216 = arith.constant 0 : index
        %get3A_217 = tpu.vector_load %arg18[%get3A_215, %get3A_216] {strides = array<i32>} : memref<40x128xf32, #tpu.memory_space<vmem>>, vector<1x16xf32>,
        %get3A_218 = vector.shape_cast %get3A_217 : vector<1x16xf32> to vector<16xf32>
        %get3A_219 = arith.index_cast %scan3A_182 : i32 to index
        %get3A_220 = arith.constant 0 : index
        %get3A_221 = tpu.vector_load %arg19[%get3A_219, %get3A_220] {strides = array<i32>} : memref<40x128xf32, #tpu.memory_space<vmem>>, vector<1x16xf32>,
        %get3A_222 = vector.shape_cast %get3A_221 : vector<1x16xf32> to vector<16xf32>
        %add3A_223 = arith.addf %get3A_218, %get3A_222 : vector<16xf32>
        %get3A_224 = arith.index_cast %scan3A_182 : i32 to index
        %get3A_225 = arith.constant 64 : index
        %get3A_226 = tpu.vector_load %arg18[%get3A_224, %get3A_225] {strides = array<i32>} : memref<40x128xf32, #tpu.memory_space<vmem>>, vector<1x16xf32>,
        %get3A_227 = vector.shape_cast %get3A_226 : vector<1x16xf32> to vector<16xf32>
        %get3A_228 = arith.index_cast %scan3A_182 : i32 to index
        %get3A_229 = arith.constant 64 : index
        %get3A_230 = tpu.vector_load %arg19[%get3A_228, %get3A_229] {strides = array<i32>} : memref<40x128xf32, #tpu.memory_space<vmem>>, vector<1x16xf32>,
        %get3A_231 = vector.shape_cast %get3A_230 : vector<1x16xf32> to vector<16xf32>
        %add3A_232 = arith.addf %get3A_227, %get3A_231 : vector<16xf32>
        %bitcast_convert_type3A_233 = tpu.bitcast %add3A_223 : vector<16xf32> -> vector<16xi32>
        %add3A_234 = arith.constant 32768 : i32
        %add3A_235 = vector.broadcast %add3A_234 : i32 to vector<16xi32>
        %add3A_236 = arith.addi %bitcast_convert_type3A_233, %add3A_235 : vector<16xi32>
        %shift_right_logical3A_237 = arith.constant 16 : i32
        %shift_right_logical3A_238 = vector.broadcast %shift_right_logical3A_237 : i32 to vector<16xi32>
        %shift_right_logical3A_239 = arith.shrui %add3A_236, %shift_right_logical3A_238 : vector<16xi32>
        %bitcast_convert_type3A_240 = tpu.bitcast %add3A_232 : vector<16xf32> -> vector<16xi32>
        %add3A_241 = arith.constant 32768 : i32
        %add3A_242 = vector.broadcast %add3A_241 : i32 to vector<16xi32>
        %add3A_243 = arith.addi %bitcast_convert_type3A_240, %add3A_242 : vector<16xi32>
        %and3A_244 = vector.broadcast %scan3A_158 : i32 to vector<16xi32>
        %and3A_245 = arith.andi %add3A_243, %and3A_244 : vector<16xi32>
        %or3A_246 = arith.ori %and3A_245, %shift_right_logical3A_239 : vector<16xi32>
        %swap3A_247 = arith.index_cast %scan3A_182 : i32 to index
        %swap3A_248 = arith.constant 64 : index
        %swap3A_249 = tpu.vector_load %arg20[%swap3A_247, %swap3A_248] {strides = array<i32>} : memref<40x128xi32, #tpu.memory_space<vmem>>, vector<1x16xi32>,
        %swap3A_250 = vector.shape_cast %swap3A_249 : vector<1x16xi32> to vector<16xi32>
        %swap3A_251 = vector.shape_cast %or3A_246 : vector<16xi32> to vector<1x16xi32>
        tpu.vector_store %arg20[%swap3A_247, %swap3A_248], %swap3A_251 {strides = array<i32>} : memref<40x128xi32, #tpu.memory_space<vmem>>, vector<1x16xi32>,
        %get3A_252 = arith.index_cast %scan3A_182 : i32 to index
        %get3A_253 = arith.constant 16 : index
        %get3A_254 = tpu.vector_load %arg16[%get3A_252, %get3A_253] {strides = array<i32>} : memref<40x128xf32, #tpu.memory_space<vmem>>, vector<1x16xf32>,
        %get3A_255 = vector.shape_cast %get3A_254 : vector<1x16xf32> to vector<16xf32>
        %get3A_256 = arith.index_cast %scan3A_182 : i32 to index
        %get3A_257 = arith.constant 16 : index
        %get3A_258 = tpu.vector_load %arg17[%get3A_256, %get3A_257] {strides = array<i32>} : memref<40x128xf32, #tpu.memory_space<vmem>>, vector<1x16xf32>,
        %get3A_259 = vector.shape_cast %get3A_258 : vector<1x16xf32> to vector<16xf32>
        %add3A_260 = arith.addf %get3A_255, %get3A_259 : vector<16xf32>
        %get3A_261 = arith.index_cast %scan3A_182 : i32 to index
        %get3A_262 = arith.constant 80 : index
        %get3A_263 = tpu.vector_load %arg16[%get3A_261, %get3A_262] {strides = array<i32>} : memref<40x128xf32, #tpu.memory_space<vmem>>, vector<1x16xf32>,
        %get3A_264 = vector.shape_cast %get3A_263 : vector<1x16xf32> to vector<16xf32>
        %get3A_265 = arith.index_cast %scan3A_182 : i32 to index
        %get3A_266 = arith.constant 80 : index
        %get3A_267 = tpu.vector_load %arg17[%get3A_265, %get3A_266] {strides = array<i32>} : memref<40x128xf32, #tpu.memory_space<vmem>>, vector<1x16xf32>,
        %get3A_268 = vector.shape_cast %get3A_267 : vector<1x16xf32> to vector<16xf32>
        %add3A_269 = arith.addf %get3A_264, %get3A_268 : vector<16xf32>
        %bitcast_convert_type3A_270 = tpu.bitcast %add3A_260 : vector<16xf32> -> vector<16xi32>
        %add3A_271 = arith.constant 32768 : i32
        %add3A_272 = vector.broadcast %add3A_271 : i32 to vector<16xi32>
        %add3A_273 = arith.addi %bitcast_convert_type3A_270, %add3A_272 : vector<16xi32>
        %shift_right_logical3A_274 = arith.constant 16 : i32
        %shift_right_logical3A_275 = vector.broadcast %shift_right_logical3A_274 : i32 to vector<16xi32>
        %shift_right_logical3A_276 = arith.shrui %add3A_273, %shift_right_logical3A_275 : vector<16xi32>
        %bitcast_convert_type3A_277 = tpu.bitcast %add3A_269 : vector<16xf32> -> vector<16xi32>
        %add3A_278 = arith.constant 32768 : i32
        %add3A_279 = vector.broadcast %add3A_278 : i32 to vector<16xi32>
        %add3A_280 = arith.addi %bitcast_convert_type3A_277, %add3A_279 : vector<16xi32>
        %and3A_281 = vector.broadcast %scan3A_158 : i32 to vector<16xi32>
        %and3A_282 = arith.andi %add3A_280, %and3A_281 : vector<16xi32>
        %or3A_283 = arith.ori %and3A_282, %shift_right_logical3A_276 : vector<16xi32>
        %swap3A_284 = arith.index_cast %scan3A_182 : i32 to index
        %swap3A_285 = arith.constant 16 : index
        %swap3A_286 = tpu.vector_load %arg20[%swap3A_284, %swap3A_285] {strides = array<i32>} : memref<40x128xi32, #tpu.memory_space<vmem>>, vector<1x16xi32>,
        %swap3A_287 = vector.shape_cast %swap3A_286 : vector<1x16xi32> to vector<16xi32>
        %swap3A_288 = vector.shape_cast %or3A_283 : vector<16xi32> to vector<1x16xi32>
        tpu.vector_store %arg20[%swap3A_284, %swap3A_285], %swap3A_288 {strides = array<i32>} : memref<40x128xi32, #tpu.memory_space<vmem>>, vector<1x16xi32>,
        %get3A_289 = arith.index_cast %scan3A_182 : i32 to index
        %get3A_290 = arith.constant 16 : index
        %get3A_291 = tpu.vector_load %arg18[%get3A_289, %get3A_290] {strides = array<i32>} : memref<40x128xf32, #tpu.memory_space<vmem>>, vector<1x16xf32>,
        %get3A_292 = vector.shape_cast %get3A_291 : vector<1x16xf32> to vector<16xf32>
        %get3A_293 = arith.index_cast %scan3A_182 : i32 to index
        %get3A_294 = arith.constant 16 : index
        %get3A_295 = tpu.vector_load %arg19[%get3A_293, %get3A_294] {strides = array<i32>} : memref<40x128xf32, #tpu.memory_space<vmem>>, vector<1x16xf32>,
        %get3A_296 = vector.shape_cast %get3A_295 : vector<1x16xf32> to vector<16xf32>
        %add3A_297 = arith.addf %get3A_292, %get3A_296 : vector<16xf32>
        %get3A_298 = arith.index_cast %scan3A_182 : i32 to index
        %get3A_299 = arith.constant 80 : index
        %get3A_300 = tpu.vector_load %arg18[%get3A_298, %get3A_299] {strides = array<i32>} : memref<40x128xf32, #tpu.memory_space<vmem>>, vector<1x16xf32>,
        %get3A_301 = vector.shape_cast %get3A_300 : vector<1x16xf32> to vector<16xf32>
        %get3A_302 = arith.index_cast %scan3A_182 : i32 to index
        %get3A_303 = arith.constant 80 : index
        %get3A_304 = tpu.vector_load %arg19[%get3A_302, %get3A_303] {strides = array<i32>} : memref<40x128xf32, #tpu.memory_space<vmem>>, vector<1x16xf32>,
        %get3A_305 = vector.shape_cast %get3A_304 : vector<1x16xf32> to vector<16xf32>
        %add3A_306 = arith.addf %get3A_301, %get3A_305 : vector<16xf32>
        %bitcast_convert_type3A_307 = tpu.bitcast %add3A_297 : vector<16xf32> -> vector<16xi32>
        %add3A_308 = arith.constant 32768 : i32
        %add3A_309 = vector.broadcast %add3A_308 : i32 to vector<16xi32>
        %add3A_310 = arith.addi %bitcast_convert_type3A_307, %add3A_309 : vector<16xi32>
        %shift_right_logical3A_311 = arith.constant 16 : i32
        %shift_right_logical3A_312 = vector.broadcast %shift_right_logical3A_311 : i32 to vector<16xi32>
        %shift_right_logical3A_313 = arith.shrui %add3A_310, %shift_right_logical3A_312 : vector<16xi32>
        %bitcast_convert_type3A_314 = tpu.bitcast %add3A_306 : vector<16xf32> -> vector<16xi32>
        %add3A_315 = arith.constant 32768 : i32
        %add3A_316 = vector.broadcast %add3A_315 : i32 to vector<16xi32>
        %add3A_317 = arith.addi %bitcast_convert_type3A_314, %add3A_316 : vector<16xi32>
        %and3A_318 = vector.broadcast %scan3A_158 : i32 to vector<16xi32>
        %and3A_319 = arith.andi %add3A_317, %and3A_318 : vector<16xi32>
        %or3A_320 = arith.ori %and3A_319, %shift_right_logical3A_313 : vector<16xi32>
        %swap3A_321 = arith.index_cast %scan3A_182 : i32 to index
        %swap3A_322 = arith.constant 80 : index
        %swap3A_323 = tpu.vector_load %arg20[%swap3A_321, %swap3A_322] {strides = array<i32>} : memref<40x128xi32, #tpu.memory_space<vmem>>, vector<1x16xi32>,
        %swap3A_324 = vector.shape_cast %swap3A_323 : vector<1x16xi32> to vector<16xi32>
        %swap3A_325 = vector.shape_cast %or3A_320 : vector<16xi32> to vector<1x16xi32>
        tpu.vector_store %arg20[%swap3A_321, %swap3A_322], %swap3A_325 {strides = array<i32>} : memref<40x128xi32, #tpu.memory_space<vmem>>, vector<1x16xi32>,
        %get3A_326 = arith.index_cast %scan3A_182 : i32 to index
        %get3A_327 = arith.constant 32 : index
        %get3A_328 = tpu.vector_load %arg16[%get3A_326, %get3A_327] {strides = array<i32>} : memref<40x128xf32, #tpu.memory_space<vmem>>, vector<1x16xf32>,
        %get3A_329 = vector.shape_cast %get3A_328 : vector<1x16xf32> to vector<16xf32>
        %get3A_330 = arith.index_cast %scan3A_182 : i32 to index
        %get3A_331 = arith.constant 32 : index
        %get3A_332 = tpu.vector_load %arg17[%get3A_330, %get3A_331] {strides = array<i32>} : memref<40x128xf32, #tpu.memory_space<vmem>>, vector<1x16xf32>,
        %get3A_333 = vector.shape_cast %get3A_332 : vector<1x16xf32> to vector<16xf32>
        %add3A_334 = arith.addf %get3A_329, %get3A_333 : vector<16xf32>
        %get3A_335 = arith.index_cast %scan3A_182 : i32 to index
        %get3A_336 = arith.constant 96 : index
        %get3A_337 = tpu.vector_load %arg16[%get3A_335, %get3A_336] {strides = array<i32>} : memref<40x128xf32, #tpu.memory_space<vmem>>, vector<1x16xf32>,
        %get3A_338 = vector.shape_cast %get3A_337 : vector<1x16xf32> to vector<16xf32>
        %get3A_339 = arith.index_cast %scan3A_182 : i32 to index
        %get3A_340 = arith.constant 96 : index
        %get3A_341 = tpu.vector_load %arg17[%get3A_339, %get3A_340] {strides = array<i32>} : memref<40x128xf32, #tpu.memory_space<vmem>>, vector<1x16xf32>,
        %get3A_342 = vector.shape_cast %get3A_341 : vector<1x16xf32> to vector<16xf32>
        %add3A_343 = arith.addf %get3A_338, %get3A_342 : vector<16xf32>
        %bitcast_convert_type3A_344 = tpu.bitcast %add3A_334 : vector<16xf32> -> vector<16xi32>
        %add3A_345 = arith.constant 32768 : i32
        %add3A_346 = vector.broadcast %add3A_345 : i32 to vector<16xi32>
        %add3A_347 = arith.addi %bitcast_convert_type3A_344, %add3A_346 : vector<16xi32>
        %shift_right_logical3A_348 = arith.constant 16 : i32
        %shift_right_logical3A_349 = vector.broadcast %shift_right_logical3A_348 : i32 to vector<16xi32>
        %shift_right_logical3A_350 = arith.shrui %add3A_347, %shift_right_logical3A_349 : vector<16xi32>
        %bitcast_convert_type3A_351 = tpu.bitcast %add3A_343 : vector<16xf32> -> vector<16xi32>
        %add3A_352 = arith.constant 32768 : i32
        %add3A_353 = vector.broadcast %add3A_352 : i32 to vector<16xi32>
        %add3A_354 = arith.addi %bitcast_convert_type3A_351, %add3A_353 : vector<16xi32>
        %and3A_355 = vector.broadcast %scan3A_158 : i32 to vector<16xi32>
        %and3A_356 = arith.andi %add3A_354, %and3A_355 : vector<16xi32>
        %or3A_357 = arith.ori %and3A_356, %shift_right_logical3A_350 : vector<16xi32>
        %swap3A_358 = arith.index_cast %scan3A_182 : i32 to index
        %swap3A_359 = arith.constant 32 : index
        %swap3A_360 = tpu.vector_load %arg20[%swap3A_358, %swap3A_359] {strides = array<i32>} : memref<40x128xi32, #tpu.memory_space<vmem>>, vector<1x16xi32>,
        %swap3A_361 = vector.shape_cast %swap3A_360 : vector<1x16xi32> to vector<16xi32>
        %swap3A_362 = vector.shape_cast %or3A_357 : vector<16xi32> to vector<1x16xi32>
        tpu.vector_store %arg20[%swap3A_358, %swap3A_359], %swap3A_362 {strides = array<i32>} : memref<40x128xi32, #tpu.memory_space<vmem>>, vector<1x16xi32>,
        %get3A_363 = arith.index_cast %scan3A_182 : i32 to index
        %get3A_364 = arith.constant 32 : index
        %get3A_365 = tpu.vector_load %arg18[%get3A_363, %get3A_364] {strides = array<i32>} : memref<40x128xf32, #tpu.memory_space<vmem>>, vector<1x16xf32>,
        %get3A_366 = vector.shape_cast %get3A_365 : vector<1x16xf32> to vector<16xf32>
        %get3A_367 = arith.index_cast %scan3A_182 : i32 to index
        %get3A_368 = arith.constant 32 : index
        %get3A_369 = tpu.vector_load %arg19[%get3A_367, %get3A_368] {strides = array<i32>} : memref<40x128xf32, #tpu.memory_space<vmem>>, vector<1x16xf32>,
        %get3A_370 = vector.shape_cast %get3A_369 : vector<1x16xf32> to vector<16xf32>
        %add3A_371 = arith.addf %get3A_366, %get3A_370 : vector<16xf32>
        %get3A_372 = arith.index_cast %scan3A_182 : i32 to index
        %get3A_373 = arith.constant 96 : index
        %get3A_374 = tpu.vector_load %arg18[%get3A_372, %get3A_373] {strides = array<i32>} : memref<40x128xf32, #tpu.memory_space<vmem>>, vector<1x16xf32>,
        %get3A_375 = vector.shape_cast %get3A_374 : vector<1x16xf32> to vector<16xf32>
        %get3A_376 = arith.index_cast %scan3A_182 : i32 to index
        %get3A_377 = arith.constant 96 : index
        %get3A_378 = tpu.vector_load %arg19[%get3A_376, %get3A_377] {strides = array<i32>} : memref<40x128xf32, #tpu.memory_space<vmem>>, vector<1x16xf32>,
        %get3A_379 = vector.shape_cast %get3A_378 : vector<1x16xf32> to vector<16xf32>
        %add3A_380 = arith.addf %get3A_375, %get3A_379 : vector<16xf32>
        %bitcast_convert_type3A_381 = tpu.bitcast %add3A_371 : vector<16xf32> -> vector<16xi32>
        %add3A_382 = arith.constant 32768 : i32
        %add3A_383 = vector.broadcast %add3A_382 : i32 to vector<16xi32>
        %add3A_384 = arith.addi %bitcast_convert_type3A_381, %add3A_383 : vector<16xi32>
        %shift_right_logical3A_385 = arith.constant 16 : i32
        %shift_right_logical3A_386 = vector.broadcast %shift_right_logical3A_385 : i32 to vector<16xi32>
        %shift_right_logical3A_387 = arith.shrui %add3A_384, %shift_right_logical3A_386 : vector<16xi32>
        %bitcast_convert_type3A_388 = tpu.bitcast %add3A_380 : vector<16xf32> -> vector<16xi32>
        %add3A_389 = arith.constant 32768 : i32
        %add3A_390 = vector.broadcast %add3A_389 : i32 to vector<16xi32>
        %add3A_391 = arith.addi %bitcast_convert_type3A_388, %add3A_390 : vector<16xi32>
        %and3A_392 = vector.broadcast %scan3A_158 : i32 to vector<16xi32>
        %and3A_393 = arith.andi %add3A_391, %and3A_392 : vector<16xi32>
        %or3A_394 = arith.ori %and3A_393, %shift_right_logical3A_387 : vector<16xi32>
        %swap3A_395 = arith.index_cast %scan3A_182 : i32 to index
        %swap3A_396 = arith.constant 96 : index
        %swap3A_397 = tpu.vector_load %arg20[%swap3A_395, %swap3A_396] {strides = array<i32>} : memref<40x128xi32, #tpu.memory_space<vmem>>, vector<1x16xi32>,
        %swap3A_398 = vector.shape_cast %swap3A_397 : vector<1x16xi32> to vector<16xi32>
        %swap3A_399 = vector.shape_cast %or3A_394 : vector<16xi32> to vector<1x16xi32>
        tpu.vector_store %arg20[%swap3A_395, %swap3A_396], %swap3A_399 {strides = array<i32>} : memref<40x128xi32, #tpu.memory_space<vmem>>, vector<1x16xi32>,
        %get3A_400 = arith.index_cast %scan3A_182 : i32 to index
        %get3A_401 = arith.constant 48 : index
        %get3A_402 = tpu.vector_load %arg16[%get3A_400, %get3A_401] {strides = array<i32>} : memref<40x128xf32, #tpu.memory_space<vmem>>, vector<1x16xf32>,
        %get3A_403 = vector.shape_cast %get3A_402 : vector<1x16xf32> to vector<16xf32>
        %get3A_404 = arith.index_cast %scan3A_182 : i32 to index
        %get3A_405 = arith.constant 48 : index
        %get3A_406 = tpu.vector_load %arg17[%get3A_404, %get3A_405] {strides = array<i32>} : memref<40x128xf32, #tpu.memory_space<vmem>>, vector<1x16xf32>,
        %get3A_407 = vector.shape_cast %get3A_406 : vector<1x16xf32> to vector<16xf32>
        %add3A_408 = arith.addf %get3A_403, %get3A_407 : vector<16xf32>
        %get3A_409 = arith.index_cast %scan3A_182 : i32 to index
        %get3A_410 = arith.constant 112 : index
        %get3A_411 = tpu.vector_load %arg16[%get3A_409, %get3A_410] {strides = array<i32>} : memref<40x128xf32, #tpu.memory_space<vmem>>, vector<1x16xf32>,
        %get3A_412 = vector.shape_cast %get3A_411 : vector<1x16xf32> to vector<16xf32>
        %get3A_413 = arith.index_cast %scan3A_182 : i32 to index
        %get3A_414 = arith.constant 112 : index
        %get3A_415 = tpu.vector_load %arg17[%get3A_413, %get3A_414] {strides = array<i32>} : memref<40x128xf32, #tpu.memory_space<vmem>>, vector<1x16xf32>,
        %get3A_416 = vector.shape_cast %get3A_415 : vector<1x16xf32> to vector<16xf32>
        %add3A_417 = arith.addf %get3A_412, %get3A_416 : vector<16xf32>
        %bitcast_convert_type3A_418 = tpu.bitcast %add3A_408 : vector<16xf32> -> vector<16xi32>
        %add3A_419 = arith.constant 32768 : i32
        %add3A_420 = vector.broadcast %add3A_419 : i32 to vector<16xi32>
        %add3A_421 = arith.addi %bitcast_convert_type3A_418, %add3A_420 : vector<16xi32>
        %shift_right_logical3A_422 = arith.constant 16 : i32
        %shift_right_logical3A_423 = vector.broadcast %shift_right_logical3A_422 : i32 to vector<16xi32>
        %shift_right_logical3A_424 = arith.shrui %add3A_421, %shift_right_logical3A_423 : vector<16xi32>
        %bitcast_convert_type3A_425 = tpu.bitcast %add3A_417 : vector<16xf32> -> vector<16xi32>
        %add3A_426 = arith.constant 32768 : i32
        %add3A_427 = vector.broadcast %add3A_426 : i32 to vector<16xi32>
        %add3A_428 = arith.addi %bitcast_convert_type3A_425, %add3A_427 : vector<16xi32>
        %and3A_429 = vector.broadcast %scan3A_158 : i32 to vector<16xi32>
        %and3A_430 = arith.andi %add3A_428, %and3A_429 : vector<16xi32>
        %or3A_431 = arith.ori %and3A_430, %shift_right_logical3A_424 : vector<16xi32>
        %swap3A_432 = arith.index_cast %scan3A_182 : i32 to index
        %swap3A_433 = arith.constant 48 : index
        %swap3A_434 = tpu.vector_load %arg20[%swap3A_432, %swap3A_433] {strides = array<i32>} : memref<40x128xi32, #tpu.memory_space<vmem>>, vector<1x16xi32>,
        %swap3A_435 = vector.shape_cast %swap3A_434 : vector<1x16xi32> to vector<16xi32>
        %swap3A_436 = vector.shape_cast %or3A_431 : vector<16xi32> to vector<1x16xi32>
        tpu.vector_store %arg20[%swap3A_432, %swap3A_433], %swap3A_436 {strides = array<i32>} : memref<40x128xi32, #tpu.memory_space<vmem>>, vector<1x16xi32>,
        %get3A_437 = arith.index_cast %scan3A_182 : i32 to index
        %get3A_438 = arith.constant 48 : index
        %get3A_439 = tpu.vector_load %arg18[%get3A_437, %get3A_438] {strides = array<i32>} : memref<40x128xf32, #tpu.memory_space<vmem>>, vector<1x16xf32>,
        %get3A_440 = vector.shape_cast %get3A_439 : vector<1x16xf32> to vector<16xf32>
        %get3A_441 = arith.index_cast %scan3A_182 : i32 to index
        %get3A_442 = arith.constant 48 : index
        %get3A_443 = tpu.vector_load %arg19[%get3A_441, %get3A_442] {strides = array<i32>} : memref<40x128xf32, #tpu.memory_space<vmem>>, vector<1x16xf32>,
        %get3A_444 = vector.shape_cast %get3A_443 : vector<1x16xf32> to vector<16xf32>
        %add3A_445 = arith.addf %get3A_440, %get3A_444 : vector<16xf32>
        %get3A_446 = arith.index_cast %scan3A_182 : i32 to index
        %get3A_447 = arith.constant 112 : index
        %get3A_448 = tpu.vector_load %arg18[%get3A_446, %get3A_447] {strides = array<i32>} : memref<40x128xf32, #tpu.memory_space<vmem>>, vector<1x16xf32>,
        %get3A_449 = vector.shape_cast %get3A_448 : vector<1x16xf32> to vector<16xf32>
        %get3A_450 = arith.index_cast %scan3A_182 : i32 to index
        %get3A_451 = arith.constant 112 : index
        %get3A_452 = tpu.vector_load %arg19[%get3A_450, %get3A_451] {strides = array<i32>} : memref<40x128xf32, #tpu.memory_space<vmem>>, vector<1x16xf32>,
        %get3A_453 = vector.shape_cast %get3A_452 : vector<1x16xf32> to vector<16xf32>
        %add3A_454 = arith.addf %get3A_449, %get3A_453 : vector<16xf32>
        %bitcast_convert_type3A_455 = tpu.bitcast %add3A_445 : vector<16xf32> -> vector<16xi32>
        %add3A_456 = arith.constant 32768 : i32
        %add3A_457 = vector.broadcast %add3A_456 : i32 to vector<16xi32>
        %add3A_458 = arith.addi %bitcast_convert_type3A_455, %add3A_457 : vector<16xi32>
        %shift_right_logical3A_459 = arith.constant 16 : i32
        %shift_right_logical3A_460 = vector.broadcast %shift_right_logical3A_459 : i32 to vector<16xi32>
        %shift_right_logical3A_461 = arith.shrui %add3A_458, %shift_right_logical3A_460 : vector<16xi32>
        %bitcast_convert_type3A_462 = tpu.bitcast %add3A_454 : vector<16xf32> -> vector<16xi32>
        %add3A_463 = arith.constant 32768 : i32
        %add3A_464 = vector.broadcast %add3A_463 : i32 to vector<16xi32>
        %add3A_465 = arith.addi %bitcast_convert_type3A_462, %add3A_464 : vector<16xi32>
        %and3A_466 = vector.broadcast %scan3A_158 : i32 to vector<16xi32>
        %and3A_467 = arith.andi %add3A_465, %and3A_466 : vector<16xi32>
        %or3A_468 = arith.ori %and3A_467, %shift_right_logical3A_461 : vector<16xi32>
        %swap3A_469 = arith.index_cast %scan3A_182 : i32 to index
        %swap3A_470 = arith.constant 112 : index
        %swap3A_471 = tpu.vector_load %arg20[%swap3A_469, %swap3A_470] {strides = array<i32>} : memref<40x128xi32, #tpu.memory_space<vmem>>, vector<1x16xi32>,
        %swap3A_472 = vector.shape_cast %swap3A_471 : vector<1x16xi32> to vector<16xi32>
        %swap3A_473 = vector.shape_cast %or3A_468 : vector<16xi32> to vector<1x16xi32>
        tpu.vector_store %arg20[%swap3A_469, %swap3A_470], %swap3A_473 {strides = array<i32>} : memref<40x128xi32, #tpu.memory_space<vmem>>, vector<1x16xi32>,
        %scan3A_474 = arith.constant 0 : i32
        scf.yield %scan3A_474 : i32
      }
      %scan3A_165 = arith.constant 40 : i32
      %mul3A_166 = arith.constant 40 : i32
      %mul3A_167 = arith.muli %add3A_74, %mul3A_166 : i32
      %add3A_168 = arith.addi %mul3A_2, %mul3A_167 : i32
      %dma_start3A_169 = arith.constant 0 : i32
      %dma_start3A_170 = tpu.memref_slice %arg6[%add3A_168, %dma_start3A_169] : memref<160000x128xi32, #tpu.memory_space<hbm>> -> memref<40x128xi32, #tpu.memory_space<hbm>>
      %dma_start3A_171 = arith.constant 0 : i32
      %dma_start3A_172 = tpu.memref_slice %arg6[%add3A_168, %dma_start3A_171] : memref<160000x128xi32, #tpu.memory_space<hbm>> -> memref<40x128xi32, #tpu.memory_space<hbm>>
      tpu.enqueue_dma source(%arg20 : memref<40x128xi32, #tpu.memory_space<vmem>>) target(%dma_start3A_172 : memref<40x128xi32, #tpu.memory_space<hbm>>) target_semaphore(%arg30 : memref<!tpu.dma_semaphore, #tpu.memory_space<semaphore_mem>>)
      %dma_wait3A_173 = arith.constant 0 : i32
      %dma_wait3A_174 = tpu.memref_slice %arg6[%add3A_137, %dma_wait3A_173] : memref<160000x128xi32, #tpu.memory_space<hbm>> -> memref<40x128xi32, #tpu.memory_space<hbm>>
      %dma_wait3A_175 = arith.constant 0 : i32
      %dma_wait3A_176 = tpu.memref_slice %arg6[%add3A_137, %dma_wait3A_175] : memref<160000x128xi32, #tpu.memory_space<hbm>> -> memref<40x128xi32, #tpu.memory_space<hbm>>
      tpu.wait_dma2 semaphore(%arg29 : memref<!tpu.dma_semaphore, #tpu.memory_space<semaphore_mem>>) src(%arg15 : memref<40x128xi32, #tpu.memory_space<vmem>>) dst(%dma_wait3A_176 : memref<40x128xi32, #tpu.memory_space<hbm>>)
      %dma_wait3A_177 = arith.constant 0 : i32
      %dma_wait3A_178 = tpu.memref_slice %arg6[%add3A_168, %dma_wait3A_177] : memref<160000x128xi32, #tpu.memory_space<hbm>> -> memref<40x128xi32, #tpu.memory_space<hbm>>
      %dma_wait3A_179 = arith.constant 0 : i32
      %dma_wait3A_180 = tpu.memref_slice %arg6[%add3A_168, %dma_wait3A_179] : memref<160000x128xi32, #tpu.memory_space<hbm>> -> memref<40x128xi32, #tpu.memory_space<hbm>>
      tpu.wait_dma2 semaphore(%arg30 : memref<!tpu.dma_semaphore, #tpu.memory_space<semaphore_mem>>) src(%arg20 : memref<40x128xi32, #tpu.memory_space<vmem>>) dst(%dma_wait3A_180 : memref<40x128xi32, #tpu.memory_space<hbm>>)
      %scan3A_181 = arith.constant 0 : i32
      scf.yield %scan3A_181 : i32
    }
    %scan3A_12 = arith.constant 62 : i32
    %dma_start3A = arith.constant 4960 : i32
    %dma_start3A_13 = tpu.memref_slice %arg7[%dma_start3A] : memref<5000xi32, #tpu.memory_space<vmem>> -> memref<40xi32, #tpu.memory_space<vmem>>
    %dma_start3A_14 = arith.constant 0 : i32
    %dma_start3A_15 = arith.constant 0 : i32
    %dma_start3A_16 = tpu.memref_slice %arg2[%dma_start3A_14, %dma_start3A_15] : memref<10000x128xf32, #tpu.memory_space<hbm>> -> memref<10000x128xf32, #tpu.memory_space<hbm>>
    tpu.enqueue_indirect_dma source(%dma_start3A_16 : memref<10000x128xf32, #tpu.memory_space<hbm>>) target(%arg11 : memref<40x128xf32, #tpu.memory_space<vmem>>) offsets(%dma_start3A_13 : memref<40xi32, #tpu.memory_space<vmem>>) semaphore(%arg21 : memref<!tpu.dma_semaphore, #tpu.memory_space<semaphore_mem>>)
    %dma_start3A_17 = arith.constant 4960 : i32
    %dma_start3A_18 = tpu.memref_slice %arg8[%dma_start3A_17] : memref<5000xi32, #tpu.memory_space<vmem>> -> memref<40xi32, #tpu.memory_space<vmem>>
    %dma_start3A_19 = arith.constant 0 : i32
    %dma_start3A_20 = arith.constant 0 : i32
    %dma_start3A_21 = tpu.memref_slice %arg3[%dma_start3A_19, %dma_start3A_20] : memref<10000x128xf32, #tpu.memory_space<hbm>> -> memref<10000x128xf32, #tpu.memory_space<hbm>>
    tpu.enqueue_indirect_dma source(%dma_start3A_21 : memref<10000x128xf32, #tpu.memory_space<hbm>>) target(%arg12 : memref<40x128xf32, #tpu.memory_space<vmem>>) offsets(%dma_start3A_18 : memref<40xi32, #tpu.memory_space<vmem>>) semaphore(%arg22 : memref<!tpu.dma_semaphore, #tpu.memory_space<semaphore_mem>>)
    %dma_start3A_22 = arith.constant 4960 : i32
    %dma_start3A_23 = tpu.memref_slice %arg9[%dma_start3A_22] : memref<5000xi32, #tpu.memory_space<vmem>> -> memref<40xi32, #tpu.memory_space<vmem>>
    %dma_start3A_24 = arith.constant 0 : i32
    %dma_start3A_25 = arith.constant 0 : i32
    %dma_start3A_26 = tpu.memref_slice %arg2[%dma_start3A_24, %dma_start3A_25] : memref<10000x128xf32, #tpu.memory_space<hbm>> -> memref<10000x128xf32, #tpu.memory_space<hbm>>
    tpu.enqueue_indirect_dma source(%dma_start3A_26 : memref<10000x128xf32, #tpu.memory_space<hbm>>) target(%arg13 : memref<40x128xf32, #tpu.memory_space<vmem>>) offsets(%dma_start3A_23 : memref<40xi32, #tpu.memory_space<vmem>>) semaphore(%arg23 : memref<!tpu.dma_semaphore, #tpu.memory_space<semaphore_mem>>)
    %dma_start3A_27 = arith.constant 4960 : i32
    %dma_start3A_28 = tpu.memref_slice %arg10[%dma_start3A_27] : memref<5000xi32, #tpu.memory_space<vmem>> -> memref<40xi32, #tpu.memory_space<vmem>>
    %dma_start3A_29 = arith.constant 0 : i32
    %dma_start3A_30 = arith.constant 0 : i32
    %dma_start3A_31 = tpu.memref_slice %arg3[%dma_start3A_29, %dma_start3A_30] : memref<10000x128xf32, #tpu.memory_space<hbm>> -> memref<10000x128xf32, #tpu.memory_space<hbm>>
    tpu.enqueue_indirect_dma source(%dma_start3A_31 : memref<10000x128xf32, #tpu.memory_space<hbm>>) target(%arg14 : memref<40x128xf32, #tpu.memory_space<vmem>>) offsets(%dma_start3A_28 : memref<40xi32, #tpu.memory_space<vmem>>) semaphore(%arg24 : memref<!tpu.dma_semaphore, #tpu.memory_space<semaphore_mem>>)
    %dma_wait3A = arith.constant 4960 : i32
    %dma_wait3A_32 = tpu.memref_slice %arg7[%dma_wait3A] : memref<5000xi32, #tpu.memory_space<vmem>> -> memref<40xi32, #tpu.memory_space<vmem>>
    %dma_wait3A_33 = arith.constant 0 : i32
    %dma_wait3A_34 = arith.constant 0 : i32
    %dma_wait3A_35 = tpu.memref_slice %arg2[%dma_wait3A_33, %dma_wait3A_34] : memref<10000x128xf32, #tpu.memory_space<hbm>> -> memref<10000x128xf32, #tpu.memory_space<hbm>>
    tpu.wait_indirect_dma semaphore(%arg21 : memref<!tpu.dma_semaphore, #tpu.memory_space<semaphore_mem>>) src(%dma_wait3A_35 : memref<10000x128xf32, #tpu.memory_space<hbm>>) dst(%arg11 : memref<40x128xf32, #tpu.memory_space<vmem>>)
    %dma_wait3A_36 = arith.constant 4960 : i32
    %dma_wait3A_37 = tpu.memref_slice %arg8[%dma_wait3A_36] : memref<5000xi32, #tpu.memory_space<vmem>> -> memref<40xi32, #tpu.memory_space<vmem>>
    %dma_wait3A_38 = arith.constant 0 : i32
    %dma_wait3A_39 = arith.constant 0 : i32
    %dma_wait3A_40 = tpu.memref_slice %arg3[%dma_wait3A_38, %dma_wait3A_39] : memref<10000x128xf32, #tpu.memory_space<hbm>> -> memref<10000x128xf32, #tpu.memory_space<hbm>>
    tpu.wait_indirect_dma semaphore(%arg22 : memref<!tpu.dma_semaphore, #tpu.memory_space<semaphore_mem>>) src(%dma_wait3A_40 : memref<10000x128xf32, #tpu.memory_space<hbm>>) dst(%arg12 : memref<40x128xf32, #tpu.memory_space<vmem>>)
    %dma_wait3A_41 = arith.constant 4960 : i32
    %dma_wait3A_42 = tpu.memref_slice %arg9[%dma_wait3A_41] : memref<5000xi32, #tpu.memory_space<vmem>> -> memref<40xi32, #tpu.memory_space<vmem>>
    %dma_wait3A_43 = arith.constant 0 : i32
    %dma_wait3A_44 = arith.constant 0 : i32
    %dma_wait3A_45 = tpu.memref_slice %arg2[%dma_wait3A_43, %dma_wait3A_44] : memref<10000x128xf32, #tpu.memory_space<hbm>> -> memref<10000x128xf32, #tpu.memory_space<hbm>>
    tpu.wait_indirect_dma semaphore(%arg23 : memref<!tpu.dma_semaphore, #tpu.memory_space<semaphore_mem>>) src(%dma_wait3A_45 : memref<10000x128xf32, #tpu.memory_space<hbm>>) dst(%arg13 : memref<40x128xf32, #tpu.memory_space<vmem>>)
    %dma_wait3A_46 = arith.constant 4960 : i32
    %dma_wait3A_47 = tpu.memref_slice %arg10[%dma_wait3A_46] : memref<5000xi32, #tpu.memory_space<vmem>> -> memref<40xi32, #tpu.memory_space<vmem>>
    %dma_wait3A_48 = arith.constant 0 : i32
    %dma_wait3A_49 = arith.constant 0 : i32
    %dma_wait3A_50 = tpu.memref_slice %arg3[%dma_wait3A_48, %dma_wait3A_49] : memref<10000x128xf32, #tpu.memory_space<hbm>> -> memref<10000x128xf32, #tpu.memory_space<hbm>>
    tpu.wait_indirect_dma semaphore(%arg24 : memref<!tpu.dma_semaphore, #tpu.memory_space<semaphore_mem>>) src(%dma_wait3A_50 : memref<10000x128xf32, #tpu.memory_space<hbm>>) dst(%arg14 : memref<40x128xf32, #tpu.memory_space<vmem>>)
    %scan3A_51 = arith.constant -65536 : i32
    %scan3A_52 = arith.constant 0 : i32
    %scan3A_53 = arith.constant 0 : i32
    %scan3A_54 = arith.constant 40 : i32
    %scan3A_55 = arith.addi %scan3A_53, %scan3A_54 : i32
    %scan3A_56 = arith.constant 1 : i32
    %scan3A_57 = scf.for %scan3A_69 = %scan3A_53 to %scan3A_55 step %scan3A_56 iter_args(%scan3A_70 = %scan3A_52) -> (i32)  : i32 {
      %get3A = arith.index_cast %scan3A_69 : i32 to index
      %get3A_71 = arith.constant 0 : index
      %get3A_72 = tpu.vector_load %arg11[%get3A, %get3A_71] {strides = array<i32>} : memref<40x128xf32, #tpu.memory_space<vmem>>, vector<1x16xf32>,
      %get3A_73 = vector.shape_cast %get3A_72 : vector<1x16xf32> to vector<16xf32>
      %get3A_74 = arith.index_cast %scan3A_69 : i32 to index
      %get3A_75 = arith.constant 0 : index
      %get3A_76 = tpu.vector_load %arg12[%get3A_74, %get3A_75] {strides = array<i32>} : memref<40x128xf32, #tpu.memory_space<vmem>>, vector<1x16xf32>,
      %get3A_77 = vector.shape_cast %get3A_76 : vector<1x16xf32> to vector<16xf32>
      %add3A_78 = arith.addf %get3A_73, %get3A_77 : vector<16xf32>
      %get3A_79 = arith.index_cast %scan3A_69 : i32 to index
      %get3A_80 = arith.constant 64 : index
      %get3A_81 = tpu.vector_load %arg11[%get3A_79, %get3A_80] {strides = array<i32>} : memref<40x128xf32, #tpu.memory_space<vmem>>, vector<1x16xf32>,
      %get3A_82 = vector.shape_cast %get3A_81 : vector<1x16xf32> to vector<16xf32>
      %get3A_83 = arith.index_cast %scan3A_69 : i32 to index
      %get3A_84 = arith.constant 64 : index
      %get3A_85 = tpu.vector_load %arg12[%get3A_83, %get3A_84] {strides = array<i32>} : memref<40x128xf32, #tpu.memory_space<vmem>>, vector<1x16xf32>,
      %get3A_86 = vector.shape_cast %get3A_85 : vector<1x16xf32> to vector<16xf32>
      %add3A_87 = arith.addf %get3A_82, %get3A_86 : vector<16xf32>
      %bitcast_convert_type3A = tpu.bitcast %add3A_78 : vector<16xf32> -> vector<16xi32>
      %add3A_88 = arith.constant 32768 : i32
      %add3A_89 = vector.broadcast %add3A_88 : i32 to vector<16xi32>
      %add3A_90 = arith.addi %bitcast_convert_type3A, %add3A_89 : vector<16xi32>
      %shift_right_logical3A = arith.constant 16 : i32
      %shift_right_logical3A_91 = vector.broadcast %shift_right_logical3A : i32 to vector<16xi32>
      %shift_right_logical3A_92 = arith.shrui %add3A_90, %shift_right_logical3A_91 : vector<16xi32>
      %bitcast_convert_type3A_93 = tpu.bitcast %add3A_87 : vector<16xf32> -> vector<16xi32>
      %add3A_94 = arith.constant 32768 : i32
      %add3A_95 = vector.broadcast %add3A_94 : i32 to vector<16xi32>
      %add3A_96 = arith.addi %bitcast_convert_type3A_93, %add3A_95 : vector<16xi32>
      %and3A = vector.broadcast %scan3A_51 : i32 to vector<16xi32>
      %and3A_97 = arith.andi %add3A_96, %and3A : vector<16xi32>
      %or3A = arith.ori %and3A_97, %shift_right_logical3A_92 : vector<16xi32>
      %swap3A = arith.index_cast %scan3A_69 : i32 to index
      %swap3A_98 = arith.constant 0 : index
      %swap3A_99 = tpu.vector_load %arg15[%swap3A, %swap3A_98] {strides = array<i32>} : memref<40x128xi32, #tpu.memory_space<vmem>>, vector<1x16xi32>,
      %swap3A_100 = vector.shape_cast %swap3A_99 : vector<1x16xi32> to vector<16xi32>
      %swap3A_101 = vector.shape_cast %or3A : vector<16xi32> to vector<1x16xi32>
      tpu.vector_store %arg15[%swap3A, %swap3A_98], %swap3A_101 {strides = array<i32>} : memref<40x128xi32, #tpu.memory_space<vmem>>, vector<1x16xi32>,
      %get3A_102 = arith.index_cast %scan3A_69 : i32 to index
      %get3A_103 = arith.constant 0 : index
      %get3A_104 = tpu.vector_load %arg13[%get3A_102, %get3A_103] {strides = array<i32>} : memref<40x128xf32, #tpu.memory_space<vmem>>, vector<1x16xf32>,
      %get3A_105 = vector.shape_cast %get3A_104 : vector<1x16xf32> to vector<16xf32>
      %get3A_106 = arith.index_cast %scan3A_69 : i32 to index
      %get3A_107 = arith.constant 0 : index
      %get3A_108 = tpu.vector_load %arg14[%get3A_106, %get3A_107] {strides = array<i32>} : memref<40x128xf32, #tpu.memory_space<vmem>>, vector<1x16xf32>,
      %get3A_109 = vector.shape_cast %get3A_108 : vector<1x16xf32> to vector<16xf32>
      %add3A_110 = arith.addf %get3A_105, %get3A_109 : vector<16xf32>
      %get3A_111 = arith.index_cast %scan3A_69 : i32 to index
      %get3A_112 = arith.constant 64 : index
      %get3A_113 = tpu.vector_load %arg13[%get3A_111, %get3A_112] {strides = array<i32>} : memref<40x128xf32, #tpu.memory_space<vmem>>, vector<1x16xf32>,
      %get3A_114 = vector.shape_cast %get3A_113 : vector<1x16xf32> to vector<16xf32>
      %get3A_115 = arith.index_cast %scan3A_69 : i32 to index
      %get3A_116 = arith.constant 64 : index
      %get3A_117 = tpu.vector_load %arg14[%get3A_115, %get3A_116] {strides = array<i32>} : memref<40x128xf32, #tpu.memory_space<vmem>>, vector<1x16xf32>,
      %get3A_118 = vector.shape_cast %get3A_117 : vector<1x16xf32> to vector<16xf32>
      %add3A_119 = arith.addf %get3A_114, %get3A_118 : vector<16xf32>
      %bitcast_convert_type3A_120 = tpu.bitcast %add3A_110 : vector<16xf32> -> vector<16xi32>
      %add3A_121 = arith.constant 32768 : i32
      %add3A_122 = vector.broadcast %add3A_121 : i32 to vector<16xi32>
      %add3A_123 = arith.addi %bitcast_convert_type3A_120, %add3A_122 : vector<16xi32>
      %shift_right_logical3A_124 = arith.constant 16 : i32
      %shift_right_logical3A_125 = vector.broadcast %shift_right_logical3A_124 : i32 to vector<16xi32>
      %shift_right_logical3A_126 = arith.shrui %add3A_123, %shift_right_logical3A_125 : vector<16xi32>
      %bitcast_convert_type3A_127 = tpu.bitcast %add3A_119 : vector<16xf32> -> vector<16xi32>
      %add3A_128 = arith.constant 32768 : i32
      %add3A_129 = vector.broadcast %add3A_128 : i32 to vector<16xi32>
      %add3A_130 = arith.addi %bitcast_convert_type3A_127, %add3A_129 : vector<16xi32>
      %and3A_131 = vector.broadcast %scan3A_51 : i32 to vector<16xi32>
      %and3A_132 = arith.andi %add3A_130, %and3A_131 : vector<16xi32>
      %or3A_133 = arith.ori %and3A_132, %shift_right_logical3A_126 : vector<16xi32>
      %swap3A_134 = arith.index_cast %scan3A_69 : i32 to index
      %swap3A_135 = arith.constant 64 : index
      %swap3A_136 = tpu.vector_load %arg15[%swap3A_134, %swap3A_135] {strides = array<i32>} : memref<40x128xi32, #tpu.memory_space<vmem>>, vector<1x16xi32>,
      %swap3A_137 = vector.shape_cast %swap3A_136 : vector<1x16xi32> to vector<16xi32>
      %swap3A_138 = vector.shape_cast %or3A_133 : vector<16xi32> to vector<1x16xi32>
      tpu.vector_store %arg15[%swap3A_134, %swap3A_135], %swap3A_138 {strides = array<i32>} : memref<40x128xi32, #tpu.memory_space<vmem>>, vector<1x16xi32>,
      %get3A_139 = arith.index_cast %scan3A_69 : i32 to index
      %get3A_140 = arith.constant 16 : index
      %get3A_141 = tpu.vector_load %arg11[%get3A_139, %get3A_140] {strides = array<i32>} : memref<40x128xf32, #tpu.memory_space<vmem>>, vector<1x16xf32>,
      %get3A_142 = vector.shape_cast %get3A_141 : vector<1x16xf32> to vector<16xf32>
      %get3A_143 = arith.index_cast %scan3A_69 : i32 to index
      %get3A_144 = arith.constant 16 : index
      %get3A_145 = tpu.vector_load %arg12[%get3A_143, %get3A_144] {strides = array<i32>} : memref<40x128xf32, #tpu.memory_space<vmem>>, vector<1x16xf32>,
      %get3A_146 = vector.shape_cast %get3A_145 : vector<1x16xf32> to vector<16xf32>
      %add3A_147 = arith.addf %get3A_142, %get3A_146 : vector<16xf32>
      %get3A_148 = arith.index_cast %scan3A_69 : i32 to index
      %get3A_149 = arith.constant 80 : index
      %get3A_150 = tpu.vector_load %arg11[%get3A_148, %get3A_149] {strides = array<i32>} : memref<40x128xf32, #tpu.memory_space<vmem>>, vector<1x16xf32>,
      %get3A_151 = vector.shape_cast %get3A_150 : vector<1x16xf32> to vector<16xf32>
      %get3A_152 = arith.index_cast %scan3A_69 : i32 to index
      %get3A_153 = arith.constant 80 : index
      %get3A_154 = tpu.vector_load %arg12[%get3A_152, %get3A_153] {strides = array<i32>} : memref<40x128xf32, #tpu.memory_space<vmem>>, vector<1x16xf32>,
      %get3A_155 = vector.shape_cast %get3A_154 : vector<1x16xf32> to vector<16xf32>
      %add3A_156 = arith.addf %get3A_151, %get3A_155 : vector<16xf32>
      %bitcast_convert_type3A_157 = tpu.bitcast %add3A_147 : vector<16xf32> -> vector<16xi32>
      %add3A_158 = arith.constant 32768 : i32
      %add3A_159 = vector.broadcast %add3A_158 : i32 to vector<16xi32>
      %add3A_160 = arith.addi %bitcast_convert_type3A_157, %add3A_159 : vector<16xi32>
      %shift_right_logical3A_161 = arith.constant 16 : i32
      %shift_right_logical3A_162 = vector.broadcast %shift_right_logical3A_161 : i32 to vector<16xi32>
      %shift_right_logical3A_163 = arith.shrui %add3A_160, %shift_right_logical3A_162 : vector<16xi32>
      %bitcast_convert_type3A_164 = tpu.bitcast %add3A_156 : vector<16xf32> -> vector<16xi32>
      %add3A_165 = arith.constant 32768 : i32
      %add3A_166 = vector.broadcast %add3A_165 : i32 to vector<16xi32>
      %add3A_167 = arith.addi %bitcast_convert_type3A_164, %add3A_166 : vector<16xi32>
      %and3A_168 = vector.broadcast %scan3A_51 : i32 to vector<16xi32>
      %and3A_169 = arith.andi %add3A_167, %and3A_168 : vector<16xi32>
      %or3A_170 = arith.ori %and3A_169, %shift_right_logical3A_163 : vector<16xi32>
      %swap3A_171 = arith.index_cast %scan3A_69 : i32 to index
      %swap3A_172 = arith.constant 16 : index
      %swap3A_173 = tpu.vector_load %arg15[%swap3A_171, %swap3A_172] {strides = array<i32>} : memref<40x128xi32, #tpu.memory_space<vmem>>, vector<1x16xi32>,
      %swap3A_174 = vector.shape_cast %swap3A_173 : vector<1x16xi32> to vector<16xi32>
      %swap3A_175 = vector.shape_cast %or3A_170 : vector<16xi32> to vector<1x16xi32>
      tpu.vector_store %arg15[%swap3A_171, %swap3A_172], %swap3A_175 {strides = array<i32>} : memref<40x128xi32, #tpu.memory_space<vmem>>, vector<1x16xi32>,
      %get3A_176 = arith.index_cast %scan3A_69 : i32 to index
      %get3A_177 = arith.constant 16 : index
      %get3A_178 = tpu.vector_load %arg13[%get3A_176, %get3A_177] {strides = array<i32>} : memref<40x128xf32, #tpu.memory_space<vmem>>, vector<1x16xf32>,
      %get3A_179 = vector.shape_cast %get3A_178 : vector<1x16xf32> to vector<16xf32>
      %get3A_180 = arith.index_cast %scan3A_69 : i32 to index
      %get3A_181 = arith.constant 16 : index
      %get3A_182 = tpu.vector_load %arg14[%get3A_180, %get3A_181] {strides = array<i32>} : memref<40x128xf32, #tpu.memory_space<vmem>>, vector<1x16xf32>,
      %get3A_183 = vector.shape_cast %get3A_182 : vector<1x16xf32> to vector<16xf32>
      %add3A_184 = arith.addf %get3A_179, %get3A_183 : vector<16xf32>
      %get3A_185 = arith.index_cast %scan3A_69 : i32 to index
      %get3A_186 = arith.constant 80 : index
      %get3A_187 = tpu.vector_load %arg13[%get3A_185, %get3A_186] {strides = array<i32>} : memref<40x128xf32, #tpu.memory_space<vmem>>, vector<1x16xf32>,
      %get3A_188 = vector.shape_cast %get3A_187 : vector<1x16xf32> to vector<16xf32>
      %get3A_189 = arith.index_cast %scan3A_69 : i32 to index
      %get3A_190 = arith.constant 80 : index
      %get3A_191 = tpu.vector_load %arg14[%get3A_189, %get3A_190] {strides = array<i32>} : memref<40x128xf32, #tpu.memory_space<vmem>>, vector<1x16xf32>,
      %get3A_192 = vector.shape_cast %get3A_191 : vector<1x16xf32> to vector<16xf32>
      %add3A_193 = arith.addf %get3A_188, %get3A_192 : vector<16xf32>
      %bitcast_convert_type3A_194 = tpu.bitcast %add3A_184 : vector<16xf32> -> vector<16xi32>
      %add3A_195 = arith.constant 32768 : i32
      %add3A_196 = vector.broadcast %add3A_195 : i32 to vector<16xi32>
      %add3A_197 = arith.addi %bitcast_convert_type3A_194, %add3A_196 : vector<16xi32>
      %shift_right_logical3A_198 = arith.constant 16 : i32
      %shift_right_logical3A_199 = vector.broadcast %shift_right_logical3A_198 : i32 to vector<16xi32>
      %shift_right_logical3A_200 = arith.shrui %add3A_197, %shift_right_logical3A_199 : vector<16xi32>
      %bitcast_convert_type3A_201 = tpu.bitcast %add3A_193 : vector<16xf32> -> vector<16xi32>
      %add3A_202 = arith.constant 32768 : i32
      %add3A_203 = vector.broadcast %add3A_202 : i32 to vector<16xi32>
      %add3A_204 = arith.addi %bitcast_convert_type3A_201, %add3A_203 : vector<16xi32>
      %and3A_205 = vector.broadcast %scan3A_51 : i32 to vector<16xi32>
      %and3A_206 = arith.andi %add3A_204, %and3A_205 : vector<16xi32>
      %or3A_207 = arith.ori %and3A_206, %shift_right_logical3A_200 : vector<16xi32>
      %swap3A_208 = arith.index_cast %scan3A_69 : i32 to index
      %swap3A_209 = arith.constant 80 : index
      %swap3A_210 = tpu.vector_load %arg15[%swap3A_208, %swap3A_209] {strides = array<i32>} : memref<40x128xi32, #tpu.memory_space<vmem>>, vector<1x16xi32>,
      %swap3A_211 = vector.shape_cast %swap3A_210 : vector<1x16xi32> to vector<16xi32>
      %swap3A_212 = vector.shape_cast %or3A_207 : vector<16xi32> to vector<1x16xi32>
      tpu.vector_store %arg15[%swap3A_208, %swap3A_209], %swap3A_212 {strides = array<i32>} : memref<40x128xi32, #tpu.memory_space<vmem>>, vector<1x16xi32>,
      %get3A_213 = arith.index_cast %scan3A_69 : i32 to index
      %get3A_214 = arith.constant 32 : index
      %get3A_215 = tpu.vector_load %arg11[%get3A_213, %get3A_214] {strides = array<i32>} : memref<40x128xf32, #tpu.memory_space<vmem>>, vector<1x16xf32>,
      %get3A_216 = vector.shape_cast %get3A_215 : vector<1x16xf32> to vector<16xf32>
      %get3A_217 = arith.index_cast %scan3A_69 : i32 to index
      %get3A_218 = arith.constant 32 : index
      %get3A_219 = tpu.vector_load %arg12[%get3A_217, %get3A_218] {strides = array<i32>} : memref<40x128xf32, #tpu.memory_space<vmem>>, vector<1x16xf32>,
      %get3A_220 = vector.shape_cast %get3A_219 : vector<1x16xf32> to vector<16xf32>
      %add3A_221 = arith.addf %get3A_216, %get3A_220 : vector<16xf32>
      %get3A_222 = arith.index_cast %scan3A_69 : i32 to index
      %get3A_223 = arith.constant 96 : index
      %get3A_224 = tpu.vector_load %arg11[%get3A_222, %get3A_223] {strides = array<i32>} : memref<40x128xf32, #tpu.memory_space<vmem>>, vector<1x16xf32>,
      %get3A_225 = vector.shape_cast %get3A_224 : vector<1x16xf32> to vector<16xf32>
      %get3A_226 = arith.index_cast %scan3A_69 : i32 to index
      %get3A_227 = arith.constant 96 : index
      %get3A_228 = tpu.vector_load %arg12[%get3A_226, %get3A_227] {strides = array<i32>} : memref<40x128xf32, #tpu.memory_space<vmem>>, vector<1x16xf32>,
      %get3A_229 = vector.shape_cast %get3A_228 : vector<1x16xf32> to vector<16xf32>
      %add3A_230 = arith.addf %get3A_225, %get3A_229 : vector<16xf32>
      %bitcast_convert_type3A_231 = tpu.bitcast %add3A_221 : vector<16xf32> -> vector<16xi32>
      %add3A_232 = arith.constant 32768 : i32
      %add3A_233 = vector.broadcast %add3A_232 : i32 to vector<16xi32>
      %add3A_234 = arith.addi %bitcast_convert_type3A_231, %add3A_233 : vector<16xi32>
      %shift_right_logical3A_235 = arith.constant 16 : i32
      %shift_right_logical3A_236 = vector.broadcast %shift_right_logical3A_235 : i32 to vector<16xi32>
      %shift_right_logical3A_237 = arith.shrui %add3A_234, %shift_right_logical3A_236 : vector<16xi32>
      %bitcast_convert_type3A_238 = tpu.bitcast %add3A_230 : vector<16xf32> -> vector<16xi32>
      %add3A_239 = arith.constant 32768 : i32
      %add3A_240 = vector.broadcast %add3A_239 : i32 to vector<16xi32>
      %add3A_241 = arith.addi %bitcast_convert_type3A_238, %add3A_240 : vector<16xi32>
      %and3A_242 = vector.broadcast %scan3A_51 : i32 to vector<16xi32>
      %and3A_243 = arith.andi %add3A_241, %and3A_242 : vector<16xi32>
      %or3A_244 = arith.ori %and3A_243, %shift_right_logical3A_237 : vector<16xi32>
      %swap3A_245 = arith.index_cast %scan3A_69 : i32 to index
      %swap3A_246 = arith.constant 32 : index
      %swap3A_247 = tpu.vector_load %arg15[%swap3A_245, %swap3A_246] {strides = array<i32>} : memref<40x128xi32, #tpu.memory_space<vmem>>, vector<1x16xi32>,
      %swap3A_248 = vector.shape_cast %swap3A_247 : vector<1x16xi32> to vector<16xi32>
      %swap3A_249 = vector.shape_cast %or3A_244 : vector<16xi32> to vector<1x16xi32>
      tpu.vector_store %arg15[%swap3A_245, %swap3A_246], %swap3A_249 {strides = array<i32>} : memref<40x128xi32, #tpu.memory_space<vmem>>, vector<1x16xi32>,
      %get3A_250 = arith.index_cast %scan3A_69 : i32 to index
      %get3A_251 = arith.constant 32 : index
      %get3A_252 = tpu.vector_load %arg13[%get3A_250, %get3A_251] {strides = array<i32>} : memref<40x128xf32, #tpu.memory_space<vmem>>, vector<1x16xf32>,
      %get3A_253 = vector.shape_cast %get3A_252 : vector<1x16xf32> to vector<16xf32>
      %get3A_254 = arith.index_cast %scan3A_69 : i32 to index
      %get3A_255 = arith.constant 32 : index
      %get3A_256 = tpu.vector_load %arg14[%get3A_254, %get3A_255] {strides = array<i32>} : memref<40x128xf32, #tpu.memory_space<vmem>>, vector<1x16xf32>,
      %get3A_257 = vector.shape_cast %get3A_256 : vector<1x16xf32> to vector<16xf32>
      %add3A_258 = arith.addf %get3A_253, %get3A_257 : vector<16xf32>
      %get3A_259 = arith.index_cast %scan3A_69 : i32 to index
      %get3A_260 = arith.constant 96 : index
      %get3A_261 = tpu.vector_load %arg13[%get3A_259, %get3A_260] {strides = array<i32>} : memref<40x128xf32, #tpu.memory_space<vmem>>, vector<1x16xf32>,
      %get3A_262 = vector.shape_cast %get3A_261 : vector<1x16xf32> to vector<16xf32>
      %get3A_263 = arith.index_cast %scan3A_69 : i32 to index
      %get3A_264 = arith.constant 96 : index
      %get3A_265 = tpu.vector_load %arg14[%get3A_263, %get3A_264] {strides = array<i32>} : memref<40x128xf32, #tpu.memory_space<vmem>>, vector<1x16xf32>,
      %get3A_266 = vector.shape_cast %get3A_265 : vector<1x16xf32> to vector<16xf32>
      %add3A_267 = arith.addf %get3A_262, %get3A_266 : vector<16xf32>
      %bitcast_convert_type3A_268 = tpu.bitcast %add3A_258 : vector<16xf32> -> vector<16xi32>
      %add3A_269 = arith.constant 32768 : i32
      %add3A_270 = vector.broadcast %add3A_269 : i32 to vector<16xi32>
      %add3A_271 = arith.addi %bitcast_convert_type3A_268, %add3A_270 : vector<16xi32>
      %shift_right_logical3A_272 = arith.constant 16 : i32
      %shift_right_logical3A_273 = vector.broadcast %shift_right_logical3A_272 : i32 to vector<16xi32>
      %shift_right_logical3A_274 = arith.shrui %add3A_271, %shift_right_logical3A_273 : vector<16xi32>
      %bitcast_convert_type3A_275 = tpu.bitcast %add3A_267 : vector<16xf32> -> vector<16xi32>
      %add3A_276 = arith.constant 32768 : i32
      %add3A_277 = vector.broadcast %add3A_276 : i32 to vector<16xi32>
      %add3A_278 = arith.addi %bitcast_convert_type3A_275, %add3A_277 : vector<16xi32>
      %and3A_279 = vector.broadcast %scan3A_51 : i32 to vector<16xi32>
      %and3A_280 = arith.andi %add3A_278, %and3A_279 : vector<16xi32>
      %or3A_281 = arith.ori %and3A_280, %shift_right_logical3A_274 : vector<16xi32>
      %swap3A_282 = arith.index_cast %scan3A_69 : i32 to index
      %swap3A_283 = arith.constant 96 : index
      %swap3A_284 = tpu.vector_load %arg15[%swap3A_282, %swap3A_283] {strides = array<i32>} : memref<40x128xi32, #tpu.memory_space<vmem>>, vector<1x16xi32>,
      %swap3A_285 = vector.shape_cast %swap3A_284 : vector<1x16xi32> to vector<16xi32>
      %swap3A_286 = vector.shape_cast %or3A_281 : vector<16xi32> to vector<1x16xi32>
      tpu.vector_store %arg15[%swap3A_282, %swap3A_283], %swap3A_286 {strides = array<i32>} : memref<40x128xi32, #tpu.memory_space<vmem>>, vector<1x16xi32>,
      %get3A_287 = arith.index_cast %scan3A_69 : i32 to index
      %get3A_288 = arith.constant 48 : index
      %get3A_289 = tpu.vector_load %arg11[%get3A_287, %get3A_288] {strides = array<i32>} : memref<40x128xf32, #tpu.memory_space<vmem>>, vector<1x16xf32>,
      %get3A_290 = vector.shape_cast %get3A_289 : vector<1x16xf32> to vector<16xf32>
      %get3A_291 = arith.index_cast %scan3A_69 : i32 to index
      %get3A_292 = arith.constant 48 : index
      %get3A_293 = tpu.vector_load %arg12[%get3A_291, %get3A_292] {strides = array<i32>} : memref<40x128xf32, #tpu.memory_space<vmem>>, vector<1x16xf32>,
      %get3A_294 = vector.shape_cast %get3A_293 : vector<1x16xf32> to vector<16xf32>
      %add3A_295 = arith.addf %get3A_290, %get3A_294 : vector<16xf32>
      %get3A_296 = arith.index_cast %scan3A_69 : i32 to index
      %get3A_297 = arith.constant 112 : index
      %get3A_298 = tpu.vector_load %arg11[%get3A_296, %get3A_297] {strides = array<i32>} : memref<40x128xf32, #tpu.memory_space<vmem>>, vector<1x16xf32>,
      %get3A_299 = vector.shape_cast %get3A_298 : vector<1x16xf32> to vector<16xf32>
      %get3A_300 = arith.index_cast %scan3A_69 : i32 to index
      %get3A_301 = arith.constant 112 : index
      %get3A_302 = tpu.vector_load %arg12[%get3A_300, %get3A_301] {strides = array<i32>} : memref<40x128xf32, #tpu.memory_space<vmem>>, vector<1x16xf32>,
      %get3A_303 = vector.shape_cast %get3A_302 : vector<1x16xf32> to vector<16xf32>
      %add3A_304 = arith.addf %get3A_299, %get3A_303 : vector<16xf32>
      %bitcast_convert_type3A_305 = tpu.bitcast %add3A_295 : vector<16xf32> -> vector<16xi32>
      %add3A_306 = arith.constant 32768 : i32
      %add3A_307 = vector.broadcast %add3A_306 : i32 to vector<16xi32>
      %add3A_308 = arith.addi %bitcast_convert_type3A_305, %add3A_307 : vector<16xi32>
      %shift_right_logical3A_309 = arith.constant 16 : i32
      %shift_right_logical3A_310 = vector.broadcast %shift_right_logical3A_309 : i32 to vector<16xi32>
      %shift_right_logical3A_311 = arith.shrui %add3A_308, %shift_right_logical3A_310 : vector<16xi32>
      %bitcast_convert_type3A_312 = tpu.bitcast %add3A_304 : vector<16xf32> -> vector<16xi32>
      %add3A_313 = arith.constant 32768 : i32
      %add3A_314 = vector.broadcast %add3A_313 : i32 to vector<16xi32>
      %add3A_315 = arith.addi %bitcast_convert_type3A_312, %add3A_314 : vector<16xi32>
      %and3A_316 = vector.broadcast %scan3A_51 : i32 to vector<16xi32>
      %and3A_317 = arith.andi %add3A_315, %and3A_316 : vector<16xi32>
      %or3A_318 = arith.ori %and3A_317, %shift_right_logical3A_311 : vector<16xi32>
      %swap3A_319 = arith.index_cast %scan3A_69 : i32 to index
      %swap3A_320 = arith.constant 48 : index
      %swap3A_321 = tpu.vector_load %arg15[%swap3A_319, %swap3A_320] {strides = array<i32>} : memref<40x128xi32, #tpu.memory_space<vmem>>, vector<1x16xi32>,
      %swap3A_322 = vector.shape_cast %swap3A_321 : vector<1x16xi32> to vector<16xi32>
      %swap3A_323 = vector.shape_cast %or3A_318 : vector<16xi32> to vector<1x16xi32>
      tpu.vector_store %arg15[%swap3A_319, %swap3A_320], %swap3A_323 {strides = array<i32>} : memref<40x128xi32, #tpu.memory_space<vmem>>, vector<1x16xi32>,
      %get3A_324 = arith.index_cast %scan3A_69 : i32 to index
      %get3A_325 = arith.constant 48 : index
      %get3A_326 = tpu.vector_load %arg13[%get3A_324, %get3A_325] {strides = array<i32>} : memref<40x128xf32, #tpu.memory_space<vmem>>, vector<1x16xf32>,
      %get3A_327 = vector.shape_cast %get3A_326 : vector<1x16xf32> to vector<16xf32>
      %get3A_328 = arith.index_cast %scan3A_69 : i32 to index
      %get3A_329 = arith.constant 48 : index
      %get3A_330 = tpu.vector_load %arg14[%get3A_328, %get3A_329] {strides = array<i32>} : memref<40x128xf32, #tpu.memory_space<vmem>>, vector<1x16xf32>,
      %get3A_331 = vector.shape_cast %get3A_330 : vector<1x16xf32> to vector<16xf32>
      %add3A_332 = arith.addf %get3A_327, %get3A_331 : vector<16xf32>
      %get3A_333 = arith.index_cast %scan3A_69 : i32 to index
      %get3A_334 = arith.constant 112 : index
      %get3A_335 = tpu.vector_load %arg13[%get3A_333, %get3A_334] {strides = array<i32>} : memref<40x128xf32, #tpu.memory_space<vmem>>, vector<1x16xf32>,
      %get3A_336 = vector.shape_cast %get3A_335 : vector<1x16xf32> to vector<16xf32>
      %get3A_337 = arith.index_cast %scan3A_69 : i32 to index
      %get3A_338 = arith.constant 112 : index
      %get3A_339 = tpu.vector_load %arg14[%get3A_337, %get3A_338] {strides = array<i32>} : memref<40x128xf32, #tpu.memory_space<vmem>>, vector<1x16xf32>,
      %get3A_340 = vector.shape_cast %get3A_339 : vector<1x16xf32> to vector<16xf32>
      %add3A_341 = arith.addf %get3A_336, %get3A_340 : vector<16xf32>
      %bitcast_convert_type3A_342 = tpu.bitcast %add3A_332 : vector<16xf32> -> vector<16xi32>
      %add3A_343 = arith.constant 32768 : i32
      %add3A_344 = vector.broadcast %add3A_343 : i32 to vector<16xi32>
      %add3A_345 = arith.addi %bitcast_convert_type3A_342, %add3A_344 : vector<16xi32>
      %shift_right_logical3A_346 = arith.constant 16 : i32
      %shift_right_logical3A_347 = vector.broadcast %shift_right_logical3A_346 : i32 to vector<16xi32>
      %shift_right_logical3A_348 = arith.shrui %add3A_345, %shift_right_logical3A_347 : vector<16xi32>
      %bitcast_convert_type3A_349 = tpu.bitcast %add3A_341 : vector<16xf32> -> vector<16xi32>
      %add3A_350 = arith.constant 32768 : i32
      %add3A_351 = vector.broadcast %add3A_350 : i32 to vector<16xi32>
      %add3A_352 = arith.addi %bitcast_convert_type3A_349, %add3A_351 : vector<16xi32>
      %and3A_353 = vector.broadcast %scan3A_51 : i32 to vector<16xi32>
      %and3A_354 = arith.andi %add3A_352, %and3A_353 : vector<16xi32>
      %or3A_355 = arith.ori %and3A_354, %shift_right_logical3A_348 : vector<16xi32>
      %swap3A_356 = arith.index_cast %scan3A_69 : i32 to index
      %swap3A_357 = arith.constant 112 : index
      %swap3A_358 = tpu.vector_load %arg15[%swap3A_356, %swap3A_357] {strides = array<i32>} : memref<40x128xi32, #tpu.memory_space<vmem>>, vector<1x16xi32>,
      %swap3A_359 = vector.shape_cast %swap3A_358 : vector<1x16xi32> to vector<16xi32>
      %swap3A_360 = vector.shape_cast %or3A_355 : vector<16xi32> to vector<1x16xi32>
      tpu.vector_store %arg15[%swap3A_356, %swap3A_357], %swap3A_360 {strides = array<i32>} : memref<40x128xi32, #tpu.memory_space<vmem>>, vector<1x16xi32>,
      %scan3A_361 = arith.constant 0 : i32
      scf.yield %scan3A_361 : i32
    }
    %scan3A_58 = arith.constant 40 : i32
    %add3A_59 = arith.constant 4960 : i32
    %add3A_60 = arith.addi %mul3A_2, %add3A_59 : i32
    %dma_start3A_61 = arith.constant 0 : i32
    %dma_start3A_62 = tpu.memref_slice %arg6[%add3A_60, %dma_start3A_61] : memref<160000x128xi32, #tpu.memory_space<hbm>> -> memref<40x128xi32, #tpu.memory_space<hbm>>
    %dma_start3A_63 = arith.constant 0 : i32
    %dma_start3A_64 = tpu.memref_slice %arg6[%add3A_60, %dma_start3A_63] : memref<160000x128xi32, #tpu.memory_space<hbm>> -> memref<40x128xi32, #tpu.memory_space<hbm>>
    tpu.enqueue_dma source(%arg15 : memref<40x128xi32, #tpu.memory_space<vmem>>) target(%dma_start3A_64 : memref<40x128xi32, #tpu.memory_space<hbm>>) target_semaphore(%arg29 : memref<!tpu.dma_semaphore, #tpu.memory_space<semaphore_mem>>)
    %dma_wait3A_65 = arith.constant 0 : i32
    %dma_wait3A_66 = tpu.memref_slice %arg6[%add3A_60, %dma_wait3A_65] : memref<160000x128xi32, #tpu.memory_space<hbm>> -> memref<40x128xi32, #tpu.memory_space<hbm>>
    %dma_wait3A_67 = arith.constant 0 : i32
    %dma_wait3A_68 = tpu.memref_slice %arg6[%add3A_60, %dma_wait3A_67] : memref<160000x128xi32, #tpu.memory_space<hbm>> -> memref<40x128xi32, #tpu.memory_space<hbm>>
    tpu.wait_dma2 semaphore(%arg29 : memref<!tpu.dma_semaphore, #tpu.memory_space<semaphore_mem>>) src(%arg15 : memref<40x128xi32, #tpu.memory_space<vmem>>) dst(%dma_wait3A_68 : memref<40x128xi32, #tpu.memory_space<hbm>>)
    return
  }
}

#map = affine_map<(d0, d1) -> (0, 0)>
#map1 = affine_map<(d0, d1) -> (0)>
#map2 = affine_map<(d0, d1) -> (0, 0, 0)>
module attributes {stable_mosaic.version = 14 : i64} {
  func.func @_scatter_sums_body(%arg0: i32, %arg1: i32, %arg2: memref<320000x128xf32, #tpu.memory_space<hbm>>, %arg3: memref<320000xi32, #tpu.memory_space<hbm>>, %arg4: memref<10000x128xf32, #tpu.memory_space<hbm>>, %arg5: memref<2x10000x128xf32, #tpu.memory_space<hbm>>, %arg6: memref<80x128xf32, #tpu.memory_space<vmem>>, %arg7: memref<80x128xf32, #tpu.memory_space<vmem>>, %arg8: memref<80xi32, #tpu.memory_space<vmem>>, %arg9: memref<80xi32, #tpu.memory_space<vmem>>, %arg10: memref<40x128xf32, #tpu.memory_space<vmem>>, %arg11: memref<10000x128xf32, #tpu.memory_space<vmem_shared>>, %arg12: memref<!tpu.dma_semaphore, #tpu.memory_space<semaphore_mem>>, %arg13: memref<!tpu.dma_semaphore, #tpu.memory_space<semaphore_mem>>, %arg14: memref<!tpu.dma_semaphore, #tpu.memory_space<semaphore_mem>>, %arg15: memref<!tpu.dma_semaphore, #tpu.memory_space<semaphore_mem>>, %arg16: memref<!tpu.dma_semaphore, #tpu.memory_space<semaphore_mem>>, %arg17: memref<!tpu.dma_semaphore, #tpu.memory_space<semaphore_mem>>) attributes {dimension_semantics = [#tpu.dimension_semantics<core_parallel>, #tpu.dimension_semantics<subcore_parallel>], iteration_bounds = array<i64: 2, 16>, scalar_prefetch = 0 : i64, scratch_operands = 12 : i64, tpu.core_type = #tpu.core_type<sc_vector_subcore>, window_params = [{transform_indices = #map}, {transform_indices = #map1}, {transform_indices = #map}, {transform_indices = #map2}]} {
    %mul3A = arith.constant 2 : i32
    %mul3A_0 = arith.muli %arg1, %mul3A : i32
    %add3A = arith.addi %mul3A_0, %arg0 : i32
    %scan3A = arith.constant 0 : i32
    %scan3A_1 = arith.constant 0 : i32
    %scan3A_2 = arith.constant 16 : i32
    %scan3A_3 = arith.addi %scan3A_1, %scan3A_2 : i32
    %scan3A_4 = arith.constant 1 : i32
    %scan3A_5 = scf.for %scan3A_26 = %scan3A_1 to %scan3A_3 step %scan3A_4 iter_args(%scan3A_27 = %scan3A) -> (i32)  : i32 {
      %mul3A_28 = arith.constant 624 : i32
      %mul3A_29 = arith.muli %arg1, %mul3A_28 : i32
      %mul3A_30 = arith.constant 40 : i32
      %mul3A_31 = arith.muli %scan3A_26, %mul3A_30 : i32
      %add3A_32 = arith.addi %mul3A_29, %mul3A_31 : i32
      "tpu.region"() ({
        %run_scoped3A = tpu.sem_alloc : memref<!tpu.dma_semaphore, #tpu.memory_space<semaphore_mem>>
        %dma_start3A = arith.constant 0 : i32
        %dma_start3A_34 = tpu.memref_slice %arg4[%add3A_32, %dma_start3A] : memref<10000x128xf32, #tpu.memory_space<hbm>> -> memref<40x128xf32, #tpu.memory_space<hbm>>
        %dma_start3A_35 = arith.constant 0 : i32
        %dma_start3A_36 = tpu.memref_slice %arg4[%add3A_32, %dma_start3A_35] : memref<10000x128xf32, #tpu.memory_space<hbm>> -> memref<40x128xf32, #tpu.memory_space<hbm>>
        tpu.enqueue_dma source(%dma_start3A_36 : memref<40x128xf32, #tpu.memory_space<hbm>>) target(%arg10 : memref<40x128xf32, #tpu.memory_space<vmem>>) target_semaphore(%run_scoped3A : memref<!tpu.dma_semaphore, #tpu.memory_space<semaphore_mem>>)
        %dma_wait3A = arith.constant 0 : i32
        %dma_wait3A_37 = tpu.memref_slice %arg4[%add3A_32, %dma_wait3A] : memref<10000x128xf32, #tpu.memory_space<hbm>> -> memref<40x128xf32, #tpu.memory_space<hbm>>
        %dma_wait3A_38 = arith.constant 0 : i32
        %dma_wait3A_39 = tpu.memref_slice %arg4[%add3A_32, %dma_wait3A_38] : memref<10000x128xf32, #tpu.memory_space<hbm>> -> memref<40x128xf32, #tpu.memory_space<hbm>>
        tpu.wait_dma2 semaphore(%run_scoped3A : memref<!tpu.dma_semaphore, #tpu.memory_space<semaphore_mem>>) src(%dma_wait3A_39 : memref<40x128xf32, #tpu.memory_space<hbm>>) dst(%arg10 : memref<40x128xf32, #tpu.memory_space<vmem>>)
        tpu.yield
      }) : () -> ()
      "tpu.region"() ({
        %run_scoped3A = tpu.sem_alloc : memref<!tpu.dma_semaphore, #tpu.memory_space<semaphore_mem>>
        %dma_start3A = arith.constant 0 : i32
        %dma_start3A_34 = tpu.memref_slice %arg11[%add3A_32, %dma_start3A] : memref<10000x128xf32, #tpu.memory_space<vmem_shared>> -> memref<40x128xf32, #tpu.memory_space<vmem_shared>>
        %dma_start3A_35 = arith.constant 0 : i32
        %dma_start3A_36 = tpu.memref_slice %arg11[%add3A_32, %dma_start3A_35] : memref<10000x128xf32, #tpu.memory_space<vmem_shared>> -> memref<40x128xf32, #tpu.memory_space<vmem_shared>>
        tpu.enqueue_dma source(%arg10 : memref<40x128xf32, #tpu.memory_space<vmem>>) target(%dma_start3A_36 : memref<40x128xf32, #tpu.memory_space<vmem_shared>>) target_semaphore(%run_scoped3A : memref<!tpu.dma_semaphore, #tpu.memory_space<semaphore_mem>>)
        %dma_wait3A = arith.constant 0 : i32
        %dma_wait3A_37 = tpu.memref_slice %arg11[%add3A_32, %dma_wait3A] : memref<10000x128xf32, #tpu.memory_space<vmem_shared>> -> memref<40x128xf32, #tpu.memory_space<vmem_shared>>
        %dma_wait3A_38 = arith.constant 0 : i32
        %dma_wait3A_39 = tpu.memref_slice %arg11[%add3A_32, %dma_wait3A_38] : memref<10000x128xf32, #tpu.memory_space<vmem_shared>> -> memref<40x128xf32, #tpu.memory_space<vmem_shared>>
        tpu.wait_dma2 semaphore(%run_scoped3A : memref<!tpu.dma_semaphore, #tpu.memory_space<semaphore_mem>>) src(%arg10 : memref<40x128xf32, #tpu.memory_space<vmem>>) dst(%dma_wait3A_39 : memref<40x128xf32, #tpu.memory_space<vmem_shared>>)
        tpu.yield
      }) : () -> ()
      %scan3A_33 = arith.constant 0 : i32
      scf.yield %scan3A_33 : i32
    }
    %scan3A_6 = arith.constant 16 : i32
    %barrier3A = arith.constant 0 : index
    tpu.barrier barrier_id(%barrier3A)
    %mul3A_7 = arith.constant 10000 : i32
    %mul3A_8 = arith.muli %add3A, %mul3A_7 : i32
    %scan3A_9 = arith.constant 0 : i32
    %scan3A_10 = arith.constant 0 : i32
    %scan3A_11 = arith.constant 62 : i32
    %scan3A_12 = arith.addi %scan3A_10, %scan3A_11 : i32
    %scan3A_13 = arith.constant 1 : i32
    %scan3A_14 = scf.for %scan3A_26 = %scan3A_10 to %scan3A_12 step %scan3A_13 iter_args(%scan3A_27 = %scan3A_9) -> (i32)  : i32 {
      %mul3A_28 = arith.constant 2 : i32
      %mul3A_29 = arith.muli %scan3A_26, %mul3A_28 : i32
      %mul3A_30 = arith.constant 80 : i32
      %mul3A_31 = arith.muli %mul3A_29, %mul3A_30 : i32
      %add3A_32 = arith.addi %mul3A_8, %mul3A_31 : i32
      %dma_start3A = tpu.memref_slice %arg3[%add3A_32] : memref<320000xi32, #tpu.memory_space<hbm>> -> memref<80xi32, #tpu.memory_space<hbm>>
      %dma_start3A_33 = tpu.memref_slice %arg3[%add3A_32] : memref<320000xi32, #tpu.memory_space<hbm>> -> memref<80xi32, #tpu.memory_space<hbm>>
      tpu.enqueue_dma source(%dma_start3A_33 : memref<80xi32, #tpu.memory_space<hbm>>) target(%arg8 : memref<80xi32, #tpu.memory_space<vmem>>) target_semaphore(%arg14 : memref<!tpu.dma_semaphore, #tpu.memory_space<semaphore_mem>>)
      %add3A_34 = arith.constant 80 : i32
      %add3A_35 = arith.addi %add3A_32, %add3A_34 : i32
      %dma_start3A_36 = tpu.memref_slice %arg3[%add3A_35] : memref<320000xi32, #tpu.memory_space<hbm>> -> memref<80xi32, #tpu.memory_space<hbm>>
      %dma_start3A_37 = tpu.memref_slice %arg3[%add3A_35] : memref<320000xi32, #tpu.memory_space<hbm>> -> memref<80xi32, #tpu.memory_space<hbm>>
      tpu.enqueue_dma source(%dma_start3A_37 : memref<80xi32, #tpu.memory_space<hbm>>) target(%arg9 : memref<80xi32, #tpu.memory_space<vmem>>) target_semaphore(%arg15 : memref<!tpu.dma_semaphore, #tpu.memory_space<semaphore_mem>>)
      %dma_start3A_38 = arith.constant 0 : i32
      %dma_start3A_39 = tpu.memref_slice %arg2[%add3A_32, %dma_start3A_38] : memref<320000x128xf32, #tpu.memory_space<hbm>> -> memref<80x128xf32, #tpu.memory_space<hbm>>
      %dma_start3A_40 = arith.constant 0 : i32
      %dma_start3A_41 = tpu.memref_slice %arg2[%add3A_32, %dma_start3A_40] : memref<320000x128xf32, #tpu.memory_space<hbm>> -> memref<80x128xf32, #tpu.memory_space<hbm>>
      tpu.enqueue_dma source(%dma_start3A_41 : memref<80x128xf32, #tpu.memory_space<hbm>>) target(%arg6 : memref<80x128xf32, #tpu.memory_space<vmem>>) target_semaphore(%arg12 : memref<!tpu.dma_semaphore, #tpu.memory_space<semaphore_mem>>)
      %add3A_42 = arith.constant 80 : i32
      %add3A_43 = arith.addi %add3A_32, %add3A_42 : i32
      %dma_start3A_44 = arith.constant 0 : i32
      %dma_start3A_45 = tpu.memref_slice %arg2[%add3A_43, %dma_start3A_44] : memref<320000x128xf32, #tpu.memory_space<hbm>> -> memref<80x128xf32, #tpu.memory_space<hbm>>
      %dma_start3A_46 = arith.constant 0 : i32
      %dma_start3A_47 = tpu.memref_slice %arg2[%add3A_43, %dma_start3A_46] : memref<320000x128xf32, #tpu.memory_space<hbm>> -> memref<80x128xf32, #tpu.memory_space<hbm>>
      tpu.enqueue_dma source(%dma_start3A_47 : memref<80x128xf32, #tpu.memory_space<hbm>>) target(%arg7 : memref<80x128xf32, #tpu.memory_space<vmem>>) target_semaphore(%arg13 : memref<!tpu.dma_semaphore, #tpu.memory_space<semaphore_mem>>)
      %dma_wait3A = tpu.memref_slice %arg3[%add3A_32] : memref<320000xi32, #tpu.memory_space<hbm>> -> memref<80xi32, #tpu.memory_space<hbm>>
      %dma_wait3A_48 = tpu.memref_slice %arg3[%add3A_32] : memref<320000xi32, #tpu.memory_space<hbm>> -> memref<80xi32, #tpu.memory_space<hbm>>
      tpu.wait_dma2 semaphore(%arg14 : memref<!tpu.dma_semaphore, #tpu.memory_space<semaphore_mem>>) src(%dma_wait3A_48 : memref<80xi32, #tpu.memory_space<hbm>>) dst(%arg8 : memref<80xi32, #tpu.memory_space<vmem>>)
      %dma_wait3A_49 = arith.constant 0 : i32
      %dma_wait3A_50 = tpu.memref_slice %arg2[%add3A_32, %dma_wait3A_49] : memref<320000x128xf32, #tpu.memory_space<hbm>> -> memref<80x128xf32, #tpu.memory_space<hbm>>
      %dma_wait3A_51 = arith.constant 0 : i32
      %dma_wait3A_52 = tpu.memref_slice %arg2[%add3A_32, %dma_wait3A_51] : memref<320000x128xf32, #tpu.memory_space<hbm>> -> memref<80x128xf32, #tpu.memory_space<hbm>>
      tpu.wait_dma2 semaphore(%arg12 : memref<!tpu.dma_semaphore, #tpu.memory_space<semaphore_mem>>) src(%dma_wait3A_52 : memref<80x128xf32, #tpu.memory_space<hbm>>) dst(%arg6 : memref<80x128xf32, #tpu.memory_space<vmem>>)
      %dma_start3A_53 = arith.constant 0 : i32
      %dma_start3A_54 = arith.constant 0 : i32
      %dma_start3A_55 = tpu.memref_slice %arg11[%dma_start3A_53, %dma_start3A_54] : memref<10000x128xf32, #tpu.memory_space<vmem_shared>> -> memref<10000x128xf32, #tpu.memory_space<vmem_shared>>
      tpu.enqueue_indirect_dma source(%arg6 : memref<80x128xf32, #tpu.memory_space<vmem>>) target(%dma_start3A_55 : memref<10000x128xf32, #tpu.memory_space<vmem_shared>>) offsets(%arg8 : memref<80xi32, #tpu.memory_space<vmem>>) semaphore(%arg16 : memref<!tpu.dma_semaphore, #tpu.memory_space<semaphore_mem>>) {add = true}
      %dma_wait3A_56 = tpu.memref_slice %arg3[%add3A_35] : memref<320000xi32, #tpu.memory_space<hbm>> -> memref<80xi32, #tpu.memory_space<hbm>>
      %dma_wait3A_57 = tpu.memref_slice %arg3[%add3A_35] : memref<320000xi32, #tpu.memory_space<hbm>> -> memref<80xi32, #tpu.memory_space<hbm>>
      tpu.wait_dma2 semaphore(%arg15 : memref<!tpu.dma_semaphore, #tpu.memory_space<semaphore_mem>>) src(%dma_wait3A_57 : memref<80xi32, #tpu.memory_space<hbm>>) dst(%arg9 : memref<80xi32, #tpu.memory_space<vmem>>)
      %dma_wait3A_58 = arith.constant 0 : i32
      %dma_wait3A_59 = tpu.memref_slice %arg2[%add3A_43, %dma_wait3A_58] : memref<320000x128xf32, #tpu.memory_space<hbm>> -> memref<80x128xf32, #tpu.memory_space<hbm>>
      %dma_wait3A_60 = arith.constant 0 : i32
      %dma_wait3A_61 = tpu.memref_slice %arg2[%add3A_43, %dma_wait3A_60] : memref<320000x128xf32, #tpu.memory_space<hbm>> -> memref<80x128xf32, #tpu.memory_space<hbm>>
      tpu.wait_dma2 semaphore(%arg13 : memref<!tpu.dma_semaphore, #tpu.memory_space<semaphore_mem>>) src(%dma_wait3A_61 : memref<80x128xf32, #tpu.memory_space<hbm>>) dst(%arg7 : memref<80x128xf32, #tpu.memory_space<vmem>>)
      %dma_start3A_62 = arith.constant 0 : i32
      %dma_start3A_63 = arith.constant 0 : i32
      %dma_start3A_64 = tpu.memref_slice %arg11[%dma_start3A_62, %dma_start3A_63] : memref<10000x128xf32, #tpu.memory_space<vmem_shared>> -> memref<10000x128xf32, #tpu.memory_space<vmem_shared>>
      tpu.enqueue_indirect_dma source(%arg7 : memref<80x128xf32, #tpu.memory_space<vmem>>) target(%dma_start3A_64 : memref<10000x128xf32, #tpu.memory_space<vmem_shared>>) offsets(%arg9 : memref<80xi32, #tpu.memory_space<vmem>>) semaphore(%arg17 : memref<!tpu.dma_semaphore, #tpu.memory_space<semaphore_mem>>) {add = true}
      %dma_wait3A_65 = arith.constant 0 : i32
      %dma_wait3A_66 = arith.constant 0 : i32
      %dma_wait3A_67 = tpu.memref_slice %arg11[%dma_wait3A_65, %dma_wait3A_66] : memref<10000x128xf32, #tpu.memory_space<vmem_shared>> -> memref<10000x128xf32, #tpu.memory_space<vmem_shared>>
      tpu.wait_indirect_dma semaphore(%arg16 : memref<!tpu.dma_semaphore, #tpu.memory_space<semaphore_mem>>) src(%arg6 : memref<80x128xf32, #tpu.memory_space<vmem>>) dst(%dma_wait3A_67 : memref<10000x128xf32, #tpu.memory_space<vmem_shared>>)
      %dma_wait3A_68 = arith.constant 0 : i32
      %dma_wait3A_69 = arith.constant 0 : i32
      %dma_wait3A_70 = tpu.memref_slice %arg11[%dma_wait3A_68, %dma_wait3A_69] : memref<10000x128xf32, #tpu.memory_space<vmem_shared>> -> memref<10000x128xf32, #tpu.memory_space<vmem_shared>>
      tpu.wait_indirect_dma semaphore(%arg17 : memref<!tpu.dma_semaphore, #tpu.memory_space<semaphore_mem>>) src(%arg7 : memref<80x128xf32, #tpu.memory_space<vmem>>) dst(%dma_wait3A_70 : memref<10000x128xf32, #tpu.memory_space<vmem_shared>>)
      %scan3A_71 = arith.constant 0 : i32
      scf.yield %scan3A_71 : i32
    }
    %scan3A_15 = arith.constant 62 : i32
    %add3A_16 = arith.constant 9920 : i32
    %add3A_17 = arith.addi %mul3A_8, %add3A_16 : i32
    "tpu.region"() ({
      %run_scoped3A = tpu.sem_alloc : memref<!tpu.dma_semaphore, #tpu.memory_space<semaphore_mem>>
      %dma_start3A = tpu.memref_slice %arg3[%add3A_17] : memref<320000xi32, #tpu.memory_space<hbm>> -> memref<80xi32, #tpu.memory_space<hbm>>
      %dma_start3A_26 = tpu.memref_slice %arg3[%add3A_17] : memref<320000xi32, #tpu.memory_space<hbm>> -> memref<80xi32, #tpu.memory_space<hbm>>
      tpu.enqueue_dma source(%dma_start3A_26 : memref<80xi32, #tpu.memory_space<hbm>>) target(%arg8 : memref<80xi32, #tpu.memory_space<vmem>>) target_semaphore(%run_scoped3A : memref<!tpu.dma_semaphore, #tpu.memory_space<semaphore_mem>>)
      %dma_wait3A = tpu.memref_slice %arg3[%add3A_17] : memref<320000xi32, #tpu.memory_space<hbm>> -> memref<80xi32, #tpu.memory_space<hbm>>
      %dma_wait3A_27 = tpu.memref_slice %arg3[%add3A_17] : memref<320000xi32, #tpu.memory_space<hbm>> -> memref<80xi32, #tpu.memory_space<hbm>>
      tpu.wait_dma2 semaphore(%run_scoped3A : memref<!tpu.dma_semaphore, #tpu.memory_space<semaphore_mem>>) src(%dma_wait3A_27 : memref<80xi32, #tpu.memory_space<hbm>>) dst(%arg8 : memref<80xi32, #tpu.memory_space<vmem>>)
      tpu.yield
    }) : () -> ()
    "tpu.region"() ({
      %run_scoped3A = tpu.sem_alloc : memref<!tpu.dma_semaphore, #tpu.memory_space<semaphore_mem>>
      %dma_start3A = arith.constant 0 : i32
      %dma_start3A_26 = tpu.memref_slice %arg2[%add3A_17, %dma_start3A] : memref<320000x128xf32, #tpu.memory_space<hbm>> -> memref<80x128xf32, #tpu.memory_space<hbm>>
      %dma_start3A_27 = arith.constant 0 : i32
      %dma_start3A_28 = tpu.memref_slice %arg2[%add3A_17, %dma_start3A_27] : memref<320000x128xf32, #tpu.memory_space<hbm>> -> memref<80x128xf32, #tpu.memory_space<hbm>>
      tpu.enqueue_dma source(%dma_start3A_28 : memref<80x128xf32, #tpu.memory_space<hbm>>) target(%arg6 : memref<80x128xf32, #tpu.memory_space<vmem>>) target_semaphore(%run_scoped3A : memref<!tpu.dma_semaphore, #tpu.memory_space<semaphore_mem>>)
      %dma_wait3A = arith.constant 0 : i32
      %dma_wait3A_29 = tpu.memref_slice %arg2[%add3A_17, %dma_wait3A] : memref<320000x128xf32, #tpu.memory_space<hbm>> -> memref<80x128xf32, #tpu.memory_space<hbm>>
      %dma_wait3A_30 = arith.constant 0 : i32
      %dma_wait3A_31 = tpu.memref_slice %arg2[%add3A_17, %dma_wait3A_30] : memref<320000x128xf32, #tpu.memory_space<hbm>> -> memref<80x128xf32, #tpu.memory_space<hbm>>
      tpu.wait_dma2 semaphore(%run_scoped3A : memref<!tpu.dma_semaphore, #tpu.memory_space<semaphore_mem>>) src(%dma_wait3A_31 : memref<80x128xf32, #tpu.memory_space<hbm>>) dst(%arg6 : memref<80x128xf32, #tpu.memory_space<vmem>>)
      tpu.yield
    }) : () -> ()
    "tpu.region"() ({
      %run_scoped3A = tpu.sem_alloc : memref<!tpu.dma_semaphore, #tpu.memory_space<semaphore_mem>>
      %dma_start3A = arith.constant 0 : i32
      %dma_start3A_26 = arith.constant 0 : i32
      %dma_start3A_27 = tpu.memref_slice %arg11[%dma_start3A, %dma_start3A_26] : memref<10000x128xf32, #tpu.memory_space<vmem_shared>> -> memref<10000x128xf32, #tpu.memory_space<vmem_shared>>
      tpu.enqueue_indirect_dma source(%arg6 : memref<80x128xf32, #tpu.memory_space<vmem>>) target(%dma_start3A_27 : memref<10000x128xf32, #tpu.memory_space<vmem_shared>>) offsets(%arg8 : memref<80xi32, #tpu.memory_space<vmem>>) semaphore(%run_scoped3A : memref<!tpu.dma_semaphore, #tpu.memory_space<semaphore_mem>>) {add = true}
      %dma_wait3A = arith.constant 0 : i32
      %dma_wait3A_28 = arith.constant 0 : i32
      %dma_wait3A_29 = tpu.memref_slice %arg11[%dma_wait3A, %dma_wait3A_28] : memref<10000x128xf32, #tpu.memory_space<vmem_shared>> -> memref<10000x128xf32, #tpu.memory_space<vmem_shared>>
      tpu.wait_indirect_dma semaphore(%run_scoped3A : memref<!tpu.dma_semaphore, #tpu.memory_space<semaphore_mem>>) src(%arg6 : memref<80x128xf32, #tpu.memory_space<vmem>>) dst(%dma_wait3A_29 : memref<10000x128xf32, #tpu.memory_space<vmem_shared>>)
      tpu.yield
    }) : () -> ()
    %barrier3A_18 = arith.constant 0 : index
    tpu.barrier barrier_id(%barrier3A_18)
    %scan3A_19 = arith.constant 0 : i32
    %scan3A_20 = arith.constant 0 : i32
    %scan3A_21 = arith.constant 16 : i32
    %scan3A_22 = arith.addi %scan3A_20, %scan3A_21 : i32
    %scan3A_23 = arith.constant 1 : i32
    %scan3A_24 = scf.for %scan3A_26 = %scan3A_20 to %scan3A_22 step %scan3A_23 iter_args(%scan3A_27 = %scan3A_19) -> (i32)  : i32 {
      %mul3A_28 = arith.constant 624 : i32
      %mul3A_29 = arith.muli %arg1, %mul3A_28 : i32
      %mul3A_30 = arith.constant 40 : i32
      %mul3A_31 = arith.muli %scan3A_26, %mul3A_30 : i32
      %add3A_32 = arith.addi %mul3A_29, %mul3A_31 : i32
      "tpu.region"() ({
        %run_scoped3A = tpu.sem_alloc : memref<!tpu.dma_semaphore, #tpu.memory_space<semaphore_mem>>
        %dma_start3A = arith.constant 0 : i32
        %dma_start3A_34 = tpu.memref_slice %arg11[%add3A_32, %dma_start3A] : memref<10000x128xf32, #tpu.memory_space<vmem_shared>> -> memref<40x128xf32, #tpu.memory_space<vmem_shared>>
        %dma_start3A_35 = arith.constant 0 : i32
        %dma_start3A_36 = tpu.memref_slice %arg11[%add3A_32, %dma_start3A_35] : memref<10000x128xf32, #tpu.memory_space<vmem_shared>> -> memref<40x128xf32, #tpu.memory_space<vmem_shared>>
        tpu.enqueue_dma source(%dma_start3A_36 : memref<40x128xf32, #tpu.memory_space<vmem_shared>>) target(%arg10 : memref<40x128xf32, #tpu.memory_space<vmem>>) target_semaphore(%run_scoped3A : memref<!tpu.dma_semaphore, #tpu.memory_space<semaphore_mem>>)
        %dma_wait3A = arith.constant 0 : i32
        %dma_wait3A_37 = tpu.memref_slice %arg11[%add3A_32, %dma_wait3A] : memref<10000x128xf32, #tpu.memory_space<vmem_shared>> -> memref<40x128xf32, #tpu.memory_space<vmem_shared>>
        %dma_wait3A_38 = arith.constant 0 : i32
        %dma_wait3A_39 = tpu.memref_slice %arg11[%add3A_32, %dma_wait3A_38] : memref<10000x128xf32, #tpu.memory_space<vmem_shared>> -> memref<40x128xf32, #tpu.memory_space<vmem_shared>>
        tpu.wait_dma2 semaphore(%run_scoped3A : memref<!tpu.dma_semaphore, #tpu.memory_space<semaphore_mem>>) src(%dma_wait3A_39 : memref<40x128xf32, #tpu.memory_space<vmem_shared>>) dst(%arg10 : memref<40x128xf32, #tpu.memory_space<vmem>>)
        tpu.yield
      }) : () -> ()
      "tpu.region"() ({
        %run_scoped3A = tpu.sem_alloc : memref<!tpu.dma_semaphore, #tpu.memory_space<semaphore_mem>>
        %dma_start3A = arith.constant 0 : i32
        %dma_start3A_34 = tpu.memref_slice %arg5[%arg0, %add3A_32, %dma_start3A] : memref<2x10000x128xf32, #tpu.memory_space<hbm>> -> memref<1x40x128xf32, #tpu.memory_space<hbm>>
        %dma_start3A_35 = tpu.memref_squeeze %dma_start3A_34 : memref<1x40x128xf32, #tpu.memory_space<hbm>> -> memref<40x128xf32, #tpu.memory_space<hbm>>
        %dma_start3A_36 = arith.constant 0 : i32
        %dma_start3A_37 = tpu.memref_slice %arg5[%arg0, %add3A_32, %dma_start3A_36] : memref<2x10000x128xf32, #tpu.memory_space<hbm>> -> memref<1x40x128xf32, #tpu.memory_space<hbm>>
        %dma_start3A_38 = tpu.memref_squeeze %dma_start3A_37 : memref<1x40x128xf32, #tpu.memory_space<hbm>> -> memref<40x128xf32, #tpu.memory_space<hbm>>
        tpu.enqueue_dma source(%arg10 : memref<40x128xf32, #tpu.memory_space<vmem>>) target(%dma_start3A_38 : memref<40x128xf32, #tpu.memory_space<hbm>>) target_semaphore(%run_scoped3A : memref<!tpu.dma_semaphore, #tpu.memory_space<semaphore_mem>>)
        %dma_wait3A = arith.constant 0 : i32
        %dma_wait3A_39 = tpu.memref_slice %arg5[%arg0, %add3A_32, %dma_wait3A] : memref<2x10000x128xf32, #tpu.memory_space<hbm>> -> memref<1x40x128xf32, #tpu.memory_space<hbm>>
        %dma_wait3A_40 = tpu.memref_squeeze %dma_wait3A_39 : memref<1x40x128xf32, #tpu.memory_space<hbm>> -> memref<40x128xf32, #tpu.memory_space<hbm>>
        %dma_wait3A_41 = arith.constant 0 : i32
        %dma_wait3A_42 = tpu.memref_slice %arg5[%arg0, %add3A_32, %dma_wait3A_41] : memref<2x10000x128xf32, #tpu.memory_space<hbm>> -> memref<1x40x128xf32, #tpu.memory_space<hbm>>
        %dma_wait3A_43 = tpu.memref_squeeze %dma_wait3A_42 : memref<1x40x128xf32, #tpu.memory_space<hbm>> -> memref<40x128xf32, #tpu.memory_space<hbm>>
        tpu.wait_dma2 semaphore(%run_scoped3A : memref<!tpu.dma_semaphore, #tpu.memory_space<semaphore_mem>>) src(%arg10 : memref<40x128xf32, #tpu.memory_space<vmem>>) dst(%dma_wait3A_43 : memref<40x128xf32, #tpu.memory_space<hbm>>)
        tpu.yield
      }) : () -> ()
      %scan3A_33 = arith.constant 0 : i32
      scf.yield %scan3A_33 : i32
    }
    %scan3A_25 = arith.constant 16 : i32
    return
  }
}

#map = affine_map<(d0, d1) -> (0)>
#map1 = affine_map<(d0, d1) -> (0, 0)>
#map2 = affine_map<(d0, d1) -> (0, 0, 0)>
module attributes {stable_mosaic.version = 14 : i64} {
  func.func @_scatter_counts_body(%arg0: i32, %arg1: i32, %arg2: memref<320000xi32, #tpu.memory_space<hbm>>, %arg3: memref<10000x128xf32, #tpu.memory_space<hbm>>, %arg4: memref<80x128xf32, #tpu.memory_space<hbm>>, %arg5: memref<2x10000x128xf32, #tpu.memory_space<hbm>>, %arg6: memref<80x128xf32, #tpu.memory_space<vmem>>, %arg7: memref<80xi32, #tpu.memory_space<vmem>>, %arg8: memref<80xi32, #tpu.memory_space<vmem>>, %arg9: memref<40x128xf32, #tpu.memory_space<vmem>>, %arg10: memref<10000x128xf32, #tpu.memory_space<vmem_shared>>, %arg11: memref<!tpu.dma_semaphore, #tpu.memory_space<semaphore_mem>>, %arg12: memref<!tpu.dma_semaphore, #tpu.memory_space<semaphore_mem>>, %arg13: memref<!tpu.dma_semaphore, #tpu.memory_space<semaphore_mem>>, %arg14: memref<!tpu.dma_semaphore, #tpu.memory_space<semaphore_mem>>) attributes {dimension_semantics = [#tpu.dimension_semantics<core_parallel>, #tpu.dimension_semantics<subcore_parallel>], iteration_bounds = array<i64: 2, 16>, scalar_prefetch = 0 : i64, scratch_operands = 9 : i64, tpu.core_type = #tpu.core_type<sc_vector_subcore>, window_params = [{transform_indices = #map}, {transform_indices = #map1}, {transform_indices = #map1}, {transform_indices = #map2}]} {
    %mul3A = arith.constant 2 : i32
    %mul3A_0 = arith.muli %arg1, %mul3A : i32
    %add3A = arith.addi %mul3A_0, %arg0 : i32
    %scan3A = arith.constant 0 : i32
    %scan3A_1 = arith.constant 0 : i32
    %scan3A_2 = arith.constant 16 : i32
    %scan3A_3 = arith.addi %scan3A_1, %scan3A_2 : i32
    %scan3A_4 = arith.constant 1 : i32
    %scan3A_5 = scf.for %scan3A_26 = %scan3A_1 to %scan3A_3 step %scan3A_4 iter_args(%scan3A_27 = %scan3A) -> (i32)  : i32 {
      %mul3A_28 = arith.constant 624 : i32
      %mul3A_29 = arith.muli %arg1, %mul3A_28 : i32
      %mul3A_30 = arith.constant 40 : i32
      %mul3A_31 = arith.muli %scan3A_26, %mul3A_30 : i32
      %add3A_32 = arith.addi %mul3A_29, %mul3A_31 : i32
      "tpu.region"() ({
        %run_scoped3A = tpu.sem_alloc : memref<!tpu.dma_semaphore, #tpu.memory_space<semaphore_mem>>
        %dma_start3A = arith.constant 0 : i32
        %dma_start3A_34 = tpu.memref_slice %arg3[%add3A_32, %dma_start3A] : memref<10000x128xf32, #tpu.memory_space<hbm>> -> memref<40x128xf32, #tpu.memory_space<hbm>>
        %dma_start3A_35 = arith.constant 0 : i32
        %dma_start3A_36 = tpu.memref_slice %arg3[%add3A_32, %dma_start3A_35] : memref<10000x128xf32, #tpu.memory_space<hbm>> -> memref<40x128xf32, #tpu.memory_space<hbm>>
        tpu.enqueue_dma source(%dma_start3A_36 : memref<40x128xf32, #tpu.memory_space<hbm>>) target(%arg9 : memref<40x128xf32, #tpu.memory_space<vmem>>) target_semaphore(%run_scoped3A : memref<!tpu.dma_semaphore, #tpu.memory_space<semaphore_mem>>)
        %dma_wait3A = arith.constant 0 : i32
        %dma_wait3A_37 = tpu.memref_slice %arg3[%add3A_32, %dma_wait3A] : memref<10000x128xf32, #tpu.memory_space<hbm>> -> memref<40x128xf32, #tpu.memory_space<hbm>>
        %dma_wait3A_38 = arith.constant 0 : i32
        %dma_wait3A_39 = tpu.memref_slice %arg3[%add3A_32, %dma_wait3A_38] : memref<10000x128xf32, #tpu.memory_space<hbm>> -> memref<40x128xf32, #tpu.memory_space<hbm>>
        tpu.wait_dma2 semaphore(%run_scoped3A : memref<!tpu.dma_semaphore, #tpu.memory_space<semaphore_mem>>) src(%dma_wait3A_39 : memref<40x128xf32, #tpu.memory_space<hbm>>) dst(%arg9 : memref<40x128xf32, #tpu.memory_space<vmem>>)
        tpu.yield
      }) : () -> ()
      "tpu.region"() ({
        %run_scoped3A = tpu.sem_alloc : memref<!tpu.dma_semaphore, #tpu.memory_space<semaphore_mem>>
        %dma_start3A = arith.constant 0 : i32
        %dma_start3A_34 = tpu.memref_slice %arg10[%add3A_32, %dma_start3A] : memref<10000x128xf32, #tpu.memory_space<vmem_shared>> -> memref<40x128xf32, #tpu.memory_space<vmem_shared>>
        %dma_start3A_35 = arith.constant 0 : i32
        %dma_start3A_36 = tpu.memref_slice %arg10[%add3A_32, %dma_start3A_35] : memref<10000x128xf32, #tpu.memory_space<vmem_shared>> -> memref<40x128xf32, #tpu.memory_space<vmem_shared>>
        tpu.enqueue_dma source(%arg9 : memref<40x128xf32, #tpu.memory_space<vmem>>) target(%dma_start3A_36 : memref<40x128xf32, #tpu.memory_space<vmem_shared>>) target_semaphore(%run_scoped3A : memref<!tpu.dma_semaphore, #tpu.memory_space<semaphore_mem>>)
        %dma_wait3A = arith.constant 0 : i32
        %dma_wait3A_37 = tpu.memref_slice %arg10[%add3A_32, %dma_wait3A] : memref<10000x128xf32, #tpu.memory_space<vmem_shared>> -> memref<40x128xf32, #tpu.memory_space<vmem_shared>>
        %dma_wait3A_38 = arith.constant 0 : i32
        %dma_wait3A_39 = tpu.memref_slice %arg10[%add3A_32, %dma_wait3A_38] : memref<10000x128xf32, #tpu.memory_space<vmem_shared>> -> memref<40x128xf32, #tpu.memory_space<vmem_shared>>
        tpu.wait_dma2 semaphore(%run_scoped3A : memref<!tpu.dma_semaphore, #tpu.memory_space<semaphore_mem>>) src(%arg9 : memref<40x128xf32, #tpu.memory_space<vmem>>) dst(%dma_wait3A_39 : memref<40x128xf32, #tpu.memory_space<vmem_shared>>)
        tpu.yield
      }) : () -> ()
      %scan3A_33 = arith.constant 0 : i32
      scf.yield %scan3A_33 : i32
    }
    %scan3A_6 = arith.constant 16 : i32
    "tpu.region"() ({
      %run_scoped3A = tpu.sem_alloc : memref<!tpu.dma_semaphore, #tpu.memory_space<semaphore_mem>>
      tpu.enqueue_dma source(%arg4 : memref<80x128xf32, #tpu.memory_space<hbm>>) target(%arg6 : memref<80x128xf32, #tpu.memory_space<vmem>>) target_semaphore(%run_scoped3A : memref<!tpu.dma_semaphore, #tpu.memory_space<semaphore_mem>>)
      tpu.wait_dma2 semaphore(%run_scoped3A : memref<!tpu.dma_semaphore, #tpu.memory_space<semaphore_mem>>) src(%arg4 : memref<80x128xf32, #tpu.memory_space<hbm>>) dst(%arg6 : memref<80x128xf32, #tpu.memory_space<vmem>>)
      tpu.yield
    }) : () -> ()
    %barrier3A = arith.constant 0 : index
    tpu.barrier barrier_id(%barrier3A)
    %mul3A_7 = arith.constant 10000 : i32
    %mul3A_8 = arith.muli %add3A, %mul3A_7 : i32
    %scan3A_9 = arith.constant 0 : i32
    %scan3A_10 = arith.constant 0 : i32
    %scan3A_11 = arith.constant 62 : i32
    %scan3A_12 = arith.addi %scan3A_10, %scan3A_11 : i32
    %scan3A_13 = arith.constant 1 : i32
    %scan3A_14 = scf.for %scan3A_26 = %scan3A_10 to %scan3A_12 step %scan3A_13 iter_args(%scan3A_27 = %scan3A_9) -> (i32)  : i32 {
      %mul3A_28 = arith.constant 2 : i32
      %mul3A_29 = arith.muli %scan3A_26, %mul3A_28 : i32
      %mul3A_30 = arith.constant 80 : i32
      %mul3A_31 = arith.muli %mul3A_29, %mul3A_30 : i32
      %add3A_32 = arith.addi %mul3A_8, %mul3A_31 : i32
      %dma_start3A = tpu.memref_slice %arg2[%add3A_32] : memref<320000xi32, #tpu.memory_space<hbm>> -> memref<80xi32, #tpu.memory_space<hbm>>
      %dma_start3A_33 = tpu.memref_slice %arg2[%add3A_32] : memref<320000xi32, #tpu.memory_space<hbm>> -> memref<80xi32, #tpu.memory_space<hbm>>
      tpu.enqueue_dma source(%dma_start3A_33 : memref<80xi32, #tpu.memory_space<hbm>>) target(%arg7 : memref<80xi32, #tpu.memory_space<vmem>>) target_semaphore(%arg11 : memref<!tpu.dma_semaphore, #tpu.memory_space<semaphore_mem>>)
      %add3A_34 = arith.constant 80 : i32
      %add3A_35 = arith.addi %add3A_32, %add3A_34 : i32
      %dma_start3A_36 = tpu.memref_slice %arg2[%add3A_35] : memref<320000xi32, #tpu.memory_space<hbm>> -> memref<80xi32, #tpu.memory_space<hbm>>
      %dma_start3A_37 = tpu.memref_slice %arg2[%add3A_35] : memref<320000xi32, #tpu.memory_space<hbm>> -> memref<80xi32, #tpu.memory_space<hbm>>
      tpu.enqueue_dma source(%dma_start3A_37 : memref<80xi32, #tpu.memory_space<hbm>>) target(%arg8 : memref<80xi32, #tpu.memory_space<vmem>>) target_semaphore(%arg12 : memref<!tpu.dma_semaphore, #tpu.memory_space<semaphore_mem>>)
      %dma_wait3A = tpu.memref_slice %arg2[%add3A_32] : memref<320000xi32, #tpu.memory_space<hbm>> -> memref<80xi32, #tpu.memory_space<hbm>>
      %dma_wait3A_38 = tpu.memref_slice %arg2[%add3A_32] : memref<320000xi32, #tpu.memory_space<hbm>> -> memref<80xi32, #tpu.memory_space<hbm>>
      tpu.wait_dma2 semaphore(%arg11 : memref<!tpu.dma_semaphore, #tpu.memory_space<semaphore_mem>>) src(%dma_wait3A_38 : memref<80xi32, #tpu.memory_space<hbm>>) dst(%arg7 : memref<80xi32, #tpu.memory_space<vmem>>)
      %dma_start3A_39 = arith.constant 0 : i32
      %dma_start3A_40 = arith.constant 0 : i32
      %dma_start3A_41 = tpu.memref_slice %arg10[%dma_start3A_39, %dma_start3A_40] : memref<10000x128xf32, #tpu.memory_space<vmem_shared>> -> memref<10000x128xf32, #tpu.memory_space<vmem_shared>>
      tpu.enqueue_indirect_dma source(%arg6 : memref<80x128xf32, #tpu.memory_space<vmem>>) target(%dma_start3A_41 : memref<10000x128xf32, #tpu.memory_space<vmem_shared>>) offsets(%arg7 : memref<80xi32, #tpu.memory_space<vmem>>) semaphore(%arg13 : memref<!tpu.dma_semaphore, #tpu.memory_space<semaphore_mem>>) {add = true}
      %dma_wait3A_42 = tpu.memref_slice %arg2[%add3A_35] : memref<320000xi32, #tpu.memory_space<hbm>> -> memref<80xi32, #tpu.memory_space<hbm>>
      %dma_wait3A_43 = tpu.memref_slice %arg2[%add3A_35] : memref<320000xi32, #tpu.memory_space<hbm>> -> memref<80xi32, #tpu.memory_space<hbm>>
      tpu.wait_dma2 semaphore(%arg12 : memref<!tpu.dma_semaphore, #tpu.memory_space<semaphore_mem>>) src(%dma_wait3A_43 : memref<80xi32, #tpu.memory_space<hbm>>) dst(%arg8 : memref<80xi32, #tpu.memory_space<vmem>>)
      %dma_start3A_44 = arith.constant 0 : i32
      %dma_start3A_45 = arith.constant 0 : i32
      %dma_start3A_46 = tpu.memref_slice %arg10[%dma_start3A_44, %dma_start3A_45] : memref<10000x128xf32, #tpu.memory_space<vmem_shared>> -> memref<10000x128xf32, #tpu.memory_space<vmem_shared>>
      tpu.enqueue_indirect_dma source(%arg6 : memref<80x128xf32, #tpu.memory_space<vmem>>) target(%dma_start3A_46 : memref<10000x128xf32, #tpu.memory_space<vmem_shared>>) offsets(%arg8 : memref<80xi32, #tpu.memory_space<vmem>>) semaphore(%arg14 : memref<!tpu.dma_semaphore, #tpu.memory_space<semaphore_mem>>) {add = true}
      %dma_wait3A_47 = arith.constant 0 : i32
      %dma_wait3A_48 = arith.constant 0 : i32
      %dma_wait3A_49 = tpu.memref_slice %arg10[%dma_wait3A_47, %dma_wait3A_48] : memref<10000x128xf32, #tpu.memory_space<vmem_shared>> -> memref<10000x128xf32, #tpu.memory_space<vmem_shared>>
      tpu.wait_indirect_dma semaphore(%arg13 : memref<!tpu.dma_semaphore, #tpu.memory_space<semaphore_mem>>) src(%arg6 : memref<80x128xf32, #tpu.memory_space<vmem>>) dst(%dma_wait3A_49 : memref<10000x128xf32, #tpu.memory_space<vmem_shared>>)
      %dma_wait3A_50 = arith.constant 0 : i32
      %dma_wait3A_51 = arith.constant 0 : i32
      %dma_wait3A_52 = tpu.memref_slice %arg10[%dma_wait3A_50, %dma_wait3A_51] : memref<10000x128xf32, #tpu.memory_space<vmem_shared>> -> memref<10000x128xf32, #tpu.memory_space<vmem_shared>>
      tpu.wait_indirect_dma semaphore(%arg14 : memref<!tpu.dma_semaphore, #tpu.memory_space<semaphore_mem>>) src(%arg6 : memref<80x128xf32, #tpu.memory_space<vmem>>) dst(%dma_wait3A_52 : memref<10000x128xf32, #tpu.memory_space<vmem_shared>>)
      %scan3A_53 = arith.constant 0 : i32
      scf.yield %scan3A_53 : i32
    }
    %scan3A_15 = arith.constant 62 : i32
    %add3A_16 = arith.constant 9920 : i32
    %add3A_17 = arith.addi %mul3A_8, %add3A_16 : i32
    "tpu.region"() ({
      %run_scoped3A = tpu.sem_alloc : memref<!tpu.dma_semaphore, #tpu.memory_space<semaphore_mem>>
      %dma_start3A = tpu.memref_slice %arg2[%add3A_17] : memref<320000xi32, #tpu.memory_space<hbm>> -> memref<80xi32, #tpu.memory_space<hbm>>
      %dma_start3A_26 = tpu.memref_slice %arg2[%add3A_17] : memref<320000xi32, #tpu.memory_space<hbm>> -> memref<80xi32, #tpu.memory_space<hbm>>
      tpu.enqueue_dma source(%dma_start3A_26 : memref<80xi32, #tpu.memory_space<hbm>>) target(%arg7 : memref<80xi32, #tpu.memory_space<vmem>>) target_semaphore(%run_scoped3A : memref<!tpu.dma_semaphore, #tpu.memory_space<semaphore_mem>>)
      %dma_wait3A = tpu.memref_slice %arg2[%add3A_17] : memref<320000xi32, #tpu.memory_space<hbm>> -> memref<80xi32, #tpu.memory_space<hbm>>
      %dma_wait3A_27 = tpu.memref_slice %arg2[%add3A_17] : memref<320000xi32, #tpu.memory_space<hbm>> -> memref<80xi32, #tpu.memory_space<hbm>>
      tpu.wait_dma2 semaphore(%run_scoped3A : memref<!tpu.dma_semaphore, #tpu.memory_space<semaphore_mem>>) src(%dma_wait3A_27 : memref<80xi32, #tpu.memory_space<hbm>>) dst(%arg7 : memref<80xi32, #tpu.memory_space<vmem>>)
      tpu.yield
    }) : () -> ()
    "tpu.region"() ({
      %run_scoped3A = tpu.sem_alloc : memref<!tpu.dma_semaphore, #tpu.memory_space<semaphore_mem>>
      %dma_start3A = arith.constant 0 : i32
      %dma_start3A_26 = arith.constant 0 : i32
      %dma_start3A_27 = tpu.memref_slice %arg10[%dma_start3A, %dma_start3A_26] : memref<10000x128xf32, #tpu.memory_space<vmem_shared>> -> memref<10000x128xf32, #tpu.memory_space<vmem_shared>>
      tpu.enqueue_indirect_dma source(%arg6 : memref<80x128xf32, #tpu.memory_space<vmem>>) target(%dma_start3A_27 : memref<10000x128xf32, #tpu.memory_space<vmem_shared>>) offsets(%arg7 : memref<80xi32, #tpu.memory_space<vmem>>) semaphore(%run_scoped3A : memref<!tpu.dma_semaphore, #tpu.memory_space<semaphore_mem>>) {add = true}
      %dma_wait3A = arith.constant 0 : i32
      %dma_wait3A_28 = arith.constant 0 : i32
      %dma_wait3A_29 = tpu.memref_slice %arg10[%dma_wait3A, %dma_wait3A_28] : memref<10000x128xf32, #tpu.memory_space<vmem_shared>> -> memref<10000x128xf32, #tpu.memory_space<vmem_shared>>
      tpu.wait_indirect_dma semaphore(%run_scoped3A : memref<!tpu.dma_semaphore, #tpu.memory_space<semaphore_mem>>) src(%arg6 : memref<80x128xf32, #tpu.memory_space<vmem>>) dst(%dma_wait3A_29 : memref<10000x128xf32, #tpu.memory_space<vmem_shared>>)
      tpu.yield
    }) : () -> ()
    %barrier3A_18 = arith.constant 0 : index
    tpu.barrier barrier_id(%barrier3A_18)
    %scan3A_19 = arith.constant 0 : i32
    %scan3A_20 = arith.constant 0 : i32
    %scan3A_21 = arith.constant 16 : i32
    %scan3A_22 = arith.addi %scan3A_20, %scan3A_21 : i32
    %scan3A_23 = arith.constant 1 : i32
    %scan3A_24 = scf.for %scan3A_26 = %scan3A_20 to %scan3A_22 step %scan3A_23 iter_args(%scan3A_27 = %scan3A_19) -> (i32)  : i32 {
      %mul3A_28 = arith.constant 624 : i32
      %mul3A_29 = arith.muli %arg1, %mul3A_28 : i32
      %mul3A_30 = arith.constant 40 : i32
      %mul3A_31 = arith.muli %scan3A_26, %mul3A_30 : i32
      %add3A_32 = arith.addi %mul3A_29, %mul3A_31 : i32
      "tpu.region"() ({
        %run_scoped3A = tpu.sem_alloc : memref<!tpu.dma_semaphore, #tpu.memory_space<semaphore_mem>>
        %dma_start3A = arith.constant 0 : i32
        %dma_start3A_34 = tpu.memref_slice %arg10[%add3A_32, %dma_start3A] : memref<10000x128xf32, #tpu.memory_space<vmem_shared>> -> memref<40x128xf32, #tpu.memory_space<vmem_shared>>
        %dma_start3A_35 = arith.constant 0 : i32
        %dma_start3A_36 = tpu.memref_slice %arg10[%add3A_32, %dma_start3A_35] : memref<10000x128xf32, #tpu.memory_space<vmem_shared>> -> memref<40x128xf32, #tpu.memory_space<vmem_shared>>
        tpu.enqueue_dma source(%dma_start3A_36 : memref<40x128xf32, #tpu.memory_space<vmem_shared>>) target(%arg9 : memref<40x128xf32, #tpu.memory_space<vmem>>) target_semaphore(%run_scoped3A : memref<!tpu.dma_semaphore, #tpu.memory_space<semaphore_mem>>)
        %dma_wait3A = arith.constant 0 : i32
        %dma_wait3A_37 = tpu.memref_slice %arg10[%add3A_32, %dma_wait3A] : memref<10000x128xf32, #tpu.memory_space<vmem_shared>> -> memref<40x128xf32, #tpu.memory_space<vmem_shared>>
        %dma_wait3A_38 = arith.constant 0 : i32
        %dma_wait3A_39 = tpu.memref_slice %arg10[%add3A_32, %dma_wait3A_38] : memref<10000x128xf32, #tpu.memory_space<vmem_shared>> -> memref<40x128xf32, #tpu.memory_space<vmem_shared>>
        tpu.wait_dma2 semaphore(%run_scoped3A : memref<!tpu.dma_semaphore, #tpu.memory_space<semaphore_mem>>) src(%dma_wait3A_39 : memref<40x128xf32, #tpu.memory_space<vmem_shared>>) dst(%arg9 : memref<40x128xf32, #tpu.memory_space<vmem>>)
        tpu.yield
      }) : () -> ()
      "tpu.region"() ({
        %run_scoped3A = tpu.sem_alloc : memref<!tpu.dma_semaphore, #tpu.memory_space<semaphore_mem>>
        %dma_start3A = arith.constant 0 : i32
        %dma_start3A_34 = tpu.memref_slice %arg5[%arg0, %add3A_32, %dma_start3A] : memref<2x10000x128xf32, #tpu.memory_space<hbm>> -> memref<1x40x128xf32, #tpu.memory_space<hbm>>
        %dma_start3A_35 = tpu.memref_squeeze %dma_start3A_34 : memref<1x40x128xf32, #tpu.memory_space<hbm>> -> memref<40x128xf32, #tpu.memory_space<hbm>>
        %dma_start3A_36 = arith.constant 0 : i32
        %dma_start3A_37 = tpu.memref_slice %arg5[%arg0, %add3A_32, %dma_start3A_36] : memref<2x10000x128xf32, #tpu.memory_space<hbm>> -> memref<1x40x128xf32, #tpu.memory_space<hbm>>
        %dma_start3A_38 = tpu.memref_squeeze %dma_start3A_37 : memref<1x40x128xf32, #tpu.memory_space<hbm>> -> memref<40x128xf32, #tpu.memory_space<hbm>>
        tpu.enqueue_dma source(%arg9 : memref<40x128xf32, #tpu.memory_space<vmem>>) target(%dma_start3A_38 : memref<40x128xf32, #tpu.memory_space<hbm>>) target_semaphore(%run_scoped3A : memref<!tpu.dma_semaphore, #tpu.memory_space<semaphore_mem>>)
        %dma_wait3A = arith.constant 0 : i32
        %dma_wait3A_39 = tpu.memref_slice %arg5[%arg0, %add3A_32, %dma_wait3A] : memref<2x10000x128xf32, #tpu.memory_space<hbm>> -> memref<1x40x128xf32, #tpu.memory_space<hbm>>
        %dma_wait3A_40 = tpu.memref_squeeze %dma_wait3A_39 : memref<1x40x128xf32, #tpu.memory_space<hbm>> -> memref<40x128xf32, #tpu.memory_space<hbm>>
        %dma_wait3A_41 = arith.constant 0 : i32
        %dma_wait3A_42 = tpu.memref_slice %arg5[%arg0, %add3A_32, %dma_wait3A_41] : memref<2x10000x128xf32, #tpu.memory_space<hbm>> -> memref<1x40x128xf32, #tpu.memory_space<hbm>>
        %dma_wait3A_43 = tpu.memref_squeeze %dma_wait3A_42 : memref<1x40x128xf32, #tpu.memory_space<hbm>> -> memref<40x128xf32, #tpu.memory_space<hbm>>
        tpu.wait_dma2 semaphore(%run_scoped3A : memref<!tpu.dma_semaphore, #tpu.memory_space<semaphore_mem>>) src(%arg9 : memref<40x128xf32, #tpu.memory_space<vmem>>) dst(%dma_wait3A_43 : memref<40x128xf32, #tpu.memory_space<hbm>>)
        tpu.yield
      }) : () -> ()
      %scan3A_33 = arith.constant 0 : i32
      scf.yield %scan3A_33 : i32
    }
    %scan3A_25 = arith.constant 16 : i32
    return
  }
}

module attributes {stable_mosaic.version = 14 : i64} {
  func.func @_node_pre_body(%arg0: i32, %arg1: memref<1000x128xf32, #tpu.memory_space<vmem>>, %arg2: memref<1x128xf32, #tpu.memory_space<vmem>>, %arg3: memref<1x128xf32, #tpu.memory_space<vmem>>, %arg4: memref<128x128xf32, #tpu.memory_space<vmem>>, %arg5: memref<128x128xf32, #tpu.memory_space<vmem>>, %arg6: memref<1x128xf32, #tpu.memory_space<vmem>>, %arg7: memref<1000x128xf32, #tpu.memory_space<vmem>>, %arg8: memref<1000x128xf32, #tpu.memory_space<vmem>>, %arg9: memref<1000x128xf32, #tpu.memory_space<vmem>>) attributes {dimension_semantics = [#tpu.dimension_semantics<arbitrary>], iteration_bounds = array<i64: 10>, scalar_prefetch = 0 : i64, scratch_operands = 0 : i64, tpu.core_type = #tpu.core_type<tc>, window_params = [{transform_indices = @transform_0, window_bounds = array<i64: 1000, 128>}, {pipeline_mode = #tpu.pipeline_mode<synchronous>, transform_indices = @transform_1, window_bounds = array<i64: 1, 128>}, {pipeline_mode = #tpu.pipeline_mode<synchronous>, transform_indices = @transform_2, window_bounds = array<i64: 1, 128>}, {pipeline_mode = #tpu.pipeline_mode<synchronous>, transform_indices = @transform_3, window_bounds = array<i64: 128, 128>}, {pipeline_mode = #tpu.pipeline_mode<synchronous>, transform_indices = @transform_4, window_bounds = array<i64: 128, 128>}, {pipeline_mode = #tpu.pipeline_mode<synchronous>, transform_indices = @transform_5, window_bounds = array<i64: 1, 128>}, {transform_indices = @transform_6, window_bounds = array<i64: 1000, 128>}, {transform_indices = @transform_7, window_bounds = array<i64: 1000, 128>}, {transform_indices = @transform_8, window_bounds = array<i64: 1000, 128>}]} {
    %get3A = arith.constant 0 : index
    %get3A_0 = arith.constant 0 : index
    %get3A_1 = vector.load %arg1[%get3A, %get3A_0] : memref<1000x128xf32, #tpu.memory_space<vmem>>, vector<1000x128xf32>
    %reduce_sum3A = arith.constant dense<0.000000e+00> : vector<1000xf32>
    %reduce_sum3A_2 = vector.multi_reduction <add>, %get3A_1, %reduce_sum3A [1] : vector<1000x128xf32> to vector<1000xf32>
    %broadcast_in_dim3A = vector.shape_cast %reduce_sum3A_2 : vector<1000xf32> to vector<1000x1xf32>
    %div3A = arith.constant 1.280000e+02 : f32
    %div3A_3 = vector.broadcast %div3A : f32 to vector<1000x1xf32>
    %div3A_4 = arith.divf %broadcast_in_dim3A, %div3A_3 : vector<1000x1xf32>
    %sub3A = vector.broadcast %div3A_4 : vector<1000x1xf32> to vector<1000x128xf32>
    %sub3A_5 = arith.subf %get3A_1, %sub3A : vector<1000x128xf32>
    %integer_pow3A = arith.mulf %sub3A_5, %sub3A_5 : vector<1000x128xf32>
    %reduce_sum3A_6 = arith.constant dense<0.000000e+00> : vector<1000xf32>
    %reduce_sum3A_7 = vector.multi_reduction <add>, %integer_pow3A, %reduce_sum3A_6 [1] : vector<1000x128xf32> to vector<1000xf32>
    %broadcast_in_dim3A_8 = vector.shape_cast %reduce_sum3A_7 : vector<1000xf32> to vector<1000x1xf32>
    %div3A_9 = arith.constant 1.280000e+02 : f32
    %div3A_10 = vector.broadcast %div3A_9 : f32 to vector<1000x1xf32>
    %div3A_11 = arith.divf %broadcast_in_dim3A_8, %div3A_10 : vector<1000x1xf32>
    %sub3A_12 = vector.broadcast %div3A_4 : vector<1000x1xf32> to vector<1000x128xf32>
    %sub3A_13 = arith.subf %get3A_1, %sub3A_12 : vector<1000x128xf32>
    %add3A = arith.constant 9.99999974E-6 : f32
    %add3A_14 = vector.broadcast %add3A : f32 to vector<1000x1xf32>
    %add3A_15 = arith.addf %div3A_11, %add3A_14 : vector<1000x1xf32>
    %rsqrt3A = math.rsqrt %add3A_15 : vector<1000x1xf32>
    %mul3A = vector.broadcast %rsqrt3A : vector<1000x1xf32> to vector<1000x128xf32>
    %mul3A_16 = arith.mulf %sub3A_13, %mul3A : vector<1000x128xf32>
    %get3A_17 = arith.constant 0 : index
    %get3A_18 = arith.constant 0 : index
    %get3A_19 = vector.load %arg2[%get3A_17, %get3A_18] : memref<1x128xf32, #tpu.memory_space<vmem>>, vector<1x128xf32>
    %mul3A_20 = vector.broadcast %get3A_19 : vector<1x128xf32> to vector<1000x128xf32>
    %mul3A_21 = arith.mulf %mul3A_16, %mul3A_20 : vector<1000x128xf32>
    %get3A_22 = arith.constant 0 : index
    %get3A_23 = arith.constant 0 : index
    %get3A_24 = vector.load %arg3[%get3A_22, %get3A_23] : memref<1x128xf32, #tpu.memory_space<vmem>>, vector<1x128xf32>
    %add3A_25 = vector.broadcast %get3A_24 : vector<1x128xf32> to vector<1000x128xf32>
    %add3A_26 = arith.addf %mul3A_21, %add3A_25 : vector<1000x128xf32>
    %swap3A = arith.constant 0 : index
    %swap3A_27 = arith.constant 0 : index
    %swap3A_28 = vector.load %arg7[%swap3A, %swap3A_27] : memref<1000x128xf32, #tpu.memory_space<vmem>>, vector<1000x128xf32>
    tpu.vector_store %arg7[%swap3A, %swap3A_27], %add3A_26 {strides = array<i32>} : memref<1000x128xf32, #tpu.memory_space<vmem>>, vector<1000x128xf32>,
    %get3A_29 = arith.constant 0 : index
    %get3A_30 = arith.constant 0 : index
    %get3A_31 = vector.load %arg4[%get3A_29, %get3A_30] : memref<128x128xf32, #tpu.memory_space<vmem>>, vector<128x128xf32>
    %dot_general3A = arith.constant dense<0.000000e+00> : vector<1000x128xf32>
    %dot_general3A_32 = tpu.matmul %add3A_26, %get3A_31, %dot_general3A {dimension_numbers = #tpu.dot_dimension_numbers<[1], [0], [0], [1], [0, 0, 1, 1], [], []>, transpose_lhs_hint = false} : vector<1000x128xf32>, vector<128x128xf32>, vector<1000x128xf32> -> vector<1000x128xf32>
    %swap3A_33 = arith.constant 0 : index
    %swap3A_34 = arith.constant 0 : index
    %swap3A_35 = vector.load %arg8[%swap3A_33, %swap3A_34] : memref<1000x128xf32, #tpu.memory_space<vmem>>, vector<1000x128xf32>
    tpu.vector_store %arg8[%swap3A_33, %swap3A_34], %dot_general3A_32 {strides = array<i32>} : memref<1000x128xf32, #tpu.memory_space<vmem>>, vector<1000x128xf32>,
    %get3A_36 = arith.constant 0 : index
    %get3A_37 = arith.constant 0 : index
    %get3A_38 = vector.load %arg5[%get3A_36, %get3A_37] : memref<128x128xf32, #tpu.memory_space<vmem>>, vector<128x128xf32>
    %dot_general3A_39 = arith.constant dense<0.000000e+00> : vector<1000x128xf32>
    %dot_general3A_40 = tpu.matmul %add3A_26, %get3A_38, %dot_general3A_39 {dimension_numbers = #tpu.dot_dimension_numbers<[1], [0], [0], [1], [0, 0, 1, 1], [], []>, transpose_lhs_hint = false} : vector<1000x128xf32>, vector<128x128xf32>, vector<1000x128xf32> -> vector<1000x128xf32>
    %get3A_41 = arith.constant 0 : index
    %get3A_42 = arith.constant 0 : index
    %get3A_43 = vector.load %arg6[%get3A_41, %get3A_42] : memref<1x128xf32, #tpu.memory_space<vmem>>, vector<1x128xf32>
    %add3A_44 = vector.broadcast %get3A_43 : vector<1x128xf32> to vector<1000x128xf32>
    %add3A_45 = arith.addf %dot_general3A_40, %add3A_44 : vector<1000x128xf32>
    %swap3A_46 = arith.constant 0 : index
    %swap3A_47 = arith.constant 0 : index
    %swap3A_48 = vector.load %arg9[%swap3A_46, %swap3A_47] : memref<1000x128xf32, #tpu.memory_space<vmem>>, vector<1000x128xf32>
    tpu.vector_store %arg9[%swap3A_46, %swap3A_47], %add3A_45 {strides = array<i32>} : memref<1000x128xf32, #tpu.memory_space<vmem>>, vector<1000x128xf32>,
    return
  }
  func.func @transform_0(%arg0: i32) -> (i32, i32) {
    %c0_i32 = arith.constant 0 : i32
    %c0_i32_0 = arith.constant 0 : i32
    return %arg0, %c0_i32 : i32, i32
  }
  func.func @transform_1(%arg0: i32) -> (i32, i32) {
    %c0_i32 = arith.constant 0 : i32
    %c0_i32_0 = arith.constant 0 : i32
    %c0_i32_1 = arith.constant 0 : i32
    return %c0_i32, %c0_i32_0 : i32, i32
  }
  func.func @transform_2(%arg0: i32) -> (i32, i32) {
    %c0_i32 = arith.constant 0 : i32
    %c0_i32_0 = arith.constant 0 : i32
    %c0_i32_1 = arith.constant 0 : i32
    return %c0_i32, %c0_i32_0 : i32, i32
  }
  func.func @transform_3(%arg0: i32) -> (i32, i32) {
    %c0_i32 = arith.constant 0 : i32
    %c0_i32_0 = arith.constant 0 : i32
    %c0_i32_1 = arith.constant 0 : i32
    return %c0_i32, %c0_i32_0 : i32, i32
  }
  func.func @transform_4(%arg0: i32) -> (i32, i32) {
    %c0_i32 = arith.constant 0 : i32
    %c0_i32_0 = arith.constant 0 : i32
    %c0_i32_1 = arith.constant 0 : i32
    return %c0_i32, %c0_i32_0 : i32, i32
  }
  func.func @transform_5(%arg0: i32) -> (i32, i32) {
    %c0_i32 = arith.constant 0 : i32
    %c0_i32_0 = arith.constant 0 : i32
    %c0_i32_1 = arith.constant 0 : i32
    return %c0_i32, %c0_i32_0 : i32, i32
  }
  func.func @transform_6(%arg0: i32) -> (i32, i32) {
    %c0_i32 = arith.constant 0 : i32
    %c0_i32_0 = arith.constant 0 : i32
    return %arg0, %c0_i32 : i32, i32
  }
  func.func @transform_7(%arg0: i32) -> (i32, i32) {
    %c0_i32 = arith.constant 0 : i32
    %c0_i32_0 = arith.constant 0 : i32
    return %arg0, %c0_i32 : i32, i32
  }
  func.func @transform_8(%arg0: i32) -> (i32, i32) {
    %c0_i32 = arith.constant 0 : i32
    %c0_i32_0 = arith.constant 0 : i32
    return %arg0, %c0_i32 : i32, i32
  }
}

module attributes {stable_mosaic.version = 14 : i64} {
  func.func @_edge_body(%arg0: i32, %arg1: memref<2000x128xi32, #tpu.memory_space<vmem>>, %arg2: memref<2000x9xf32, #tpu.memory_space<vmem>>, %arg3: memref<2000x50xf32, #tpu.memory_space<vmem>>, %arg4: memref<2000x9xf32, #tpu.memory_space<vmem>>, %arg5: memref<2000x50xf32, #tpu.memory_space<vmem>>, %arg6: memref<9x128xf32, #tpu.memory_space<vmem>>, %arg7: memref<50x128xf32, #tpu.memory_space<vmem>>, %arg8: memref<64x128xf32, #tpu.memory_space<vmem>>, %arg9: memref<64x128xf32, #tpu.memory_space<vmem>>, %arg10: memref<1x128xf32, #tpu.memory_space<vmem>>, %arg11: memref<2x2000x128xf32, #tpu.memory_space<vmem>>) attributes {dimension_semantics = [#tpu.dimension_semantics<arbitrary>], iteration_bounds = array<i64: 80>, scalar_prefetch = 0 : i64, scratch_operands = 0 : i64, tpu.core_type = #tpu.core_type<tc>, window_params = [{transform_indices = @transform_0, window_bounds = array<i64: 2000, 128>}, {transform_indices = @transform_1, window_bounds = array<i64: 2000, 9>}, {transform_indices = @transform_2, window_bounds = array<i64: 2000, 50>}, {transform_indices = @transform_3, window_bounds = array<i64: 2000, 9>}, {transform_indices = @transform_4, window_bounds = array<i64: 2000, 50>}, {pipeline_mode = #tpu.pipeline_mode<synchronous>, transform_indices = @transform_5, window_bounds = array<i64: 9, 128>}, {pipeline_mode = #tpu.pipeline_mode<synchronous>, transform_indices = @transform_6, window_bounds = array<i64: 50, 128>}, {pipeline_mode = #tpu.pipeline_mode<synchronous>, transform_indices = @transform_7, window_bounds = array<i64: 64, 128>}, {pipeline_mode = #tpu.pipeline_mode<synchronous>, transform_indices = @transform_8, window_bounds = array<i64: 64, 128>}, {pipeline_mode = #tpu.pipeline_mode<synchronous>, transform_indices = @transform_9, window_bounds = array<i64: 1, 128>}, {transform_indices = @transform_10, window_bounds = array<i64: 2, 2000, 128>}]} {
    %get3A = arith.constant 0 : index
    %get3A_0 = arith.constant 0 : index
    %get3A_1 = vector.load %arg1[%get3A, %get3A_0] : memref<2000x128xi32, #tpu.memory_space<vmem>>, vector<2000x128xi32>
    %slice3A = vector.extract_strided_slice %get3A_1 {offsets = [0, 0], sizes = [2000, 64], strides = [1, 1]} : vector<2000x128xi32> to vector<2000x64xi32>
    %get3A_2 = arith.constant 0 : index
    %get3A_3 = arith.constant 0 : index
    %get3A_4 = vector.load %arg2[%get3A_2, %get3A_3] : memref<2000x9xf32, #tpu.memory_space<vmem>>, vector<2000x9xf32>
    %get3A_5 = arith.constant 0 : index
    %get3A_6 = arith.constant 0 : index
    %get3A_7 = vector.load %arg3[%get3A_5, %get3A_6] : memref<2000x50xf32, #tpu.memory_space<vmem>>, vector<2000x50xf32>
    %shift_left3A = arith.constant 16 : i32
    %shift_left3A_8 = vector.broadcast %shift_left3A : i32 to vector<2000x64xi32>
    %shift_left3A_9 = arith.shli %slice3A, %shift_left3A_8 : vector<2000x64xi32>
    %bitcast_convert_type3A = tpu.bitcast %shift_left3A_9 : vector<2000x64xi32> -> vector<2000x64xf32>
    %and3A = arith.constant -65536 : i32
    %and3A_10 = vector.broadcast %and3A : i32 to vector<2000x64xi32>
    %and3A_11 = arith.andi %slice3A, %and3A_10 : vector<2000x64xi32>
    %bitcast_convert_type3A_12 = tpu.bitcast %and3A_11 : vector<2000x64xi32> -> vector<2000x64xf32>
    %get3A_13 = arith.constant 0 : index
    %get3A_14 = arith.constant 0 : index
    %get3A_15 = vector.load %arg6[%get3A_13, %get3A_14] : memref<9x128xf32, #tpu.memory_space<vmem>>, vector<9x128xf32>
    %dot_general3A = arith.constant dense<0.000000e+00> : vector<2000x128xf32>
    %dot_general3A_16 = tpu.matmul %get3A_4, %get3A_15, %dot_general3A {dimension_numbers = #tpu.dot_dimension_numbers<[1], [0], [0], [1], [0, 0, 1, 1], [], []>, transpose_lhs_hint = false} : vector<2000x9xf32>, vector<9x128xf32>, vector<2000x128xf32> -> vector<2000x128xf32>
    %get3A_17 = arith.constant 0 : index
    %get3A_18 = arith.constant 0 : index
    %get3A_19 = vector.load %arg7[%get3A_17, %get3A_18] : memref<50x128xf32, #tpu.memory_space<vmem>>, vector<50x128xf32>
    %dot_general3A_20 = arith.constant dense<0.000000e+00> : vector<2000x128xf32>
    %dot_general3A_21 = tpu.matmul %get3A_7, %get3A_19, %dot_general3A_20 {dimension_numbers = #tpu.dot_dimension_numbers<[1], [0], [0], [1], [0, 0, 1, 1], [], []>, transpose_lhs_hint = false} : vector<2000x50xf32>, vector<50x128xf32>, vector<2000x128xf32> -> vector<2000x128xf32>
    %add3A = arith.addf %dot_general3A_16, %dot_general3A_21 : vector<2000x128xf32>
    %slice3A_22 = vector.extract_strided_slice %add3A {offsets = [0, 0], sizes = [2000, 64], strides = [1, 1]} : vector<2000x128xf32> to vector<2000x64xf32>
    %add3A_23 = arith.addf %bitcast_convert_type3A, %slice3A_22 : vector<2000x64xf32>
    %slice3A_24 = vector.extract_strided_slice %add3A {offsets = [0, 64], sizes = [2000, 64], strides = [1, 1]} : vector<2000x128xf32> to vector<2000x64xf32>
    %add3A_25 = arith.addf %bitcast_convert_type3A_12, %slice3A_24 : vector<2000x64xf32>
    %logistic3A = arith.negf %add3A_23 : vector<2000x64xf32>
    %logistic3A_26 = math.exp %logistic3A : vector<2000x64xf32>
    %logistic3A_27 = arith.constant 1.000000e+00 : f32
    %logistic3A_28 = vector.broadcast %logistic3A_27 : f32 to vector<2000x64xf32>
    %logistic3A_29 = arith.addf %logistic3A_28, %logistic3A_26 : vector<2000x64xf32>
    %logistic3A_30 = arith.divf %logistic3A_28, %logistic3A_29 : vector<2000x64xf32>
    %mul3A = arith.mulf %add3A_23, %logistic3A_30 : vector<2000x64xf32>
    %logistic3A_31 = arith.negf %add3A_25 : vector<2000x64xf32>
    %logistic3A_32 = math.exp %logistic3A_31 : vector<2000x64xf32>
    %logistic3A_33 = arith.constant 1.000000e+00 : f32
    %logistic3A_34 = vector.broadcast %logistic3A_33 : f32 to vector<2000x64xf32>
    %logistic3A_35 = arith.addf %logistic3A_34, %logistic3A_32 : vector<2000x64xf32>
    %logistic3A_36 = arith.divf %logistic3A_34, %logistic3A_35 : vector<2000x64xf32>
    %mul3A_37 = arith.mulf %add3A_25, %logistic3A_36 : vector<2000x64xf32>
    %get3A_38 = arith.constant 0 : index
    %get3A_39 = arith.constant 0 : index
    %get3A_40 = vector.load %arg8[%get3A_38, %get3A_39] : memref<64x128xf32, #tpu.memory_space<vmem>>, vector<64x128xf32>
    %dot_general3A_41 = arith.constant dense<0.000000e+00> : vector<2000x128xf32>
    %dot_general3A_42 = tpu.matmul %mul3A, %get3A_40, %dot_general3A_41 {dimension_numbers = #tpu.dot_dimension_numbers<[1], [0], [0], [1], [0, 0, 1, 1], [], []>, transpose_lhs_hint = false} : vector<2000x64xf32>, vector<64x128xf32>, vector<2000x128xf32> -> vector<2000x128xf32>
    %get3A_43 = arith.constant 0 : index
    %get3A_44 = arith.constant 0 : index
    %get3A_45 = vector.load %arg9[%get3A_43, %get3A_44] : memref<64x128xf32, #tpu.memory_space<vmem>>, vector<64x128xf32>
    %dot_general3A_46 = arith.constant dense<0.000000e+00> : vector<2000x128xf32>
    %dot_general3A_47 = tpu.matmul %mul3A_37, %get3A_45, %dot_general3A_46 {dimension_numbers = #tpu.dot_dimension_numbers<[1], [0], [0], [1], [0, 0, 1, 1], [], []>, transpose_lhs_hint = false} : vector<2000x64xf32>, vector<64x128xf32>, vector<2000x128xf32> -> vector<2000x128xf32>
    %add3A_48 = arith.addf %dot_general3A_42, %dot_general3A_47 : vector<2000x128xf32>
    %get3A_49 = arith.constant 0 : index
    %get3A_50 = arith.constant 0 : index
    %get3A_51 = vector.load %arg10[%get3A_49, %get3A_50] : memref<1x128xf32, #tpu.memory_space<vmem>>, vector<1x128xf32>
    %add3A_52 = vector.broadcast %get3A_51 : vector<1x128xf32> to vector<2000x128xf32>
    %add3A_53 = arith.addf %add3A_48, %add3A_52 : vector<2000x128xf32>
    %logistic3A_54 = arith.negf %add3A_53 : vector<2000x128xf32>
    %logistic3A_55 = math.exp %logistic3A_54 : vector<2000x128xf32>
    %logistic3A_56 = arith.constant 1.000000e+00 : f32
    %logistic3A_57 = vector.broadcast %logistic3A_56 : f32 to vector<2000x128xf32>
    %logistic3A_58 = arith.addf %logistic3A_57, %logistic3A_55 : vector<2000x128xf32>
    %logistic3A_59 = arith.divf %logistic3A_57, %logistic3A_58 : vector<2000x128xf32>
    %mul3A_60 = arith.mulf %add3A_53, %logistic3A_59 : vector<2000x128xf32>
    %swap3A = arith.constant 0 : index
    %swap3A_61 = arith.constant 0 : index
    %swap3A_62 = arith.constant 0 : index
    %swap3A_63 = vector.load %arg11[%swap3A, %swap3A_61, %swap3A_62] : memref<2x2000x128xf32, #tpu.memory_space<vmem>>, vector<1x2000x128xf32>
    %swap3A_64 = vector.shape_cast %swap3A_63 : vector<1x2000x128xf32> to vector<2000x128xf32>
    %swap3A_65 = vector.shape_cast %mul3A_60 : vector<2000x128xf32> to vector<1x2000x128xf32>
    tpu.vector_store %arg11[%swap3A, %swap3A_61, %swap3A_62], %swap3A_65 {strides = array<i32>} : memref<2x2000x128xf32, #tpu.memory_space<vmem>>, vector<1x2000x128xf32>,
    %slice3A_66 = vector.extract_strided_slice %get3A_1 {offsets = [0, 64], sizes = [2000, 64], strides = [1, 1]} : vector<2000x128xi32> to vector<2000x64xi32>
    %get3A_67 = arith.constant 0 : index
    %get3A_68 = arith.constant 0 : index
    %get3A_69 = vector.load %arg4[%get3A_67, %get3A_68] : memref<2000x9xf32, #tpu.memory_space<vmem>>, vector<2000x9xf32>
    %get3A_70 = arith.constant 0 : index
    %get3A_71 = arith.constant 0 : index
    %get3A_72 = vector.load %arg5[%get3A_70, %get3A_71] : memref<2000x50xf32, #tpu.memory_space<vmem>>, vector<2000x50xf32>
    %shift_left3A_73 = arith.constant 16 : i32
    %shift_left3A_74 = vector.broadcast %shift_left3A_73 : i32 to vector<2000x64xi32>
    %shift_left3A_75 = arith.shli %slice3A_66, %shift_left3A_74 : vector<2000x64xi32>
    %bitcast_convert_type3A_76 = tpu.bitcast %shift_left3A_75 : vector<2000x64xi32> -> vector<2000x64xf32>
    %and3A_77 = arith.constant -65536 : i32
    %and3A_78 = vector.broadcast %and3A_77 : i32 to vector<2000x64xi32>
    %and3A_79 = arith.andi %slice3A_66, %and3A_78 : vector<2000x64xi32>
    %bitcast_convert_type3A_80 = tpu.bitcast %and3A_79 : vector<2000x64xi32> -> vector<2000x64xf32>
    %get3A_81 = arith.constant 0 : index
    %get3A_82 = arith.constant 0 : index
    %get3A_83 = vector.load %arg6[%get3A_81, %get3A_82] : memref<9x128xf32, #tpu.memory_space<vmem>>, vector<9x128xf32>
    %dot_general3A_84 = arith.constant dense<0.000000e+00> : vector<2000x128xf32>
    %dot_general3A_85 = tpu.matmul %get3A_69, %get3A_83, %dot_general3A_84 {dimension_numbers = #tpu.dot_dimension_numbers<[1], [0], [0], [1], [0, 0, 1, 1], [], []>, transpose_lhs_hint = false} : vector<2000x9xf32>, vector<9x128xf32>, vector<2000x128xf32> -> vector<2000x128xf32>
    %get3A_86 = arith.constant 0 : index
    %get3A_87 = arith.constant 0 : index
    %get3A_88 = vector.load %arg7[%get3A_86, %get3A_87] : memref<50x128xf32, #tpu.memory_space<vmem>>, vector<50x128xf32>
    %dot_general3A_89 = arith.constant dense<0.000000e+00> : vector<2000x128xf32>
    %dot_general3A_90 = tpu.matmul %get3A_72, %get3A_88, %dot_general3A_89 {dimension_numbers = #tpu.dot_dimension_numbers<[1], [0], [0], [1], [0, 0, 1, 1], [], []>, transpose_lhs_hint = false} : vector<2000x50xf32>, vector<50x128xf32>, vector<2000x128xf32> -> vector<2000x128xf32>
    %add3A_91 = arith.addf %dot_general3A_85, %dot_general3A_90 : vector<2000x128xf32>
    %slice3A_92 = vector.extract_strided_slice %add3A_91 {offsets = [0, 0], sizes = [2000, 64], strides = [1, 1]} : vector<2000x128xf32> to vector<2000x64xf32>
    %add3A_93 = arith.addf %bitcast_convert_type3A_76, %slice3A_92 : vector<2000x64xf32>
    %slice3A_94 = vector.extract_strided_slice %add3A_91 {offsets = [0, 64], sizes = [2000, 64], strides = [1, 1]} : vector<2000x128xf32> to vector<2000x64xf32>
    %add3A_95 = arith.addf %bitcast_convert_type3A_80, %slice3A_94 : vector<2000x64xf32>
    %logistic3A_96 = arith.negf %add3A_93 : vector<2000x64xf32>
    %logistic3A_97 = math.exp %logistic3A_96 : vector<2000x64xf32>
    %logistic3A_98 = arith.constant 1.000000e+00 : f32
    %logistic3A_99 = vector.broadcast %logistic3A_98 : f32 to vector<2000x64xf32>
    %logistic3A_100 = arith.addf %logistic3A_99, %logistic3A_97 : vector<2000x64xf32>
    %logistic3A_101 = arith.divf %logistic3A_99, %logistic3A_100 : vector<2000x64xf32>
    %mul3A_102 = arith.mulf %add3A_93, %logistic3A_101 : vector<2000x64xf32>
    %logistic3A_103 = arith.negf %add3A_95 : vector<2000x64xf32>
    %logistic3A_104 = math.exp %logistic3A_103 : vector<2000x64xf32>
    %logistic3A_105 = arith.constant 1.000000e+00 : f32
    %logistic3A_106 = vector.broadcast %logistic3A_105 : f32 to vector<2000x64xf32>
    %logistic3A_107 = arith.addf %logistic3A_106, %logistic3A_104 : vector<2000x64xf32>
    %logistic3A_108 = arith.divf %logistic3A_106, %logistic3A_107 : vector<2000x64xf32>
    %mul3A_109 = arith.mulf %add3A_95, %logistic3A_108 : vector<2000x64xf32>
    %get3A_110 = arith.constant 0 : index
    %get3A_111 = arith.constant 0 : index
    %get3A_112 = vector.load %arg8[%get3A_110, %get3A_111] : memref<64x128xf32, #tpu.memory_space<vmem>>, vector<64x128xf32>
    %dot_general3A_113 = arith.constant dense<0.000000e+00> : vector<2000x128xf32>
    %dot_general3A_114 = tpu.matmul %mul3A_102, %get3A_112, %dot_general3A_113 {dimension_numbers = #tpu.dot_dimension_numbers<[1], [0], [0], [1], [0, 0, 1, 1], [], []>, transpose_lhs_hint = false} : vector<2000x64xf32>, vector<64x128xf32>, vector<2000x128xf32> -> vector<2000x128xf32>
    %get3A_115 = arith.constant 0 : index
    %get3A_116 = arith.constant 0 : index
    %get3A_117 = vector.load %arg9[%get3A_115, %get3A_116] : memref<64x128xf32, #tpu.memory_space<vmem>>, vector<64x128xf32>
    %dot_general3A_118 = arith.constant dense<0.000000e+00> : vector<2000x128xf32>
    %dot_general3A_119 = tpu.matmul %mul3A_109, %get3A_117, %dot_general3A_118 {dimension_numbers = #tpu.dot_dimension_numbers<[1], [0], [0], [1], [0, 0, 1, 1], [], []>, transpose_lhs_hint = false} : vector<2000x64xf32>, vector<64x128xf32>, vector<2000x128xf32> -> vector<2000x128xf32>
    %add3A_120 = arith.addf %dot_general3A_114, %dot_general3A_119 : vector<2000x128xf32>
    %get3A_121 = arith.constant 0 : index
    %get3A_122 = arith.constant 0 : index
    %get3A_123 = vector.load %arg10[%get3A_121, %get3A_122] : memref<1x128xf32, #tpu.memory_space<vmem>>, vector<1x128xf32>
    %add3A_124 = vector.broadcast %get3A_123 : vector<1x128xf32> to vector<2000x128xf32>
    %add3A_125 = arith.addf %add3A_120, %add3A_124 : vector<2000x128xf32>
    %logistic3A_126 = arith.negf %add3A_125 : vector<2000x128xf32>
    %logistic3A_127 = math.exp %logistic3A_126 : vector<2000x128xf32>
    %logistic3A_128 = arith.constant 1.000000e+00 : f32
    %logistic3A_129 = vector.broadcast %logistic3A_128 : f32 to vector<2000x128xf32>
    %logistic3A_130 = arith.addf %logistic3A_129, %logistic3A_127 : vector<2000x128xf32>
    %logistic3A_131 = arith.divf %logistic3A_129, %logistic3A_130 : vector<2000x128xf32>
    %mul3A_132 = arith.mulf %add3A_125, %logistic3A_131 : vector<2000x128xf32>
    %swap3A_133 = arith.constant 1 : index
    %swap3A_134 = arith.constant 0 : index
    %swap3A_135 = arith.constant 0 : index
    %swap3A_136 = vector.load %arg11[%swap3A_133, %swap3A_134, %swap3A_135] : memref<2x2000x128xf32, #tpu.memory_space<vmem>>, vector<1x2000x128xf32>
    %swap3A_137 = vector.shape_cast %swap3A_136 : vector<1x2000x128xf32> to vector<2000x128xf32>
    %swap3A_138 = vector.shape_cast %mul3A_132 : vector<2000x128xf32> to vector<1x2000x128xf32>
    tpu.vector_store %arg11[%swap3A_133, %swap3A_134, %swap3A_135], %swap3A_138 {strides = array<i32>} : memref<2x2000x128xf32, #tpu.memory_space<vmem>>, vector<1x2000x128xf32>,
    return
  }
  func.func @transform_0(%arg0: i32) -> (i32, i32) {
    %c0_i32 = arith.constant 0 : i32
    %c0_i32_0 = arith.constant 0 : i32
    return %arg0, %c0_i32 : i32, i32
  }
  func.func @transform_1(%arg0: i32) -> (i32, i32) {
    %c0_i32 = arith.constant 0 : i32
    %c0_i32_0 = arith.constant 0 : i32
    return %arg0, %c0_i32 : i32, i32
  }
  func.func @transform_2(%arg0: i32) -> (i32, i32) {
    %c0_i32 = arith.constant 0 : i32
    %c0_i32_0 = arith.constant 0 : i32
    return %arg0, %c0_i32 : i32, i32
  }
  func.func @transform_3(%arg0: i32) -> (i32, i32) {
    %add3A = arith.constant 80 : i32
    %add3A_0 = arith.addi %arg0, %add3A : i32
    %c0_i32 = arith.constant 0 : i32
    %c0_i32_1 = arith.constant 0 : i32
    return %add3A_0, %c0_i32 : i32, i32
  }
  func.func @transform_4(%arg0: i32) -> (i32, i32) {
    %add3A = arith.constant 80 : i32
    %add3A_0 = arith.addi %arg0, %add3A : i32
    %c0_i32 = arith.constant 0 : i32
    %c0_i32_1 = arith.constant 0 : i32
    return %add3A_0, %c0_i32 : i32, i32
  }
  func.func @transform_5(%arg0: i32) -> (i32, i32) {
    %c0_i32 = arith.constant 0 : i32
    %c0_i32_0 = arith.constant 0 : i32
    %c0_i32_1 = arith.constant 0 : i32
    return %c0_i32, %c0_i32_0 : i32, i32
  }
  func.func @transform_6(%arg0: i32) -> (i32, i32) {
    %c0_i32 = arith.constant 0 : i32
    %c0_i32_0 = arith.constant 0 : i32
    %c0_i32_1 = arith.constant 0 : i32
    return %c0_i32, %c0_i32_0 : i32, i32
  }
  func.func @transform_7(%arg0: i32) -> (i32, i32) {
    %c0_i32 = arith.constant 0 : i32
    %c0_i32_0 = arith.constant 0 : i32
    %c0_i32_1 = arith.constant 0 : i32
    return %c0_i32, %c0_i32_0 : i32, i32
  }
  func.func @transform_8(%arg0: i32) -> (i32, i32) {
    %c0_i32 = arith.constant 0 : i32
    %c0_i32_0 = arith.constant 0 : i32
    %c0_i32_1 = arith.constant 0 : i32
    return %c0_i32, %c0_i32_0 : i32, i32
  }
  func.func @transform_9(%arg0: i32) -> (i32, i32) {
    %c0_i32 = arith.constant 0 : i32
    %c0_i32_0 = arith.constant 0 : i32
    %c0_i32_1 = arith.constant 0 : i32
    return %c0_i32, %c0_i32_0 : i32, i32
  }
  func.func @transform_10(%arg0: i32) -> (i32, i32, i32) {
    %c0_i32 = arith.constant 0 : i32
    %c0_i32_0 = arith.constant 0 : i32
    %c0_i32_1 = arith.constant 0 : i32
    return %c0_i32, %arg0, %c0_i32_0 : i32, i32, i32
  }
}

module attributes {stable_mosaic.version = 14 : i64} {
  func.func @_node_upd_body(%arg0: i32, %arg1: memref<1000x128xf32, #tpu.memory_space<vmem>>, %arg2: memref<1000x128xf32, #tpu.memory_space<vmem>>, %arg3: memref<2x1000x128xf32, #tpu.memory_space<vmem>>, %arg4: memref<2x1000x128xf32, #tpu.memory_space<vmem>>, %arg5: memref<128x128xf32, #tpu.memory_space<vmem>>, %arg6: memref<128x128xf32, #tpu.memory_space<vmem>>, %arg7: memref<1x128xf32, #tpu.memory_space<vmem>>, %arg8: memref<128x128xf32, #tpu.memory_space<vmem>>, %arg9: memref<1x128xf32, #tpu.memory_space<vmem>>, %arg10: memref<1000x128xf32, #tpu.memory_space<vmem>>) attributes {dimension_semantics = [#tpu.dimension_semantics<arbitrary>], iteration_bounds = array<i64: 10>, scalar_prefetch = 0 : i64, scratch_operands = 0 : i64, tpu.core_type = #tpu.core_type<tc>, window_params = [{transform_indices = @transform_0, window_bounds = array<i64: 1000, 128>}, {transform_indices = @transform_1, window_bounds = array<i64: 1000, 128>}, {transform_indices = @transform_2, window_bounds = array<i64: 2, 1000, 128>}, {transform_indices = @transform_3, window_bounds = array<i64: 2, 1000, 128>}, {pipeline_mode = #tpu.pipeline_mode<synchronous>, transform_indices = @transform_4, window_bounds = array<i64: 128, 128>}, {pipeline_mode = #tpu.pipeline_mode<synchronous>, transform_indices = @transform_5, window_bounds = array<i64: 128, 128>}, {pipeline_mode = #tpu.pipeline_mode<synchronous>, transform_indices = @transform_6, window_bounds = array<i64: 1, 128>}, {pipeline_mode = #tpu.pipeline_mode<synchronous>, transform_indices = @transform_7, window_bounds = array<i64: 128, 128>}, {pipeline_mode = #tpu.pipeline_mode<synchronous>, transform_indices = @transform_8, window_bounds = array<i64: 1, 128>}, {transform_indices = @transform_9, window_bounds = array<i64: 1000, 128>}]} {
    %get3A = arith.constant 0 : index
    %get3A_0 = arith.constant 0 : index
    %get3A_1 = arith.constant 0 : index
    %get3A_2 = vector.load %arg4[%get3A, %get3A_0, %get3A_1] : memref<2x1000x128xf32, #tpu.memory_space<vmem>>, vector<1x1000x1xf32>
    %get3A_3 = vector.shape_cast %get3A_2 : vector<1x1000x1xf32> to vector<1000x1xf32>
    %get3A_4 = arith.constant 1 : index
    %get3A_5 = arith.constant 0 : index
    %get3A_6 = arith.constant 0 : index
    %get3A_7 = vector.load %arg4[%get3A_4, %get3A_5, %get3A_6] : memref<2x1000x128xf32, #tpu.memory_space<vmem>>, vector<1x1000x1xf32>
    %get3A_8 = vector.shape_cast %get3A_7 : vector<1x1000x1xf32> to vector<1000x1xf32>
    %add3A = arith.addf %get3A_3, %get3A_8 : vector<1000x1xf32>
    %get3A_9 = arith.constant 0 : index
    %get3A_10 = arith.constant 0 : index
    %get3A_11 = arith.constant 0 : index
    %get3A_12 = vector.load %arg3[%get3A_9, %get3A_10, %get3A_11] : memref<2x1000x128xf32, #tpu.memory_space<vmem>>, vector<1x1000x128xf32>
    %get3A_13 = vector.shape_cast %get3A_12 : vector<1x1000x128xf32> to vector<1000x128xf32>
    %get3A_14 = arith.constant 1 : index
    %get3A_15 = arith.constant 0 : index
    %get3A_16 = arith.constant 0 : index
    %get3A_17 = vector.load %arg3[%get3A_14, %get3A_15, %get3A_16] : memref<2x1000x128xf32, #tpu.memory_space<vmem>>, vector<1x1000x128xf32>
    %get3A_18 = vector.shape_cast %get3A_17 : vector<1x1000x128xf32> to vector<1000x128xf32>
    %add3A_19 = arith.addf %get3A_13, %get3A_18 : vector<1000x128xf32>
    %max3A = arith.constant 1.000000e+00 : f32
    %max3A_20 = vector.broadcast %max3A : f32 to vector<1000x1xf32>
    %max3A_21 = arith.maximumf %add3A, %max3A_20 : vector<1000x1xf32>
    %div3A = vector.broadcast %max3A_21 : vector<1000x1xf32> to vector<1000x128xf32>
    %div3A_22 = arith.divf %add3A_19, %div3A : vector<1000x128xf32>
    %get3A_23 = arith.constant 0 : index
    %get3A_24 = arith.constant 0 : index
    %get3A_25 = vector.load %arg2[%get3A_23, %get3A_24] : memref<1000x128xf32, #tpu.memory_space<vmem>>, vector<1000x128xf32>
    %get3A_26 = arith.constant 0 : index
    %get3A_27 = arith.constant 0 : index
    %get3A_28 = vector.load %arg5[%get3A_26, %get3A_27] : memref<128x128xf32, #tpu.memory_space<vmem>>, vector<128x128xf32>
    %dot_general3A = arith.constant dense<0.000000e+00> : vector<1000x128xf32>
    %dot_general3A_29 = tpu.matmul %get3A_25, %get3A_28, %dot_general3A {dimension_numbers = #tpu.dot_dimension_numbers<[1], [0], [0], [1], [0, 0, 1, 1], [], []>, transpose_lhs_hint = false} : vector<1000x128xf32>, vector<128x128xf32>, vector<1000x128xf32> -> vector<1000x128xf32>
    %get3A_30 = arith.constant 0 : index
    %get3A_31 = arith.constant 0 : index
    %get3A_32 = vector.load %arg6[%get3A_30, %get3A_31] : memref<128x128xf32, #tpu.memory_space<vmem>>, vector<128x128xf32>
    %dot_general3A_33 = arith.constant dense<0.000000e+00> : vector<1000x128xf32>
    %dot_general3A_34 = tpu.matmul %div3A_22, %get3A_32, %dot_general3A_33 {dimension_numbers = #tpu.dot_dimension_numbers<[1], [0], [0], [1], [0, 0, 1, 1], [], []>, transpose_lhs_hint = false} : vector<1000x128xf32>, vector<128x128xf32>, vector<1000x128xf32> -> vector<1000x128xf32>
    %add3A_35 = arith.addf %dot_general3A_29, %dot_general3A_34 : vector<1000x128xf32>
    %get3A_36 = arith.constant 0 : index
    %get3A_37 = arith.constant 0 : index
    %get3A_38 = vector.load %arg7[%get3A_36, %get3A_37] : memref<1x128xf32, #tpu.memory_space<vmem>>, vector<1x128xf32>
    %add3A_39 = vector.broadcast %get3A_38 : vector<1x128xf32> to vector<1000x128xf32>
    %add3A_40 = arith.addf %add3A_35, %add3A_39 : vector<1000x128xf32>
    %logistic3A = arith.negf %add3A_40 : vector<1000x128xf32>
    %logistic3A_41 = math.exp %logistic3A : vector<1000x128xf32>
    %logistic3A_42 = arith.constant 1.000000e+00 : f32
    %logistic3A_43 = vector.broadcast %logistic3A_42 : f32 to vector<1000x128xf32>
    %logistic3A_44 = arith.addf %logistic3A_43, %logistic3A_41 : vector<1000x128xf32>
    %logistic3A_45 = arith.divf %logistic3A_43, %logistic3A_44 : vector<1000x128xf32>
    %mul3A = arith.mulf %add3A_40, %logistic3A_45 : vector<1000x128xf32>
    %get3A_46 = arith.constant 0 : index
    %get3A_47 = arith.constant 0 : index
    %get3A_48 = vector.load %arg8[%get3A_46, %get3A_47] : memref<128x128xf32, #tpu.memory_space<vmem>>, vector<128x128xf32>
    %dot_general3A_49 = arith.constant dense<0.000000e+00> : vector<1000x128xf32>
    %dot_general3A_50 = tpu.matmul %mul3A, %get3A_48, %dot_general3A_49 {dimension_numbers = #tpu.dot_dimension_numbers<[1], [0], [0], [1], [0, 0, 1, 1], [], []>, transpose_lhs_hint = false} : vector<1000x128xf32>, vector<128x128xf32>, vector<1000x128xf32> -> vector<1000x128xf32>
    %get3A_51 = arith.constant 0 : index
    %get3A_52 = arith.constant 0 : index
    %get3A_53 = vector.load %arg9[%get3A_51, %get3A_52] : memref<1x128xf32, #tpu.memory_space<vmem>>, vector<1x128xf32>
    %add3A_54 = vector.broadcast %get3A_53 : vector<1x128xf32> to vector<1000x128xf32>
    %add3A_55 = arith.addf %dot_general3A_50, %add3A_54 : vector<1000x128xf32>
    %get3A_56 = arith.constant 0 : index
    %get3A_57 = arith.constant 0 : index
    %get3A_58 = vector.load %arg1[%get3A_56, %get3A_57] : memref<1000x128xf32, #tpu.memory_space<vmem>>, vector<1000x128xf32>
    %logistic3A_59 = arith.negf %add3A_55 : vector<1000x128xf32>
    %logistic3A_60 = math.exp %logistic3A_59 : vector<1000x128xf32>
    %logistic3A_61 = arith.constant 1.000000e+00 : f32
    %logistic3A_62 = vector.broadcast %logistic3A_61 : f32 to vector<1000x128xf32>
    %logistic3A_63 = arith.addf %logistic3A_62, %logistic3A_60 : vector<1000x128xf32>
    %logistic3A_64 = arith.divf %logistic3A_62, %logistic3A_63 : vector<1000x128xf32>
    %mul3A_65 = arith.mulf %add3A_55, %logistic3A_64 : vector<1000x128xf32>
    %add3A_66 = arith.addf %get3A_58, %mul3A_65 : vector<1000x128xf32>
    %swap3A = arith.constant 0 : index
    %swap3A_67 = arith.constant 0 : index
    %swap3A_68 = vector.load %arg10[%swap3A, %swap3A_67] : memref<1000x128xf32, #tpu.memory_space<vmem>>, vector<1000x128xf32>
    tpu.vector_store %arg10[%swap3A, %swap3A_67], %add3A_66 {strides = array<i32>} : memref<1000x128xf32, #tpu.memory_space<vmem>>, vector<1000x128xf32>,
    return
  }
  func.func @transform_0(%arg0: i32) -> (i32, i32) {
    %c0_i32 = arith.constant 0 : i32
    %c0_i32_0 = arith.constant 0 : i32
    return %arg0, %c0_i32 : i32, i32
  }
  func.func @transform_1(%arg0: i32) -> (i32, i32) {
    %c0_i32 = arith.constant 0 : i32
    %c0_i32_0 = arith.constant 0 : i32
    return %arg0, %c0_i32 : i32, i32
  }
  func.func @transform_2(%arg0: i32) -> (i32, i32, i32) {
    %c0_i32 = arith.constant 0 : i32
    %c0_i32_0 = arith.constant 0 : i32
    %c0_i32_1 = arith.constant 0 : i32
    return %c0_i32, %arg0, %c0_i32_0 : i32, i32, i32
  }
  func.func @transform_3(%arg0: i32) -> (i32, i32, i32) {
    %c0_i32 = arith.constant 0 : i32
    %c0_i32_0 = arith.constant 0 : i32
    %c0_i32_1 = arith.constant 0 : i32
    return %c0_i32, %arg0, %c0_i32_0 : i32, i32, i32
  }
  func.func @transform_4(%arg0: i32) -> (i32, i32) {
    %c0_i32 = arith.constant 0 : i32
    %c0_i32_0 = arith.constant 0 : i32
    %c0_i32_1 = arith.constant 0 : i32
    return %c0_i32, %c0_i32_0 : i32, i32
  }
  func.func @transform_5(%arg0: i32) -> (i32, i32) {
    %c0_i32 = arith.constant 0 : i32
    %c0_i32_0 = arith.constant 0 : i32
    %c0_i32_1 = arith.constant 0 : i32
    return %c0_i32, %c0_i32_0 : i32, i32
  }
  func.func @transform_6(%arg0: i32) -> (i32, i32) {
    %c0_i32 = arith.constant 0 : i32
    %c0_i32_0 = arith.constant 0 : i32
    %c0_i32_1 = arith.constant 0 : i32
    return %c0_i32, %c0_i32_0 : i32, i32
  }
  func.func @transform_7(%arg0: i32) -> (i32, i32) {
    %c0_i32 = arith.constant 0 : i32
    %c0_i32_0 = arith.constant 0 : i32
    %c0_i32_1 = arith.constant 0 : i32
    return %c0_i32, %c0_i32_0 : i32, i32
  }
  func.func @transform_8(%arg0: i32) -> (i32, i32) {
    %c0_i32 = arith.constant 0 : i32
    %c0_i32_0 = arith.constant 0 : i32
    %c0_i32_1 = arith.constant 0 : i32
    return %c0_i32, %c0_i32_0 : i32, i32
  }
  func.func @transform_9(%arg0: i32) -> (i32, i32) {
    %c0_i32 = arith.constant 0 : i32
    %c0_i32_0 = arith.constant 0 : i32
    return %arg0, %c0_i32 : i32, i32
  }
}

</mosaic_0001>

<sc_bundles>
// kernel: kernel.11.cloned.1.call-start
scs
__scs_entry_jumppad:
0x0: {  	(pc) =	sbr.rel $0x88, $3  }
0x1: {  	(tag) =	ssettag $0x0;
	lr =	simm.s32 $0x1  }
0x2: {  	[smem:$0x3F93] =	sst lr;
	_ =	strace $0xD0000000  }
0x3: {  	_ = 	snop  }
0x4: {  	_ = 	snop  }
0x5: {  	_ = 	snop  }
0x6: {  	_ = 	snop  }
0x7: {  	_ = 	snop  }
__scs_overlays_trampoline_lowered:
0x8: {  	[smem:$0x3FA2] =	sst s0  }
0x9: {  	[smem:$0x3FA3] =	sst s1  }
0xa: {  	[smem:$0x3FA4] =	sst s2  }
0xb: {  	[smem:$0x3FA5] =	sst s3  }
0xc: {  	[smem:$0x3FA6] =	sst s4  }
0xd: {  	[smem:$0x3FA7] =	sst s5  }
0xe: {  	[smem:$0x3FA8] =	sst s6  }
0xf: {  	[smem:$0x3FA9] =	sst s7  }
0x10: {  	[smem:$0x3FAA] =	sst s8  }
0x11: {  	[smem:$0x3FAB] =	sst s9;
	s0 =	simm.s32 @!p0 $0x0  }
0x12: {  	s1 =	sld [smem:$0x3F91];
	s0 =	simm.s32 @p0 $0x1  }
0x13: {  	[smem:$0x3FAC] =	sst s0;
	s0 =	simm.s32 @!p1 $0x0  }
0x14: {  	s2 =	sld [smem:$0x3F90];
	s0 =	simm.s32 @p1 $0x1  }
0x15: {  	[smem:$0x3FAD] =	sst s0;
	s0 =	simm.s32 @!p2 $0x0  }
0x16: {  	s3 =	sld [smem:$0x3FDB];
	s0 =	simm.s32 @p2 $0x1  }
0x17: {  	s4 =	simm.s32 $0x1BF5;
	[smem:$0x3FAF] =	sst s0  }
0x18: {  	s0 =	sld [smem:$0x3F92];
	_ =	swait.ge [sflag:s4], $0x0  }
0x19: {  	s7 =	sld [smem:$0x3F93]  }
0x1a: {  	s8 =	sadd.s32 $0xFFFFE003, lr  }
0x1b: {  	s9 =	sadd.s32 $0xFFFFFEF7, lr;
	s5 =	simm.s32 $0xFFFFFFFF;
	p2 =	slt.u32 s8, $0xFFFFF086  }
0x1c: {  	p1 =	slt.u32 s9, $0xF7A;
	s5 =	simm.s32 @!p2 $0x0  }
0x1d: {  	s5 =	simm.s32 @p1 $0x1;
	p0 =	seq.s32 s7, s2  }
0x1e: {  	s7 =	smul.u32 @!p0 $0xF7A, s2;
	p2 =	seq.s32 @!p0 s5, $0x0  }
0x1f: {  	s9 =	smul.u32 $0xF7A, s1;
	s8 =	simm.s32 @!p0 $0x1BF5;
	p2 =	por !p2, p0  }
0x20: {  	[sflag:s8] =	ssyncset.s32 @!p0 $0xFFFFF086;
	s6 =	sadd.s32 @!p0 s3, s7;
	s7 =	simm.s32 @!p0 $0x108  }
0x21: {  	s3 =	sadd.s32 s3, s9;
	s6 =	sadd.s32 @!p0 $0x88, s6;
	s7 =	simm.s32 @p2 $0x1082  }
0x22: {  	[simem:s7], [sflag:s8] =	dma.local @!p0 [hbm:s6], $0xF7A  }
0x23: {  	s9 =	sor.u32 $0xD0000000, s2;
	s6 =	simm.s32 $0x108;
	_ =	swait.ge @!p0 [sflag:s8], $0x0  }
0x24: {  	s3 =	sadd.s32 $0x88, s3;
	s6 =	simm.s32 @!p1 $0x1082;
	[sflag:s4] =	ssyncset.s32 $0xFFFFF086  }
0x25: {  	[simem:s6], [sflag:s4] =	dma.local [hbm:s3], $0xF7A  }
0x26: {  	[smem:$0x3F93] =	sst s1;
	(tag) =	ssettag s2;
	_ =	strace s9  }
0x27: {  	s1 =	sld [smem:$0x3FA3]  }
0x28: {  	s2 =	sld [smem:$0x3FA4]  }
0x29: {  	s4 =	sld [smem:$0x3FA6]  }
0x2a: {  	p0 =	seq.s32 s5, $0x0;
	s5 =	sld [smem:$0x3FA7]  }
0x2b: {  	s6 =	sld [smem:$0x3FA8]  }
0x2c: {  	s7 =	sld [smem:$0x3FA9]  }
0x2d: {  	s3 =	simm.s32 $0x108;
	s8 =	sld [smem:$0x3FAA]  }
0x2e: {  	s3 =	simm.s32 @!p0 $0x1082;
	s9 =	sld [smem:$0x3FAB]  }
0x2f: {  	lr =	sadd.s32 s0, s3;
	s0 =	sld [smem:$0x3FA2]  }
0x30: {  	s3 =	sld [smem:$0x3FA5]  }
0x31: {  	[smem:$0x3FAE] =	sst s10  }
0x32: {  	s10 =	sld [smem:$0x3FAC];
	_ =	sdelay $0x3  }
0x33: {  	p0 =	seq.s32 s10, $0x1;
	s10 =	sld [smem:$0x3FAE];
	_ =	sdelay $0x3  }
0x34: {  	[smem:$0x3FAE] =	sst s10  }
0x35: {  	s10 =	sld [smem:$0x3FAD];
	_ =	sdelay $0x3  }
0x36: {  	p1 =	seq.s32 s10, $0x1;
	s10 =	sld [smem:$0x3FAE];
	_ =	sdelay $0x3  }
0x37: {  	[smem:$0x3FAE] =	sst s10  }
0x38: {  	s10 =	sld [smem:$0x3FAF]  }
0x39: {  	_ = 	snop;
	(pc) =	sbr.ind lr, $3  }
0x3a: {  	_ = 	snop  }
0x3b: {  	_ = 	snop  }
0x3c: {  	p2 =	seq.s32 s10, $0x1;
	s10 =	sld [smem:$0x3FAE]  }
0x3d: {  	_ =	shalt  }
0x3e: {  	_ =	shalt  }
0x3f: {  	_ =	shalt  }
0x40: {  	_ =	shalt  }
0x41: {  	_ =	shalt  }
0x42: {  	_ =	shalt  }
0x43: {  	_ =	shalt  }
0x44: {  	_ =	shalt  }
0x45: {  	_ =	shalt  }
0x46: {  	_ =	shalt  }
0x47: {  	_ =	shalt  }
0x48: {  	_ =	shalt  }
0x49: {  	_ =	shalt  }
0x4a: {  	_ =	shalt  }
0x4b: {  	_ =	shalt  }
0x4c: {  	_ =	shalt  }
0x4d: {  	_ =	shalt  }
0x4e: {  	_ =	shalt  }
0x4f: {  	_ =	shalt  }
0x50: {  	_ =	shalt  }
0x51: {  	_ =	shalt  }
0x52: {  	_ =	shalt  }
0x53: {  	_ =	shalt  }
0x54: {  	_ =	shalt  }
0x55: {  	_ =	shalt  }
0x56: {  	_ =	shalt  }
0x57: {  	_ =	shalt  }
0x58: {  	_ =	shalt  }
0x59: {  	_ =	shalt  }
0x5a: {  	_ =	shalt  }
0x5b: {  	_ =	shalt  }
0x5c: {  	_ =	shalt  }
0x5d: {  	_ =	shalt  }
0x5e: {  	_ =	shalt  }
0x5f: {  	_ =	shalt  }
0x60: {  	_ =	shalt  }
0x61: {  	_ =	shalt  }
0x62: {  	_ =	shalt  }
0x63: {  	_ =	shalt  }
0x64: {  	_ =	shalt  }
0x65: {  	_ =	shalt  }
0x66: {  	_ =	shalt  }
0x67: {  	_ =	shalt  }
0x68: {  	_ =	shalt  }
0x69: {  	_ =	shalt  }
0x6a: {  	_ =	shalt  }
0x6b: {  	_ =	shalt  }
0x6c: {  	_ =	shalt  }
0x6d: {  	_ =	shalt  }
0x6e: {  	_ =	shalt  }
0x6f: {  	_ =	shalt  }
0x70: {  	_ =	shalt  }
0x71: {  	_ =	shalt  }
0x72: {  	_ =	shalt  }
0x73: {  	_ =	shalt  }
0x74: {  	_ =	shalt  }
0x75: {  	_ =	shalt  }
0x76: {  	_ =	shalt  }
0x77: {  	_ =	shalt  }
0x78: {  	_ =	shalt  }
0x79: {  	_ =	shalt  }
0x7a: {  	_ =	shalt  }
0x7b: {  	_ =	shalt  }
0x7c: {  	_ =	shalt  }
0x7d: {  	_ =	shalt  }
0x7e: {  	_ =	shalt  }
0x7f: {  	_ =	shalt  }
0x80: {  	_ =	shalt  }
0x81: {  	_ =	shalt  }
0x82: {  	_ =	shalt  }
0x83: {  	_ =	shalt  }
0x84: {  	_ =	shalt  }
0x85: {  	_ =	shalt  }
0x86: {  	_ =	shalt  }
0x87: {  	_ =	shalt  }
.Lfunc_end0:
.L_simem_size_0:
called_computation.1_lowered:
.L_overlay_start_0:
0x88: {  	s2 =	sld [smem:$0x3FD9]  }
0x89: {  	s3 =	sld [smem:$0x3FFE];
	_ =	sdelay $0x1  }
0x8a: {  	s1 =	srdreg.scid  }
0x8b: {  	s0 =	sand.u32 $0x1, s1  }
0x8c: {  	s17 =	sshll.u32 s0, $0xA;
	s2 =	sadd.s32 s3, s2  }
0x8d: {  	s2 =	sadd.s32 s2, s17  }
0x8e: {  	[smem:$0x3FBA] =	sst s2  }
0x8f: {  	_ = 	snop  }
0x90: {  	(tm) =	ssettm $0x1  }
0x91: {  	s18 =	sld [smem:$0x3FFB];
	_ =	sdelay $0x3  }
0x92: {  	_ =	strace s18  }
0x93: {  	s2 =	sld [smem:$0x3FFC];
	_ =	sdelay $0x3  }
0x94: {  	_ =	strace s2  }
0x95: {  	s2 =	sld [smem:$0x3FFD];
	_ =	sdelay $0x3  }
0x96: {  	_ =	strace s2  }
0x97: {  	_ =	strace $0x8FFFFFFF  }
0x98: {  	s19 =	sld [smem:$0x3FDB];
	_ =	sdelay $0x1  }
0x99: {  	s20 =	simm.s32 $_scs_section_size  }
0x9a: {  	s4 =	simm.s32 $_size__tile_overlayer_lowered;
	s5 =	simm.s32 $_tile_overlayer_lowered  }
0x9b: {  	s6 =	simm.s32 $0x1BFF;
	s21 =	sshll.u32 s5, $0x1;
	s3 =	sadd.s32 s20, s19  }
0x9c: {  	s22 =	simm.s32 $0x0;
	s4 =	sshll.u32 s4, $0x1;
	s5 =	sadd.s32 s21, s3  }
0x9d: {  	[timem:s22], [sflag:s6] =	dma.local [hbm:s5], s4  }
0x9e: {  	_ =	swait.ge [sflag:s6], s4  }
0x9f: {  	s4 =	ssub.s32 $0x0, s4;
	[sflag:s6] =	ssyncset.done $0x0  }
0xa0: {  	[sflag:s6] =	ssyncadd.s32 s4;
	_ =	sdelay $0x1  }
0xa1: {  	s23 =	simm.s32 $0x1B8B  }
0xa2: {  	_ =	swait.ge [sflag:s23], $0x1  }
0xa3: {  	[sflag:s23] =	ssyncset.done $0x0  }
0xa4: {  	[sflag:s23] =	ssyncadd.s32 $0xFFFFFFFF  }
0xa5: {  	s4 =	sld [smem:$0x0]  }
0xa6: {  	s5 =	sand.u32 $0xFFFFFFFE, s1  }
0xa7: {  	p0 =	sne.s32 s1, s5  }
0xa8: {  	s5 =	sshll.u32 @p0 s5, $0xE  }
0xa9: {  	s5 =	sadd.s32 @p0 $0x11B8D, s5;
	s6 =	sshll.u32 @p0 s4, $0x11  }
0xaa: {  	s5 =	sor.u32 @p0 s6, s5  }
0xab: {  	[sflag:s5] =	ssyncadd.remote.s32 @p0 $0x1;
	_ =	sdelay $0x1  }
0xac: {  	s5 =	simm.s32 @p0 $0x1B8D  }
0xad: {  	_ =	swait.eq @p0 [sflag:s5], $0x1  }
0xae: {  	[sflag:s5] =	ssyncadd.s32 @p0 $0xFFFFFFFF  }
0xaf: {  	s6 =	sshll.u32 @!p0 s1, $0xE  }
0xb0: {  	s6 =	sor.u32 @!p0 $0x4000, s6;
	s5 =	simm.s32 @!p0 $0x1B8D  }
0xb1: {  	s4 =	sshll.u32 @!p0 s4, $0x11;
	s6 =	sadd.s32 @!p0 $0x11B8D, s6;
	_ =	swait.eq @!p0 [sflag:s5], $0x1  }
0xb2: {  	s4 =	sor.u32 @!p0 s4, s6;
	[sflag:s5] =	ssyncadd.s32 @!p0 $0xFFFFFFFF  }
0xb3: {  	s25 =	simm.s32 $0x1B8E;
	s24 =	sld [smem:$0x3FFE];
	[sflag:s4] =	ssyncadd.remote.s32 @!p0 $0x1  }
0xb4: {  	s26 =	simm.s32 $execute0_lowered;
	[smem:$0x3FD2] =	sst s25  }
0xb5: {  	s5 =	sshll.u32 s26, $0x1;
	_ =	strace $0x80000049;
	[dreg:$0x1] =	wrdreg $0xFFFFFFFF  }
0xb6: {  	s28 =	simm.s32 $_size_execute0_lowered;
	s3 =	sadd.s32 s3, s5;
	[dreg:$0x0] =	wrdreg $0x0  }
0xb7: {  	s5 =	sshll.u32 s28, $0x1;
	[dreg:$0x2] =	wrdreg s3  }
0xb8: {  	[dreg:$0x3] =	wrdreg s5  }
0xb9: {  	[dreg:$0x4] =	wrdreg $0xC0  }
0xba: {  	_ =	task [dreg:s22], $0x5FFFF  }
0xbb: {  	[dreg:$0x1] =	wrdreg $0xFFFFFFFF  }
0xbc: {  	[dreg:$0x0] =	wrdreg $0x60  }
0xbd: {  	[dreg:$0x2] =	wrdreg s24  }
0xbe: {  	[dreg:$0x3] =	wrdreg $0x3D000  }
0xbf: {  	[dreg:$0x4] =	wrdreg $0x9  }
0xc0: {  	_ =	task.clear_ibuf [dreg:s22], $0x5FFFF;
	_ =	strace $0x90000049  }
0xc1: {  	s29 =	simm.s32 $0x9;
	_ =	strace $0x8000004B  }
0xc2: {  	_ =	swait.ge [sflag:s29], $0x1  }
0xc3: {  	[sflag:s29] =	ssyncadd.s32 $0xFFFFFFFF  }
0xc4: {  	_ =	strace $0x9000004B  }
0xc5: {  	_ =	sfence  }
0xc6: {  	s30 =	sld [smem:$0x0];
	_ =	sdelay $0x2  }
0xc7: {  	s31 =	sshll.u32 s1, $0xD;
	s1 =	sshrl.u32 s1, $0x2  }
0xc8: {  	s4 =	sand.u32 $0x4000, s31;
	s1 =	sadd.s32 s1, s30  }
0xc9: {  	s0 =	sor.u32 s4, s0;
	s1 =	sshll.u32 s1, $0x11  }
0xca: {  	s0 =	sor.u32 s1, s0  }
0xcb: {  	s0 =	sadd.s32 $0x8F2B, s0  }
0xcc: {  	[sflag:s0] =	ssyncadd.remote.s32 $0x1  }
0xcd: {  	_ =	sfence.sel $0xFFFF  }
0xce: {  	[dreg:$0x0] =	wrdreg $0xFFFFFFFF;
	(pc) =	sbr.abs _section_cstart, $3  }
0xcf: {  	[dreg:$0x1] =	wrdreg $0xFFFFFFFF  }
0xd0: {  	_ =	task.clear_ibuf [dreg:s22], $0x2FFFF;
	_ =	strace $0x9FFFFFFF  }
0xd1: {  	(tm) =	ssettm $0x7FFFFFFF  }
tec
execute0_lowered:
.L_overlay_start_1:
0x0: {  	(tag) =	ssettag $0x1  }
0x1: {  	s5 =	rddreg [dreg:$0x0]  }
0x2: {  	s1 =	rddreg [dreg:$0x1];
	s2 =	srdreg.scid  }
0x3: {  	s0 =	rddreg [dreg:$0x2];
	s3 =	simm.s32 $0x0;
	s14 =	simm.s32 $0x2800  }
0x4: {  	s15 =	simm.s32 $0x2880;
	s16 =	simm.s32 $0x1;
	s6 =	sand.u32 $0x1, s2  }
0x5: {  	s17 =	simm.s32 $0x50;
	s2 =	stileid.u32;
	s4 =	smul.u32 $0x138800, s6  }
0x6: {  	s18 =	simm.s32 $0x2;
	s19 =	simm.s32 $0x3;
	s7 =	smul.u32 $0x13800, s2  }
0x7: {  	s20 =	simm.s32 $0x4;
	s21 =	simm.s32 $0x0;
	s9 =	smul.u32 $0x2700, s2  }
0x8: {  	[smem:$0x7FF] =	sst s3;
	s10 =	sadd.s32 $0xDE00, s5;
	s25 =	smul.u32 $0x4E20, s2  }
0x9: {  	_ =	strace $0x8000004A;
	s8 =	sshll.u32 s2, $0x1;
	s13 =	smul.u32 $0x2710, s6  }
0xa: {  	s24 =	ssub.s32 $0x2, s6;
	s28 =	smul.u32 $0x4E000, s2;
	s22 =	sor.u32 s6, s8  }
0xb: {  	s12 =	sshrl.u32 s24, $0x1;
	s4 =	sadd.s32 s7, s4;
	s7 =	smul.u32 $0x2710, s22  }
0xc: {  	s9 =	sadd.s32 s9, s5;
	s26 =	ssub.s32 s24, s12;
	s8 =	sadd.s32 s13, s25  }
0xd: {  	s29 =	sshrl.u32 s28, $0x2;
	s12 =	simm.s32 $0x2900;
	s23 =	sshrl.u32 s4, $0x3  }
0xe: {  	s4 =	sadd.s32 $0x2FE200, s5;
	s6 =	smax.u32 s26, $0x1;
	s30 =	sshrl.u32 s8, $0x3  }
0xf: {  	s13 =	sadd.s32 $0x50, s8;
	s8 =	sadd.s32 s29, s1;
	s7 =	sshrl.u32 s7, $0x3  }
0x10: {  	s11 =	sadd.s32 s23, s5;
	s31 =	sshrl.u32 s13, $0x3;
	s7 =	sadd.s32 s10, s7  }
0x11: {  	s13 =	simm.s32 $0x5;
	s11 =	sadd.s32 $0x2FE800, s11;
	s5 =	sadd.s32 $0x4D8, s7  }
0x12: {  	s7 =	sadd.s32 $0x2D7000, s9;
	s9 =	sadd.s32 s30, s10;
	s10 =	sadd.s32 s31, s10  }
.LBB2_1:
0x13: {  	s22 =	sadd.s32 $0x0, s7  }
0x14: {  	[tilespmem:s12], [sflag:$0x5] =	stream.linear.gather [hbm4b:s22+s3], $0x1400, $0x38;
	[tilespmem:$0x17580] =	vst v63  }
0x15: {  	_ =	swait.ge [sflag:s13], $0x1400  }
0x16: {  	[sflag:s13] =	ssyncset.done $0x0  }
0x17: {  	[sflag:s13] =	ssyncadd.s32 $0xFFFFEC00  }
0x18: {  	[spmem:s8] =	stream.linear.scatter [tilespmem:s12], [sflag:$0x5], $0x1400, $0x38;
	[tilespmem:$0x17580] =	vst v63  }
0x19: {  	s23 =	simm.s32 $0x280;
	_ =	swait.ge [sflag:s13], $0x1400  }
0x1a: {  	s24 =	simm.s32 $0x500;
	s22 =	sadd.s32 $0x1400, s8;
	[sflag:s13] =	ssyncset.done $0x0  }
.LBB2_2:
0x1b: {  	s25 =	sadd.s32 s23, s7  }
0x1c: {  	[sflag:s13] =	ssyncadd.s32 $0xFFFFEC00;
	s23 =	smov.u32 s24;
	s26 =	sadd.s32 $0x280, s24  }
0x1d: {  	[tilespmem:s12], [sflag:$0x5] =	stream.linear.gather [hbm4b:s25+s3], $0x1400, $0x38;
	[tilespmem:$0x17580] =	vst v63  }
0x1e: {  	p0 =	sne.s32 s24, $0x2580;
	_ =	swait.ge [sflag:s13], $0x1400  }
.Ltmp0:
0x1f: {  	[sflag:s13] =	ssyncset.done $0x0;
	(pc) =	sbr.rel @p0 .LBB2_2-.Ltmp0, $4  }
0x20: {  	[sflag:s13] =	ssyncadd.s32 $0xFFFFEC00  }
0x21: {  	[spmem:s22] =	stream.linear.scatter [tilespmem:s12], [sflag:$0x5], $0x1400, $0x38;
	[tilespmem:$0x17580] =	vst v63  }
0x22: {  	_ =	swait.ge [sflag:s13], $0x1400  }
0x23: {  	s24 =	smov.u32 s26;
	s22 =	sadd.s32 $0x1400, s22;
	[sflag:s13] =	ssyncset.done $0x0  }
0x24: {  	s23 =	sadd.s32 s23, s7;
	[sflag:s13] =	ssyncadd.s32 $0xFFFFEC00  }
0x25: {  	[tilespmem:s12], [sflag:$0x5] =	stream.linear.gather [hbm4b:s23+s3], $0x1400, $0x38;
	[tilespmem:$0x17580] =	vst v63  }
0x26: {  	_ =	swait.ge [sflag:s13], $0x1400  }
0x27: {  	[sflag:s13] =	ssyncset.done $0x0  }
0x28: {  	[sflag:s13] =	ssyncadd.s32 $0xFFFFEC00  }
0x29: {  	[spmem:s22] =	stream.linear.scatter [tilespmem:s12], [sflag:$0x5], $0x1400, $0x38;
	[tilespmem:$0x17580] =	vst v63  }
0x2a: {  	_ =	swait.ge [sflag:s13], $0x1400  }
0x2b: {  	[sflag:s13] =	ssyncset.done $0x0  }
0x2c: {  	s29 =	simm.s32 $0x0;
	[sflag:s13] =	ssyncadd.s32 $0xFFFFEC00  }
0x2d: {  	[tilespmem:s29], [sflag:$0x5] =	stream.linear.gather [hbm4b:s4+s29], $0x2800, $0x38;
	[tilespmem:$0x17580] =	vst v63  }
0x2e: {  	_ =	swait.ge [sflag:s13], $0x2800  }
0x2f: {  	[sflag:s13] =	ssyncset.done $0x0  }
0x30: {  	[sflag:s13] =	ssyncadd.s32 $0xFFFFD800  }
0x31: {  	s30 =	sadd.s32 $0x0, s9;
	[bflag:$0x0] =	sbarrier.arrive $0xFFFF  }
0x32: {  	[tilespmem:s14], [sflag:$0x1] =	stream.linear.gather [hbm4b:s30+s3], $0x50, $0x38;
	[tilespmem:$0x17580] =	vst v63  }
0x33: {  	s31 =	sadd.s32 $0x0, s10  }
0x34: {  	[tilespmem:s15], [sflag:$0x2] =	stream.linear.gather [hbm4b:s31+s3], $0x50, $0x38;
	[tilespmem:$0x17580] =	vst v63  }
0x35: {  	_ =	swait.ge [sflag:s16], $0x50  }
0x36: {  	[sflag:s16] =	ssyncset.done $0x0  }
0x37: {  	[sflag:s16] =	ssyncadd.s32 $0xFFFFFFB0  }
0x38: {  	[spmem:s1] =	stream.indirect.scatter.add.f32 [tilespmem:s3], [sflag:$0x3], $0x80, s14, s17, $0xb8;
	[tilespmem:$0x17580] =	vst v63  }
0x39: {  	_ =	swait.ge [sflag:s18], $0x50  }
0x3a: {  	[sflag:s18] =	ssyncset.done $0x0  }
0x3b: {  	[sflag:s18] =	ssyncadd.s32 $0xFFFFFFB0  }
0x3c: {  	[spmem:s1] =	stream.indirect.scatter.add.f32 [tilespmem:s3], [sflag:$0x4], $0x80, s15, s17, $0xb8;
	[tilespmem:$0x17580] =	vst v63  }
0x3d: {  	_ =	swait.ge [sflag:s19], $0x2800  }
0x3e: {  	[sflag:s19] =	ssyncset.done $0x0  }
0x3f: {  	[sflag:s19] =	ssyncadd.s32 $0xFFFFD800  }
0x40: {  	_ =	swait.ge [sflag:s20], $0x2800  }
0x41: {  	s23 =	simm.s32 $0x28;
	s22 =	simm.s32 $0x14;
	[sflag:s20] =	ssyncset.done $0x0  }
.LBB2_4:
0x42: {  	s24 =	sadd.s32 s22, s9  }
0x43: {  	[sflag:s20] =	ssyncadd.s32 $0xFFFFD800;
	s25 =	smov.u32 s23;
	s26 =	sadd.s32 $0x14, s23  }
0x44: {  	[tilespmem:s14], [sflag:$0x1] =	stream.linear.gather [hbm4b:s24+s3], $0x50, $0x38;
	[tilespmem:$0x17580] =	vst v63  }
0x45: {  	p0 =	sne.s32 s23, $0x4C4;
	s23 =	sadd.s32 s22, s10;
	s22 =	smov.u32 s25  }
0x46: {  	[tilespmem:s15], [sflag:$0x2] =	stream.linear.gather [hbm4b:s23+s3], $0x50, $0x38;
	[tilespmem:$0x17580] =	vst v63  }
0x47: {  	_ =	swait.ge [sflag:s16], $0x50  }
0x48: {  	[sflag:s16] =	ssyncset.done $0x0  }
0x49: {  	[sflag:s16] =	ssyncadd.s32 $0xFFFFFFB0  }
0x4a: {  	[spmem:s1] =	stream.indirect.scatter.add.f32 [tilespmem:s3], [sflag:$0x3], $0x80, s14, s17, $0xb8;
	[tilespmem:$0x17580] =	vst v63  }
0x4b: {  	_ =	swait.ge [sflag:s18], $0x50  }
0x4c: {  	[sflag:s18] =	ssyncset.done $0x0  }
0x4d: {  	[sflag:s18] =	ssyncadd.s32 $0xFFFFFFB0  }
0x4e: {  	[spmem:s1] =	stream.indirect.scatter.add.f32 [tilespmem:s3], [sflag:$0x4], $0x80, s15, s17, $0xb8;
	[tilespmem:$0x17580] =	vst v63  }
.Ltmp1:
0x4f: {  	_ =	swait.ge [sflag:s19], $0x2800;
	(pc) =	sbr.rel @p0 .LBB2_4-.Ltmp1, $4  }
0x50: {  	[sflag:s19] =	ssyncset.done $0x0  }
0x51: {  	[sflag:s19] =	ssyncadd.s32 $0xFFFFD800  }
0x52: {  	_ =	swait.ge [sflag:s20], $0x2800  }
0x53: {  	s23 =	smov.u32 s26;
	[sflag:s20] =	ssyncset.done $0x0  }
0x54: {  	s23 =	sadd.s32 s22, s9;
	[sflag:s20] =	ssyncadd.s32 $0xFFFFD800  }
0x55: {  	[tilespmem:s14], [sflag:$0x1] =	stream.linear.gather [hbm4b:s23+s3], $0x50, $0x38;
	[tilespmem:$0x17580] =	vst v63  }
0x56: {  	s29 =	sadd.s32 s22, s10  }
0x57: {  	[tilespmem:s15], [sflag:$0x2] =	stream.linear.gather [hbm4b:s29+s3], $0x50, $0x38;
	[tilespmem:$0x17580] =	vst v63  }
0x58: {  	_ =	swait.ge [sflag:s16], $0x50  }
0x59: {  	[sflag:s16] =	ssyncset.done $0x0  }
0x5a: {  	[sflag:s16] =	ssyncadd.s32 $0xFFFFFFB0  }
0x5b: {  	[spmem:s1] =	stream.indirect.scatter.add.f32 [tilespmem:s3], [sflag:$0x3], $0x80, s14, s17, $0xb8;
	[tilespmem:$0x17580] =	vst v63  }
0x5c: {  	_ =	swait.ge [sflag:s18], $0x50  }
0x5d: {  	[sflag:s18] =	ssyncset.done $0x0  }
0x5e: {  	[sflag:s18] =	ssyncadd.s32 $0xFFFFFFB0  }
0x5f: {  	[spmem:s1] =	stream.indirect.scatter.add.f32 [tilespmem:s3], [sflag:$0x4], $0x80, s15, s17, $0xb8;
	[tilespmem:$0x17580] =	vst v63  }
0x60: {  	_ =	swait.ge [sflag:s19], $0x2800  }
0x61: {  	[sflag:s19] =	ssyncset.done $0x0  }
0x62: {  	[sflag:s19] =	ssyncadd.s32 $0xFFFFD800  }
0x63: {  	_ =	swait.ge [sflag:s20], $0x2800  }
0x64: {  	[sflag:s20] =	ssyncset.done $0x0  }
0x65: {  	s30 =	simm.s32 $0x0;
	[sflag:s20] =	ssyncadd.s32 $0xFFFFD800  }
0x66: {  	[tilespmem:s14], [sflag:$0x5] =	stream.linear.gather [hbm4b:s5+s30], $0x50, $0x38;
	[tilespmem:$0x17580] =	vst v63  }
0x67: {  	_ =	swait.ge [sflag:s13], $0x50  }
0x68: {  	[sflag:s13] =	ssyncset.done $0x0  }
0x69: {  	[sflag:s13] =	ssyncadd.s32 $0xFFFFFFB0  }
0x6a: {  	[spmem:s1] =	stream.indirect.scatter.add.f32 [tilespmem:s30], [sflag:$0x5], $0x80, s14, s17, $0xb8;
	[tilespmem:$0x17580] =	vst v63  }
0x6b: {  	_ =	swait.ge [sflag:s13], $0x2800  }
0x6c: {  	[sflag:s13] =	ssyncset.done $0x0  }
0x6d: {  	[sflag:s13] =	ssyncadd.s32 $0xFFFFD800  }
0x6e: {  	[bflag:$0x0] =	sbarrier.arrive $0xFFFF  }
0x6f: {  	[tilespmem:s12], [sflag:$0x5] =	stream.linear.gather [spmem:s8], $0x1400, $0x38;
	[tilespmem:$0x17580] =	vst v63  }
0x70: {  	_ =	swait.ge [sflag:s13], $0x1400  }
0x71: {  	[sflag:s13] =	ssyncset.done $0x0  }
0x72: {  	s31 =	sadd.s32 $0x0, s11;
	[sflag:s13] =	ssyncadd.s32 $0xFFFFEC00  }
0x73: {  	[hbm4b:s31+s3] =	stream.linear.scatter [tilespmem:s12], [sflag:$0x5], $0x1400, $0x38;
	[tilespmem:$0x17580] =	vst v63  }
0x74: {  	_ =	swait.ge [sflag:s13], $0x1400  }
0x75: {  	s22 =	simm.s32 $0x280;
	s23 =	smov.u32 s8;
	[sflag:s13] =	ssyncset.done $0x0  }
.LBB2_6:
0x76: {  	p0 =	sne.s32 s22, $0x2580;
	[sflag:s13] =	ssyncadd.s32 $0xFFFFEC00;
	s23 =	sadd.s32 $0x1400, s23  }
0x77: {  	[tilespmem:s12], [sflag:$0x5] =	stream.linear.gather [spmem:s23], $0x1400, $0x38;
	[tilespmem:$0x17580] =	vst v63  }
0x78: {  	s24 =	smov.u32 s22;
	s22 =	sadd.s32 $0x280, s22;
	_ =	swait.ge [sflag:s13], $0x1400  }
.Ltmp2:
0x79: {  	[sflag:s13] =	ssyncset.done $0x0;
	(pc) =	sbr.rel @p0 .LBB2_6-.Ltmp2, $4  }
0x7a: {  	s24 =	sadd.s32 s24, s11;
	[sflag:s13] =	ssyncadd.s32 $0xFFFFEC00  }
0x7b: {  	[hbm4b:s24+s3] =	stream.linear.scatter [tilespmem:s12], [sflag:$0x5], $0x1400, $0x38;
	[tilespmem:$0x17580] =	vst v63  }
0x7c: {  	_ =	swait.ge [sflag:s13], $0x1400  }
0x7d: {  	[sflag:s13] =	ssyncset.done $0x0  }
0x7e: {  	s21 =	sadd.s32 $0x1, s21  }
0x7f: {  	p0 =	sne.s32 s21, s6  }
.Ltmp3:
0x80: {  	_ = 	snop;
	(pc) =	sbr.rel @p0 .LBB2_1-.Ltmp3, $2  }
0x81: {  	_ =	sdelay $0x2  }
0x82: {  	[sflag:s13] =	ssyncadd.s32 $0xFFFFEC00  }
0x83: {  	_ =	sfence.sel $0x180000  }
0x84: {  	[bflag:$0x0] =	sbarrier.arrive $0xFFFF  }
0x85: {  	p0 =	sne.s32 s2, $0x0;
	_ =	strace $0x9000004A  }
0x86: {  	s0 =	sadd.s32 @!p0 $0x100000, s0;
	[bflag:$0x2] =	sbarrier.arrive $0xFFFF  }
0x87: {  	[sflag:s0] =	ssyncadd.tile.s32 @!p0 $0x1;
	_ =	shalt  }
.Lfunc_end2:
_tile_overlayer_lowered:
.L_overlay_start_2:
0x88: {  	(tag) =	ssettag $0x2  }
0x89: {  	s0 =	rddreg [dreg:$0x0];
	s2 =	stileid.u32  }
0x8a: {  	s1 =	rddreg [dreg:$0x1];
	p0 =	sne.s32 s2, $0x0  }
0x8b: {  	s3 =	rddreg [dreg:$0x2];
	[bflag:$0x3] =	sbarrier.arrive $0xFFFF;
	s2 =	simm.s32 @!p0 $0x1C05  }
0x8c: {  	[timem:s3], [sflag:s2] =	dma.local @!p0 [hbm:s0], s1  }
0x8d: {  	s0 =	simm.s32 @!p0 $0x5  }
0x8e: {  	_ =	swait.ge @!p0 [sflag:s0], s1  }
0x8f: {  	s1 =	ssub.s32 @!p0 $0x0, s1;
	[sflag:s0] =	ssyncset.done @!p0 $0x0  }
0x90: {  	[sflag:s0] =	ssyncadd.s32 @!p0 s1  }
0x91: {  	[bflag:$0x3] =	sbarrier.arrive $0xFFFF  }
0x92: {  	_ =	shalt  }

// kernel: kernel.14.cloned.1.call-start
scs
__scs_entry_jumppad:
0x0: {  	(pc) =	sbr.rel $0x88, $3  }
0x1: {  	(tag) =	ssettag $0x0;
	lr =	simm.s32 $0x1  }
0x2: {  	[smem:$0x3F93] =	sst lr;
	_ =	strace $0xD0000000  }
0x3: {  	_ = 	snop  }
0x4: {  	_ = 	snop  }
0x5: {  	_ = 	snop  }
0x6: {  	_ = 	snop  }
0x7: {  	_ = 	snop  }
__scs_overlays_trampoline_lowered:
0x8: {  	[smem:$0x3FA2] =	sst s0  }
0x9: {  	[smem:$0x3FA3] =	sst s1  }
0xa: {  	[smem:$0x3FA4] =	sst s2  }
0xb: {  	[smem:$0x3FA5] =	sst s3  }
0xc: {  	[smem:$0x3FA6] =	sst s4  }
0xd: {  	[smem:$0x3FA7] =	sst s5  }
0xe: {  	[smem:$0x3FA8] =	sst s6  }
0xf: {  	[smem:$0x3FA9] =	sst s7  }
0x10: {  	[smem:$0x3FAA] =	sst s8  }
0x11: {  	[smem:$0x3FAB] =	sst s9;
	s0 =	simm.s32 @!p0 $0x0  }
0x12: {  	s1 =	sld [smem:$0x3F91];
	s0 =	simm.s32 @p0 $0x1  }
0x13: {  	[smem:$0x3FAC] =	sst s0;
	s0 =	simm.s32 @!p1 $0x0  }
0x14: {  	s2 =	sld [smem:$0x3F90];
	s0 =	simm.s32 @p1 $0x1  }
0x15: {  	[smem:$0x3FAD] =	sst s0;
	s0 =	simm.s32 @!p2 $0x0  }
0x16: {  	s3 =	sld [smem:$0x3FDB];
	s0 =	simm.s32 @p2 $0x1  }
0x17: {  	s4 =	simm.s32 $0x1BF5;
	[smem:$0x3FAF] =	sst s0  }
0x18: {  	s0 =	sld [smem:$0x3F92];
	_ =	swait.ge [sflag:s4], $0x0  }
0x19: {  	s7 =	sld [smem:$0x3F93]  }
0x1a: {  	s8 =	sadd.s32 $0xFFFFE003, lr  }
0x1b: {  	s9 =	sadd.s32 $0xFFFFFEF7, lr;
	s5 =	simm.s32 $0xFFFFFFFF;
	p2 =	slt.u32 s8, $0xFFFFF086  }
0x1c: {  	p1 =	slt.u32 s9, $0xF7A;
	s5 =	simm.s32 @!p2 $0x0  }
0x1d: {  	s5 =	simm.s32 @p1 $0x1;
	p0 =	seq.s32 s7, s2  }
0x1e: {  	s7 =	smul.u32 @!p0 $0xF7A, s2;
	p2 =	seq.s32 @!p0 s5, $0x0  }
0x1f: {  	s9 =	smul.u32 $0xF7A, s1;
	s8 =	simm.s32 @!p0 $0x1BF5;
	p2 =	por !p2, p0  }
0x20: {  	[sflag:s8] =	ssyncset.s32 @!p0 $0xFFFFF086;
	s6 =	sadd.s32 @!p0 s3, s7;
	s7 =	simm.s32 @!p0 $0x108  }
0x21: {  	s3 =	sadd.s32 s3, s9;
	s6 =	sadd.s32 @!p0 $0x88, s6;
	s7 =	simm.s32 @p2 $0x1082  }
0x22: {  	[simem:s7], [sflag:s8] =	dma.local @!p0 [hbm:s6], $0xF7A  }
0x23: {  	s9 =	sor.u32 $0xD0000000, s2;
	s6 =	simm.s32 $0x108;
	_ =	swait.ge @!p0 [sflag:s8], $0x0  }
0x24: {  	s3 =	sadd.s32 $0x88, s3;
	s6 =	simm.s32 @!p1 $0x1082;
	[sflag:s4] =	ssyncset.s32 $0xFFFFF086  }
0x25: {  	[simem:s6], [sflag:s4] =	dma.local [hbm:s3], $0xF7A  }
0x26: {  	[smem:$0x3F93] =	sst s1;
	(tag) =	ssettag s2;
	_ =	strace s9  }
0x27: {  	s1 =	sld [smem:$0x3FA3]  }
0x28: {  	s2 =	sld [smem:$0x3FA4]  }
0x29: {  	s4 =	sld [smem:$0x3FA6]  }
0x2a: {  	p0 =	seq.s32 s5, $0x0;
	s5 =	sld [smem:$0x3FA7]  }
0x2b: {  	s6 =	sld [smem:$0x3FA8]  }
0x2c: {  	s7 =	sld [smem:$0x3FA9]  }
0x2d: {  	s3 =	simm.s32 $0x108;
	s8 =	sld [smem:$0x3FAA]  }
0x2e: {  	s3 =	simm.s32 @!p0 $0x1082;
	s9 =	sld [smem:$0x3FAB]  }
0x2f: {  	lr =	sadd.s32 s0, s3;
	s0 =	sld [smem:$0x3FA2]  }
0x30: {  	s3 =	sld [smem:$0x3FA5]  }
0x31: {  	[smem:$0x3FAE] =	sst s10  }
0x32: {  	s10 =	sld [smem:$0x3FAC];
	_ =	sdelay $0x3  }
0x33: {  	p0 =	seq.s32 s10, $0x1;
	s10 =	sld [smem:$0x3FAE];
	_ =	sdelay $0x3  }
0x34: {  	[smem:$0x3FAE] =	sst s10  }
0x35: {  	s10 =	sld [smem:$0x3FAD];
	_ =	sdelay $0x3  }
0x36: {  	p1 =	seq.s32 s10, $0x1;
	s10 =	sld [smem:$0x3FAE];
	_ =	sdelay $0x3  }
0x37: {  	[smem:$0x3FAE] =	sst s10  }
0x38: {  	s10 =	sld [smem:$0x3FAF]  }
0x39: {  	_ = 	snop;
	(pc) =	sbr.ind lr, $3  }
0x3a: {  	_ = 	snop  }
0x3b: {  	_ = 	snop  }
0x3c: {  	p2 =	seq.s32 s10, $0x1;
	s10 =	sld [smem:$0x3FAE]  }
0x3d: {  	_ =	shalt  }
0x3e: {  	_ =	shalt  }
0x3f: {  	_ =	shalt  }
0x40: {  	_ =	shalt  }
0x41: {  	_ =	shalt  }
0x42: {  	_ =	shalt  }
0x43: {  	_ =	shalt  }
0x44: {  	_ =	shalt  }
0x45: {  	_ =	shalt  }
0x46: {  	_ =	shalt  }
0x47: {  	_ =	shalt  }
0x48: {  	_ =	shalt  }
0x49: {  	_ =	shalt  }
0x4a: {  	_ =	shalt  }
0x4b: {  	_ =	shalt  }
0x4c: {  	_ =	shalt  }
0x4d: {  	_ =	shalt  }
0x4e: {  	_ =	shalt  }
0x4f: {  	_ =	shalt  }
0x50: {  	_ =	shalt  }
0x51: {  	_ =	shalt  }
0x52: {  	_ =	shalt  }
0x53: {  	_ =	shalt  }
0x54: {  	_ =	shalt  }
0x55: {  	_ =	shalt  }
0x56: {  	_ =	shalt  }
0x57: {  	_ =	shalt  }
0x58: {  	_ =	shalt  }
0x59: {  	_ =	shalt  }
0x5a: {  	_ =	shalt  }
0x5b: {  	_ =	shalt  }
0x5c: {  	_ =	shalt  }
0x5d: {  	_ =	shalt  }
0x5e: {  	_ =	shalt  }
0x5f: {  	_ =	shalt  }
0x60: {  	_ =	shalt  }
0x61: {  	_ =	shalt  }
0x62: {  	_ =	shalt  }
0x63: {  	_ =	shalt  }
0x64: {  	_ =	shalt  }
0x65: {  	_ =	shalt  }
0x66: {  	_ =	shalt  }
0x67: {  	_ =	shalt  }
0x68: {  	_ =	shalt  }
0x69: {  	_ =	shalt  }
0x6a: {  	_ =	shalt  }
0x6b: {  	_ =	shalt  }
0x6c: {  	_ =	shalt  }
0x6d: {  	_ =	shalt  }
0x6e: {  	_ =	shalt  }
0x6f: {  	_ =	shalt  }
0x70: {  	_ =	shalt  }
0x71: {  	_ =	shalt  }
0x72: {  	_ =	shalt  }
0x73: {  	_ =	shalt  }
0x74: {  	_ =	shalt  }
0x75: {  	_ =	shalt  }
0x76: {  	_ =	shalt  }
0x77: {  	_ =	shalt  }
0x78: {  	_ =	shalt  }
0x79: {  	_ =	shalt  }
0x7a: {  	_ =	shalt  }
0x7b: {  	_ =	shalt  }
0x7c: {  	_ =	shalt  }
0x7d: {  	_ =	shalt  }
0x7e: {  	_ =	shalt  }
0x7f: {  	_ =	shalt  }
0x80: {  	_ =	shalt  }
0x81: {  	_ =	shalt  }
0x82: {  	_ =	shalt  }
0x83: {  	_ =	shalt  }
0x84: {  	_ =	shalt  }
0x85: {  	_ =	shalt  }
0x86: {  	_ =	shalt  }
0x87: {  	_ =	shalt  }
.Lfunc_end0:
.L_simem_size_0:
called_computation.2_lowered:
.L_overlay_start_0:
0x88: {  	s2 =	sld [smem:$0x3FD9]  }
0x89: {  	s3 =	sld [smem:$0x3FFE];
	_ =	sdelay $0x1  }
0x8a: {  	s1 =	srdreg.scid  }
0x8b: {  	s0 =	sand.u32 $0x1, s1  }
0x8c: {  	s17 =	sshll.u32 s0, $0xA;
	s2 =	sadd.s32 s3, s2  }
0x8d: {  	s2 =	sadd.s32 s2, s17  }
0x8e: {  	[smem:$0x3FBA] =	sst s2  }
0x8f: {  	_ = 	snop  }
0x90: {  	(tm) =	ssettm $0x1  }
0x91: {  	s18 =	sld [smem:$0x3FFB];
	_ =	sdelay $0x3  }
0x92: {  	_ =	strace s18  }
0x93: {  	s2 =	sld [smem:$0x3FFC];
	_ =	sdelay $0x3  }
0x94: {  	_ =	strace s2  }
0x95: {  	s2 =	sld [smem:$0x3FFD];
	_ =	sdelay $0x3  }
0x96: {  	_ =	strace s2  }
0x97: {  	_ =	strace $0x8FFFFFFF  }
0x98: {  	s19 =	sld [smem:$0x3FDB];
	_ =	sdelay $0x1  }
0x99: {  	s20 =	simm.s32 $_scs_section_size  }
0x9a: {  	s4 =	simm.s32 $_size__tile_overlayer_lowered;
	s5 =	simm.s32 $_tile_overlayer_lowered  }
0x9b: {  	s6 =	simm.s32 $0x1BFF;
	s21 =	sshll.u32 s5, $0x1;
	s3 =	sadd.s32 s20, s19  }
0x9c: {  	s22 =	simm.s32 $0x0;
	s4 =	sshll.u32 s4, $0x1;
	s5 =	sadd.s32 s21, s3  }
0x9d: {  	[timem:s22], [sflag:s6] =	dma.local [hbm:s5], s4  }
0x9e: {  	_ =	swait.ge [sflag:s6], s4  }
0x9f: {  	s4 =	ssub.s32 $0x0, s4;
	[sflag:s6] =	ssyncset.done $0x0  }
0xa0: {  	[sflag:s6] =	ssyncadd.s32 s4;
	_ =	sdelay $0x1  }
0xa1: {  	s23 =	simm.s32 $0x1B8B  }
0xa2: {  	_ =	swait.ge [sflag:s23], $0x1  }
0xa3: {  	[sflag:s23] =	ssyncset.done $0x0  }
0xa4: {  	[sflag:s23] =	ssyncadd.s32 $0xFFFFFFFF  }
0xa5: {  	s4 =	sld [smem:$0x0]  }
0xa6: {  	s5 =	sand.u32 $0xFFFFFFFE, s1  }
0xa7: {  	p0 =	sne.s32 s1, s5  }
0xa8: {  	s5 =	sshll.u32 @p0 s5, $0xE  }
0xa9: {  	s5 =	sadd.s32 @p0 $0x11B8D, s5;
	s6 =	sshll.u32 @p0 s4, $0x11  }
0xaa: {  	s5 =	sor.u32 @p0 s6, s5  }
0xab: {  	[sflag:s5] =	ssyncadd.remote.s32 @p0 $0x1;
	_ =	sdelay $0x1  }
0xac: {  	s5 =	simm.s32 @p0 $0x1B8D  }
0xad: {  	_ =	swait.eq @p0 [sflag:s5], $0x1  }
0xae: {  	[sflag:s5] =	ssyncadd.s32 @p0 $0xFFFFFFFF  }
0xaf: {  	s6 =	sshll.u32 @!p0 s1, $0xE  }
0xb0: {  	s6 =	sor.u32 @!p0 $0x4000, s6;
	s5 =	simm.s32 @!p0 $0x1B8D  }
0xb1: {  	s4 =	sshll.u32 @!p0 s4, $0x11;
	s6 =	sadd.s32 @!p0 $0x11B8D, s6;
	_ =	swait.eq @!p0 [sflag:s5], $0x1  }
0xb2: {  	s4 =	sor.u32 @!p0 s4, s6;
	[sflag:s5] =	ssyncadd.s32 @!p0 $0xFFFFFFFF  }
0xb3: {  	s25 =	simm.s32 $0x1B8E;
	s24 =	sld [smem:$0x3FFE];
	[sflag:s4] =	ssyncadd.remote.s32 @!p0 $0x1  }
0xb4: {  	s26 =	simm.s32 $execute0_lowered;
	[smem:$0x3FD2] =	sst s25  }
0xb5: {  	s5 =	sshll.u32 s26, $0x1;
	_ =	strace $0x8000004C;
	[dreg:$0x1] =	wrdreg $0xFFFFFFFF  }
0xb6: {  	s28 =	simm.s32 $_size_execute0_lowered;
	s3 =	sadd.s32 s3, s5;
	[dreg:$0x0] =	wrdreg $0x0  }
0xb7: {  	s5 =	sshll.u32 s28, $0x1;
	[dreg:$0x2] =	wrdreg s3  }
0xb8: {  	[dreg:$0x3] =	wrdreg s5  }
0xb9: {  	[dreg:$0x4] =	wrdreg $0xC0  }
0xba: {  	_ =	task [dreg:s22], $0x5FFFF  }
0xbb: {  	[dreg:$0x1] =	wrdreg $0xFFFFFFFF  }
0xbc: {  	[dreg:$0x0] =	wrdreg $0x60  }
0xbd: {  	[dreg:$0x2] =	wrdreg s24  }
0xbe: {  	[dreg:$0x3] =	wrdreg $0x65000  }
0xbf: {  	[dreg:$0x4] =	wrdreg $0xA  }
0xc0: {  	_ =	task.clear_ibuf [dreg:s22], $0x5FFFF;
	_ =	strace $0x9000004C  }
0xc1: {  	s29 =	simm.s32 $0xA;
	_ =	strace $0x8000004E  }
0xc2: {  	_ =	swait.ge [sflag:s29], $0x1  }
0xc3: {  	[sflag:s29] =	ssyncadd.s32 $0xFFFFFFFF  }
0xc4: {  	_ =	strace $0x9000004E  }
0xc5: {  	_ =	sfence  }
0xc6: {  	s30 =	sld [smem:$0x0];
	_ =	sdelay $0x2  }
0xc7: {  	s31 =	sshll.u32 s1, $0xD;
	s1 =	sshrl.u32 s1, $0x2  }
0xc8: {  	s4 =	sand.u32 $0x4000, s31;
	s1 =	sadd.s32 s1, s30  }
0xc9: {  	s0 =	sor.u32 s4, s0;
	s1 =	sshll.u32 s1, $0x11  }
0xca: {  	s0 =	sor.u32 s1, s0  }
0xcb: {  	s0 =	sadd.s32 $0x8F2B, s0  }
0xcc: {  	[sflag:s0] =	ssyncadd.remote.s32 $0x1  }
0xcd: {  	_ =	sfence.sel $0xFFFF  }
0xce: {  	[dreg:$0x0] =	wrdreg $0xFFFFFFFF;
	(pc) =	sbr.abs _section_cstart, $3  }
0xcf: {  	[dreg:$0x1] =	wrdreg $0xFFFFFFFF  }
0xd0: {  	_ =	task.clear_ibuf [dreg:s22], $0x2FFFF;
	_ =	strace $0x9FFFFFFF  }
0xd1: {  	(tm) =	ssettm $0x7FFFFFFF  }
tec
execute0_lowered:
.L_overlay_start_1:
0x0: {  	(tag) =	ssettag $0x1  }
0x1: {  	s4 =	rddreg [dreg:$0x0];
	s2 =	srdreg.scid  }
0x2: {  	s1 =	rddreg [dreg:$0x1];
	s3 =	simm.s32 $0x0;
	s9 =	sand.u32 $0x1, s2  }
0x3: {  	s16 =	simm.s32 $0x5080;
	s2 =	stileid.u32;
	s5 =	smul.u32 $0x138800, s9  }
0x4: {  	s17 =	simm.s32 $0x2800;
	s18 =	simm.s32 $0x3;
	s6 =	smul.u32 $0x13800, s2  }
0x5: {  	s19 =	simm.s32 $0x1;
	s20 =	simm.s32 $0x50;
	s8 =	smul.u32 $0x2700, s2  }
0x6: {  	s21 =	simm.s32 $0x4;
	s22 =	simm.s32 $0x2;
	s31 =	smul.u32 $0x4E000, s2  }
0x7: {  	[smem:$0x7FF] =	sst s3;
	s10 =	sadd.s32 $0xD10A00, s4;
	s13 =	smul.u32 $0x4E20, s2  }
0x8: {  	s11 =	sadd.s32 $0xDE00, s4;
	_ =	strace $0x8000004D;
	s14 =	smul.u32 $0x2710, s9  }
0x9: {  	s7 =	sshll.u32 s2, $0x1;
	s25 =	ssub.s32 $0x2, s9;
	s15 =	smul.u32 $0x4E200, s2  }
0xa: {  	s7 =	sor.u32 s9, s7;
	s26 =	sshrl.u32 s25, $0x1;
	s9 =	smul.u32 $0x27100, s9  }
0xb: {  	s5 =	sadd.s32 s6, s5;
	s23 =	smul.u32 $0x2710, s7;
	s24 =	sadd.s32 s8, s4  }
0xc: {  	s29 =	ssub.s32 s25, s26;
	s8 =	sshrl.u32 s31, $0x2;
	s13 =	sadd.s32 s14, s13  }
0xd: {  	s25 =	simm.s32 $0x0;
	s5 =	sshrl.u32 s5, $0x3;
	s6 =	smax.u32 s29, $0x1  }
0xe: {  	s7 =	sadd.s32 $0x2D7000, s24;
	s8 =	sadd.s32 s8, s1;
	s14 =	sshrl.u32 s13, $0x3  }
0xf: {  	s13 =	sadd.s32 $0x50, s13;
	s24 =	simm.s32 $0x6;
	s12 =	sadd.s32 s5, s4  }
0x10: {  	s28 =	sadd.s32 $0x26C0, s23;
	s13 =	sshrl.u32 s13, $0x3;
	s23 =	simm.s32 $0x5  }
0x11: {  	s30 =	sshrl.u32 s28, $0x3;
	s5 =	sshll.u32 s28, $0x4;
	s12 =	sadd.s32 $0x17C00, s12  }
0x12: {  	s4 =	sadd.s32 s11, s30;
	s5 =	sadd.s32 s10, s5;
	s10 =	sadd.s32 s15, s10  }
0x13: {  	s15 =	simm.s32 $0x5000;
	s9 =	sadd.s32 s9, s10;
	s10 =	sadd.s32 s14, s11  }
0x14: {  	s11 =	sadd.s32 s13, s11;
	s13 =	simm.s32 $0x5100;
	s14 =	simm.s32 $0x7  }
.LBB2_1:
0x15: {  	s26 =	sadd.s32 $0x0, s7  }
0x16: {  	[tilespmem:s13], [sflag:$0x7] =	stream.linear.gather [hbm4b:s26+s3], $0x1400, $0x38;
	[tilespmem:$0x19D80] =	vst v63  }
0x17: {  	_ =	swait.ge [sflag:s14], $0x1400  }
0x18: {  	[sflag:s14] =	ssyncset.done $0x0  }
0x19: {  	[sflag:s14] =	ssyncadd.s32 $0xFFFFEC00  }
0x1a: {  	[spmem:s8] =	stream.linear.scatter [tilespmem:s13], [sflag:$0x7], $0x1400, $0x38;
	[tilespmem:$0x19D80] =	vst v63  }
0x1b: {  	s28 =	simm.s32 $0x280;
	_ =	swait.ge [sflag:s14], $0x1400  }
0x1c: {  	s29 =	simm.s32 $0x500;
	s26 =	sadd.s32 $0x1400, s8;
	[sflag:s14] =	ssyncset.done $0x0  }
.LBB2_2:
0x1d: {  	s30 =	sadd.s32 s28, s7  }
0x1e: {  	[sflag:s14] =	ssyncadd.s32 $0xFFFFEC00;
	s28 =	smov.u32 s29;
	s31 =	sadd.s32 $0x280, s29  }
0x1f: {  	[tilespmem:s13], [sflag:$0x7] =	stream.linear.gather [hbm4b:s30+s3], $0x1400, $0x38;
	[tilespmem:$0x19D80] =	vst v63  }
0x20: {  	p0 =	sne.s32 s29, $0x2580;
	_ =	swait.ge [sflag:s14], $0x1400  }
.Ltmp0:
0x21: {  	[sflag:s14] =	ssyncset.done $0x0;
	(pc) =	sbr.rel @p0 .LBB2_2-.Ltmp0, $4  }
0x22: {  	[sflag:s14] =	ssyncadd.s32 $0xFFFFEC00  }
0x23: {  	[spmem:s26] =	stream.linear.scatter [tilespmem:s13], [sflag:$0x7], $0x1400, $0x38;
	[tilespmem:$0x19D80] =	vst v63  }
0x24: {  	_ =	swait.ge [sflag:s14], $0x1400  }
0x25: {  	s29 =	smov.u32 s31;
	s26 =	sadd.s32 $0x1400, s26;
	[sflag:s14] =	ssyncset.done $0x0  }
0x26: {  	s28 =	sadd.s32 s28, s7;
	[sflag:s14] =	ssyncadd.s32 $0xFFFFEC00  }
0x27: {  	[tilespmem:s13], [sflag:$0x7] =	stream.linear.gather [hbm4b:s28+s3], $0x1400, $0x38;
	[tilespmem:$0x19D80] =	vst v63  }
0x28: {  	_ =	swait.ge [sflag:s14], $0x1400  }
0x29: {  	[sflag:s14] =	ssyncset.done $0x0  }
0x2a: {  	[sflag:s14] =	ssyncadd.s32 $0xFFFFEC00  }
0x2b: {  	[spmem:s26] =	stream.linear.scatter [tilespmem:s13], [sflag:$0x7], $0x1400, $0x38;
	[tilespmem:$0x19D80] =	vst v63  }
0x2c: {  	_ =	swait.ge [sflag:s14], $0x1400  }
0x2d: {  	[sflag:s14] =	ssyncset.done $0x0  }
0x2e: {  	[sflag:s14] =	ssyncadd.s32 $0xFFFFEC00  }
0x2f: {  	s0 =	sadd.s32 $0x0, s10;
	[bflag:$0x0] =	sbarrier.arrive $0xFFFF  }
0x30: {  	[tilespmem:s15], [sflag:$0x3] =	stream.linear.gather [hbm4b:s0+s3], $0x50, $0x38;
	[tilespmem:$0x19D80] =	vst v63  }
0x31: {  	s30 =	sadd.s32 $0x0, s11  }
0x32: {  	[tilespmem:s16], [sflag:$0x4] =	stream.linear.gather [hbm4b:s30+s3], $0x50, $0x38;
	[tilespmem:$0x19D80] =	vst v63  }
0x33: {  	_ = 	snop  }
0x34: {  	[tilespmem:s3], [sflag:$0x1] =	stream.linear.gather [hbm4b:s9+s3], $0x2800, $0x38;
	[tilespmem:$0x19D80] =	vst v63  }
0x35: {  	s31 =	sadd.s32 $0x500, s9  }
0x36: {  	[tilespmem:s17], [sflag:$0x2] =	stream.linear.gather [hbm4b:s31+s3], $0x2800, $0x38;
	[tilespmem:$0x19D80] =	vst v63  }
0x37: {  	_ =	swait.ge [sflag:s18], $0x50  }
0x38: {  	[sflag:s18] =	ssyncset.done $0x0  }
0x39: {  	[sflag:s18] =	ssyncadd.s32 $0xFFFFFFB0  }
0x3a: {  	_ =	swait.ge [sflag:s19], $0x2800  }
0x3b: {  	[sflag:s19] =	ssyncset.done $0x0  }
0x3c: {  	[sflag:s19] =	ssyncadd.s32 $0xFFFFD800  }
0x3d: {  	[spmem:s1] =	stream.indirect.scatter.add.f32 [tilespmem:s3], [sflag:$0x5], $0x80, s15, s20, $0xb8;
	[tilespmem:$0x19D80] =	vst v63  }
0x3e: {  	_ =	swait.ge [sflag:s21], $0x50  }
0x3f: {  	[sflag:s21] =	ssyncset.done $0x0  }
0x40: {  	[sflag:s21] =	ssyncadd.s32 $0xFFFFFFB0  }
0x41: {  	_ =	swait.ge [sflag:s22], $0x2800  }
0x42: {  	[sflag:s22] =	ssyncset.done $0x0  }
0x43: {  	[sflag:s22] =	ssyncadd.s32 $0xFFFFD800  }
0x44: {  	[spmem:s1] =	stream.indirect.scatter.add.f32 [tilespmem:s17], [sflag:$0x6], $0x80, s16, s20, $0xb8;
	[tilespmem:$0x19D80] =	vst v63  }
0x45: {  	_ =	swait.ge [sflag:s23], $0x2800  }
0x46: {  	[sflag:s23] =	ssyncset.done $0x0  }
0x47: {  	[sflag:s23] =	ssyncadd.s32 $0xFFFFD800  }
0x48: {  	s29 =	simm.s32 $0x28;
	_ =	swait.ge [sflag:s24], $0x2800  }
0x49: {  	s28 =	sadd.s32 $0xA00, s9;
	s26 =	simm.s32 $0x14;
	[sflag:s24] =	ssyncset.done $0x0  }
.LBB2_4:
0x4a: {  	s30 =	sadd.s32 s26, s10  }
0x4b: {  	[sflag:s24] =	ssyncadd.s32 $0xFFFFD800;
	s31 =	smov.u32 s29;
	s0 =	sadd.s32 $0x14, s29  }
0x4c: {  	[tilespmem:s15], [sflag:$0x3] =	stream.linear.gather [hbm4b:s30+s3], $0x50, $0x38;
	[tilespmem:$0x19D80] =	vst v63  }
0x4d: {  	p0 =	sne.s32 s29, $0x4C4;
	s29 =	sadd.s32 s26, s11;
	s26 =	smov.u32 s31  }
0x4e: {  	[tilespmem:s16], [sflag:$0x4] =	stream.linear.gather [hbm4b:s29+s3], $0x50, $0x38;
	[tilespmem:$0x19D80] =	vst v63  }
0x4f: {  	_ = 	snop  }
0x50: {  	[tilespmem:s3], [sflag:$0x1] =	stream.linear.gather [hbm4b:s28+s3], $0x2800, $0x38;
	[tilespmem:$0x19D80] =	vst v63  }
0x51: {  	s29 =	sadd.s32 $0x500, s28  }
0x52: {  	[tilespmem:s17], [sflag:$0x2] =	stream.linear.gather [hbm4b:s29+s3], $0x2800, $0x38;
	[tilespmem:$0x19D80] =	vst v63  }
0x53: {  	_ =	swait.ge [sflag:s18], $0x50  }
0x54: {  	[sflag:s18] =	ssyncset.done $0x0  }
0x55: {  	[sflag:s18] =	ssyncadd.s32 $0xFFFFFFB0  }
0x56: {  	_ =	swait.ge [sflag:s19], $0x2800  }
0x57: {  	[sflag:s19] =	ssyncset.done $0x0  }
0x58: {  	[sflag:s19] =	ssyncadd.s32 $0xFFFFD800  }
0x59: {  	[spmem:s1] =	stream.indirect.scatter.add.f32 [tilespmem:s3], [sflag:$0x5], $0x80, s15, s20, $0xb8;
	[tilespmem:$0x19D80] =	vst v63  }
0x5a: {  	_ =	swait.ge [sflag:s21], $0x50  }
0x5b: {  	[sflag:s21] =	ssyncset.done $0x0  }
0x5c: {  	[sflag:s21] =	ssyncadd.s32 $0xFFFFFFB0  }
0x5d: {  	_ =	swait.ge [sflag:s22], $0x2800  }
0x5e: {  	[sflag:s22] =	ssyncset.done $0x0  }
0x5f: {  	[sflag:s22] =	ssyncadd.s32 $0xFFFFD800  }
0x60: {  	[spmem:s1] =	stream.indirect.scatter.add.f32 [tilespmem:s17], [sflag:$0x6], $0x80, s16, s20, $0xb8;
	[tilespmem:$0x19D80] =	vst v63  }
.Ltmp1:
0x61: {  	_ =	swait.ge [sflag:s23], $0x2800;
	(pc) =	sbr.rel @p0 .LBB2_4-.Ltmp1, $4  }
0x62: {  	[sflag:s23] =	ssyncset.done $0x0  }
0x63: {  	[sflag:s23] =	ssyncadd.s32 $0xFFFFD800  }
0x64: {  	_ =	swait.ge [sflag:s24], $0x2800  }
0x65: {  	s28 =	sadd.s32 $0xA00, s28;
	s29 =	smov.u32 s0;
	[sflag:s24] =	ssyncset.done $0x0  }
0x66: {  	s0 =	sadd.s32 s26, s10;
	[sflag:s24] =	ssyncadd.s32 $0xFFFFD800  }
0x67: {  	[tilespmem:s15], [sflag:$0x3] =	stream.linear.gather [hbm4b:s0+s3], $0x50, $0x38;
	[tilespmem:$0x19D80] =	vst v63  }
0x68: {  	s26 =	sadd.s32 s26, s11  }
0x69: {  	[tilespmem:s16], [sflag:$0x4] =	stream.linear.gather [hbm4b:s26+s3], $0x50, $0x38;
	[tilespmem:$0x19D80] =	vst v63  }
0x6a: {  	_ = 	snop  }
0x6b: {  	[tilespmem:s3], [sflag:$0x1] =	stream.linear.gather [hbm4b:s28+s3], $0x2800, $0x38;
	[tilespmem:$0x19D80] =	vst v63  }
0x6c: {  	s29 =	sadd.s32 $0x500, s28  }
0x6d: {  	[tilespmem:s17], [sflag:$0x2] =	stream.linear.gather [hbm4b:s29+s3], $0x2800, $0x38;
	[tilespmem:$0x19D80] =	vst v63  }
0x6e: {  	_ =	swait.ge [sflag:s18], $0x50  }
0x6f: {  	[sflag:s18] =	ssyncset.done $0x0  }
0x70: {  	[sflag:s18] =	ssyncadd.s32 $0xFFFFFFB0  }
0x71: {  	_ =	swait.ge [sflag:s19], $0x2800  }
0x72: {  	[sflag:s19] =	ssyncset.done $0x0  }
0x73: {  	[sflag:s19] =	ssyncadd.s32 $0xFFFFD800  }
0x74: {  	[spmem:s1] =	stream.indirect.scatter.add.f32 [tilespmem:s3], [sflag:$0x5], $0x80, s15, s20, $0xb8;
	[tilespmem:$0x19D80] =	vst v63  }
0x75: {  	_ =	swait.ge [sflag:s21], $0x50  }
0x76: {  	[sflag:s21] =	ssyncset.done $0x0  }
0x77: {  	[sflag:s21] =	ssyncadd.s32 $0xFFFFFFB0  }
0x78: {  	_ =	swait.ge [sflag:s22], $0x2800  }
0x79: {  	[sflag:s22] =	ssyncset.done $0x0  }
0x7a: {  	[sflag:s22] =	ssyncadd.s32 $0xFFFFD800  }
0x7b: {  	[spmem:s1] =	stream.indirect.scatter.add.f32 [tilespmem:s17], [sflag:$0x6], $0x80, s16, s20, $0xb8;
	[tilespmem:$0x19D80] =	vst v63  }
0x7c: {  	_ =	swait.ge [sflag:s23], $0x2800  }
0x7d: {  	[sflag:s23] =	ssyncset.done $0x0  }
0x7e: {  	[sflag:s23] =	ssyncadd.s32 $0xFFFFD800  }
0x7f: {  	_ =	swait.ge [sflag:s24], $0x2800  }
0x80: {  	[sflag:s24] =	ssyncset.done $0x0  }
0x81: {  	s30 =	simm.s32 $0x0;
	[sflag:s24] =	ssyncadd.s32 $0xFFFFD800  }
0x82: {  	[tilespmem:s15], [sflag:$0x7] =	stream.linear.gather [hbm4b:s4+s30], $0x50, $0x38;
	[tilespmem:$0x19D80] =	vst v63  }
0x83: {  	_ =	swait.ge [sflag:s14], $0x50  }
0x84: {  	[sflag:s14] =	ssyncset.done $0x0  }
0x85: {  	[sflag:s14] =	ssyncadd.s32 $0xFFFFFFB0  }
0x86: {  	[tilespmem:s30], [sflag:$0x7] =	stream.linear.gather [hbm4b:s5+s30], $0x2800, $0x38;
	[tilespmem:$0x19D80] =	vst v63  }
0x87: {  	_ =	swait.ge [sflag:s14], $0x2800  }
0x88: {  	[sflag:s14] =	ssyncset.done $0x0  }
0x89: {  	[sflag:s14] =	ssyncadd.s32 $0xFFFFD800  }
0x8a: {  	[spmem:s1] =	stream.indirect.scatter.add.f32 [tilespmem:s30], [sflag:$0x7], $0x80, s15, s20, $0xb8;
	[tilespmem:$0x19D80] =	vst v63  }
0x8b: {  	_ =	swait.ge [sflag:s14], $0x2800  }
0x8c: {  	[sflag:s14] =	ssyncset.done $0x0  }
0x8d: {  	[sflag:s14] =	ssyncadd.s32 $0xFFFFD800  }
0x8e: {  	[bflag:$0x0] =	sbarrier.arrive $0xFFFF  }
0x8f: {  	[tilespmem:s13], [sflag:$0x7] =	stream.linear.gather [spmem:s8], $0x1400, $0x38;
	[tilespmem:$0x19D80] =	vst v63  }
0x90: {  	_ =	swait.ge [sflag:s14], $0x1400  }
0x91: {  	[sflag:s14] =	ssyncset.done $0x0  }
0x92: {  	s31 =	sadd.s32 $0x0, s12;
	[sflag:s14] =	ssyncadd.s32 $0xFFFFEC00  }
0x93: {  	[hbm4b:s31+s3] =	stream.linear.scatter [tilespmem:s13], [sflag:$0x7], $0x1400, $0x38;
	[tilespmem:$0x19D80] =	vst v63  }
0x94: {  	_ =	swait.ge [sflag:s14], $0x1400  }
0x95: {  	s26 =	simm.s32 $0x280;
	s28 =	smov.u32 s8;
	[sflag:s14] =	ssyncset.done $0x0  }
.LBB2_6:
0x96: {  	p0 =	sne.s32 s26, $0x2580;
	[sflag:s14] =	ssyncadd.s32 $0xFFFFEC00;
	s28 =	sadd.s32 $0x1400, s28  }
0x97: {  	[tilespmem:s13], [sflag:$0x7] =	stream.linear.gather [spmem:s28], $0x1400, $0x38;
	[tilespmem:$0x19D80] =	vst v63  }
0x98: {  	s0 =	smov.u32 s26;
	s26 =	sadd.s32 $0x280, s26;
	_ =	swait.ge [sflag:s14], $0x1400  }
.Ltmp2:
0x99: {  	[sflag:s14] =	ssyncset.done $0x0;
	(pc) =	sbr.rel @p0 .LBB2_6-.Ltmp2, $4  }
0x9a: {  	s0 =	sadd.s32 s0, s12;
	[sflag:s14] =	ssyncadd.s32 $0xFFFFEC00  }
0x9b: {  	[hbm4b:s0+s3] =	stream.linear.scatter [tilespmem:s13], [sflag:$0x7], $0x1400, $0x38;
	[tilespmem:$0x19D80] =	vst v63  }
0x9c: {  	_ =	swait.ge [sflag:s14], $0x1400  }
0x9d: {  	[sflag:s14] =	ssyncset.done $0x0  }
0x9e: {  	s25 =	sadd.s32 $0x1, s25  }
0x9f: {  	p0 =	sne.s32 s25, s6  }
.Ltmp3:
0xa0: {  	_ = 	snop;
	(pc) =	sbr.rel @p0 .LBB2_1-.Ltmp3, $2  }
0xa1: {  	_ =	sdelay $0x2  }
0xa2: {  	[sflag:s14] =	ssyncadd.s32 $0xFFFFEC00  }
0xa3: {  	_ =	sfence.sel $0x180000  }
0xa4: {  	[bflag:$0x0] =	sbarrier.arrive $0xFFFF  }
0xa5: {  	_ =	strace $0x9000004D  }
0xa6: {  	[bflag:$0x2] =	sbarrier.arrive $0xFFFF  }
0xa7: {  	p0 =	sne.s32 s2, $0x0;
	s0 =	rddreg [dreg:$0x2]  }
0xa8: {  	s0 =	sadd.s32 @!p0 $0x100000, s0  }
0xa9: {  	[sflag:s0] =	ssyncadd.tile.s32 @!p0 $0x1;
	_ =	shalt  }
.Lfunc_end2:
_tile_overlayer_lowered:
.L_overlay_start_2:
0xaa: {  	(tag) =	ssettag $0x2  }
0xab: {  	s0 =	rddreg [dreg:$0x0];
	s2 =	stileid.u32  }
0xac: {  	s1 =	rddreg [dreg:$0x1];
	p0 =	sne.s32 s2, $0x0  }
0xad: {  	s3 =	rddreg [dreg:$0x2];
	[bflag:$0x3] =	sbarrier.arrive $0xFFFF;
	s2 =	simm.s32 @!p0 $0x1C07  }
0xae: {  	[timem:s3], [sflag:s2] =	dma.local @!p0 [hbm:s0], s1  }
0xaf: {  	s0 =	simm.s32 @!p0 $0x7  }
0xb0: {  	_ =	swait.ge @!p0 [sflag:s0], s1  }
0xb1: {  	s1 =	ssub.s32 @!p0 $0x0, s1;
	[sflag:s0] =	ssyncset.done @!p0 $0x0  }
0xb2: {  	[sflag:s0] =	ssyncadd.s32 @!p0 s1  }
0xb3: {  	[bflag:$0x3] =	sbarrier.arrive $0xFFFF  }
0xb4: {  	_ =	shalt  }

// kernel: kernel.8.cloned.1.call-start
scs
__scs_entry_jumppad:
0x0: {  	(pc) =	sbr.rel $0x88, $3  }
0x1: {  	(tag) =	ssettag $0x0;
	lr =	simm.s32 $0x1  }
0x2: {  	[smem:$0x3F93] =	sst lr;
	_ =	strace $0xD0000000  }
0x3: {  	_ = 	snop  }
0x4: {  	_ = 	snop  }
0x5: {  	_ = 	snop  }
0x6: {  	_ = 	snop  }
0x7: {  	_ = 	snop  }
__scs_overlays_trampoline_lowered:
0x8: {  	[smem:$0x3FA2] =	sst s0  }
0x9: {  	[smem:$0x3FA3] =	sst s1  }
0xa: {  	[smem:$0x3FA4] =	sst s2  }
0xb: {  	[smem:$0x3FA5] =	sst s3  }
0xc: {  	[smem:$0x3FA6] =	sst s4  }
0xd: {  	[smem:$0x3FA7] =	sst s5  }
0xe: {  	[smem:$0x3FA8] =	sst s6  }
0xf: {  	[smem:$0x3FA9] =	sst s7  }
0x10: {  	[smem:$0x3FAA] =	sst s8  }
0x11: {  	[smem:$0x3FAB] =	sst s9;
	s0 =	simm.s32 @!p0 $0x0  }
0x12: {  	s1 =	sld [smem:$0x3F91];
	s0 =	simm.s32 @p0 $0x1  }
0x13: {  	[smem:$0x3FAC] =	sst s0;
	s0 =	simm.s32 @!p1 $0x0  }
0x14: {  	s2 =	sld [smem:$0x3F90];
	s0 =	simm.s32 @p1 $0x1  }
0x15: {  	[smem:$0x3FAD] =	sst s0;
	s0 =	simm.s32 @!p2 $0x0  }
0x16: {  	s3 =	sld [smem:$0x3FDB];
	s0 =	simm.s32 @p2 $0x1  }
0x17: {  	s4 =	simm.s32 $0x1BF5;
	[smem:$0x3FAF] =	sst s0  }
0x18: {  	s0 =	sld [smem:$0x3F92];
	_ =	swait.ge [sflag:s4], $0x0  }
0x19: {  	s7 =	sld [smem:$0x3F93]  }
0x1a: {  	s8 =	sadd.s32 $0xFFFFE003, lr  }
0x1b: {  	s9 =	sadd.s32 $0xFFFFFEF7, lr;
	s5 =	simm.s32 $0xFFFFFFFF;
	p2 =	slt.u32 s8, $0xFFFFF086  }
0x1c: {  	p1 =	slt.u32 s9, $0xF7A;
	s5 =	simm.s32 @!p2 $0x0  }
0x1d: {  	s5 =	simm.s32 @p1 $0x1;
	p0 =	seq.s32 s7, s2  }
0x1e: {  	s7 =	smul.u32 @!p0 $0xF7A, s2;
	p2 =	seq.s32 @!p0 s5, $0x0  }
0x1f: {  	s9 =	smul.u32 $0xF7A, s1;
	s8 =	simm.s32 @!p0 $0x1BF5;
	p2 =	por !p2, p0  }
0x20: {  	[sflag:s8] =	ssyncset.s32 @!p0 $0xFFFFF086;
	s6 =	sadd.s32 @!p0 s3, s7;
	s7 =	simm.s32 @!p0 $0x108  }
0x21: {  	s3 =	sadd.s32 s3, s9;
	s6 =	sadd.s32 @!p0 $0x88, s6;
	s7 =	simm.s32 @p2 $0x1082  }
0x22: {  	[simem:s7], [sflag:s8] =	dma.local @!p0 [hbm:s6], $0xF7A  }
0x23: {  	s9 =	sor.u32 $0xD0000000, s2;
	s6 =	simm.s32 $0x108;
	_ =	swait.ge @!p0 [sflag:s8], $0x0  }
0x24: {  	s3 =	sadd.s32 $0x88, s3;
	s6 =	simm.s32 @!p1 $0x1082;
	[sflag:s4] =	ssyncset.s32 $0xFFFFF086  }
0x25: {  	[simem:s6], [sflag:s4] =	dma.local [hbm:s3], $0xF7A  }
0x26: {  	[smem:$0x3F93] =	sst s1;
	(tag) =	ssettag s2;
	_ =	strace s9  }
0x27: {  	s1 =	sld [smem:$0x3FA3]  }
0x28: {  	s2 =	sld [smem:$0x3FA4]  }
0x29: {  	s4 =	sld [smem:$0x3FA6]  }
0x2a: {  	p0 =	seq.s32 s5, $0x0;
	s5 =	sld [smem:$0x3FA7]  }
0x2b: {  	s6 =	sld [smem:$0x3FA8]  }
0x2c: {  	s7 =	sld [smem:$0x3FA9]  }
0x2d: {  	s3 =	simm.s32 $0x108;
	s8 =	sld [smem:$0x3FAA]  }
0x2e: {  	s3 =	simm.s32 @!p0 $0x1082;
	s9 =	sld [smem:$0x3FAB]  }
0x2f: {  	lr =	sadd.s32 s0, s3;
	s0 =	sld [smem:$0x3FA2]  }
0x30: {  	s3 =	sld [smem:$0x3FA5]  }
0x31: {  	[smem:$0x3FAE] =	sst s10  }
0x32: {  	s10 =	sld [smem:$0x3FAC];
	_ =	sdelay $0x3  }
0x33: {  	p0 =	seq.s32 s10, $0x1;
	s10 =	sld [smem:$0x3FAE];
	_ =	sdelay $0x3  }
0x34: {  	[smem:$0x3FAE] =	sst s10  }
0x35: {  	s10 =	sld [smem:$0x3FAD];
	_ =	sdelay $0x3  }
0x36: {  	p1 =	seq.s32 s10, $0x1;
	s10 =	sld [smem:$0x3FAE];
	_ =	sdelay $0x3  }
0x37: {  	[smem:$0x3FAE] =	sst s10  }
0x38: {  	s10 =	sld [smem:$0x3FAF]  }
0x39: {  	_ = 	snop;
	(pc) =	sbr.ind lr, $3  }
0x3a: {  	_ = 	snop  }
0x3b: {  	_ = 	snop  }
0x3c: {  	p2 =	seq.s32 s10, $0x1;
	s10 =	sld [smem:$0x3FAE]  }
0x3d: {  	_ =	shalt  }
0x3e: {  	_ =	shalt  }
0x3f: {  	_ =	shalt  }
0x40: {  	_ =	shalt  }
0x41: {  	_ =	shalt  }
0x42: {  	_ =	shalt  }
0x43: {  	_ =	shalt  }
0x44: {  	_ =	shalt  }
0x45: {  	_ =	shalt  }
0x46: {  	_ =	shalt  }
0x47: {  	_ =	shalt  }
0x48: {  	_ =	shalt  }
0x49: {  	_ =	shalt  }
0x4a: {  	_ =	shalt  }
0x4b: {  	_ =	shalt  }
0x4c: {  	_ =	shalt  }
0x4d: {  	_ =	shalt  }
0x4e: {  	_ =	shalt  }
0x4f: {  	_ =	shalt  }
0x50: {  	_ =	shalt  }
0x51: {  	_ =	shalt  }
0x52: {  	_ =	shalt  }
0x53: {  	_ =	shalt  }
0x54: {  	_ =	shalt  }
0x55: {  	_ =	shalt  }
0x56: {  	_ =	shalt  }
0x57: {  	_ =	shalt  }
0x58: {  	_ =	shalt  }
0x59: {  	_ =	shalt  }
0x5a: {  	_ =	shalt  }
0x5b: {  	_ =	shalt  }
0x5c: {  	_ =	shalt  }
0x5d: {  	_ =	shalt  }
0x5e: {  	_ =	shalt  }
0x5f: {  	_ =	shalt  }
0x60: {  	_ =	shalt  }
0x61: {  	_ =	shalt  }
0x62: {  	_ =	shalt  }
0x63: {  	_ =	shalt  }
0x64: {  	_ =	shalt  }
0x65: {  	_ =	shalt  }
0x66: {  	_ =	shalt  }
0x67: {  	_ =	shalt  }
0x68: {  	_ =	shalt  }
0x69: {  	_ =	shalt  }
0x6a: {  	_ =	shalt  }
0x6b: {  	_ =	shalt  }
0x6c: {  	_ =	shalt  }
0x6d: {  	_ =	shalt  }
0x6e: {  	_ =	shalt  }
0x6f: {  	_ =	shalt  }
0x70: {  	_ =	shalt  }
0x71: {  	_ =	shalt  }
0x72: {  	_ =	shalt  }
0x73: {  	_ =	shalt  }
0x74: {  	_ =	shalt  }
0x75: {  	_ =	shalt  }
0x76: {  	_ =	shalt  }
0x77: {  	_ =	shalt  }
0x78: {  	_ =	shalt  }
0x79: {  	_ =	shalt  }
0x7a: {  	_ =	shalt  }
0x7b: {  	_ =	shalt  }
0x7c: {  	_ =	shalt  }
0x7d: {  	_ =	shalt  }
0x7e: {  	_ =	shalt  }
0x7f: {  	_ =	shalt  }
0x80: {  	_ =	shalt  }
0x81: {  	_ =	shalt  }
0x82: {  	_ =	shalt  }
0x83: {  	_ =	shalt  }
0x84: {  	_ =	shalt  }
0x85: {  	_ =	shalt  }
0x86: {  	_ =	shalt  }
0x87: {  	_ =	shalt  }
.Lfunc_end0:
.L_simem_size_0:
called_computation_lowered:
.L_overlay_start_0:
0x88: {  	s2 =	sld [smem:$0x3FD9]  }
0x89: {  	s3 =	sld [smem:$0x3FFE];
	_ =	sdelay $0x1  }
0x8a: {  	s1 =	srdreg.scid  }
0x8b: {  	s0 =	sand.u32 $0x1, s1  }
0x8c: {  	s16 =	sshll.u32 s0, $0xA;
	s2 =	sadd.s32 s3, s2  }
0x8d: {  	s2 =	sadd.s32 s2, s16  }
0x8e: {  	[smem:$0x3FBA] =	sst s2  }
0x8f: {  	_ = 	snop  }
0x90: {  	(tm) =	ssettm $0x1  }
0x91: {  	s17 =	sld [smem:$0x3FFB];
	_ =	sdelay $0x3  }
0x92: {  	_ =	strace s17  }
0x93: {  	s2 =	sld [smem:$0x3FFC];
	_ =	sdelay $0x3  }
0x94: {  	_ =	strace s2  }
0x95: {  	s2 =	sld [smem:$0x3FFD];
	_ =	sdelay $0x3  }
0x96: {  	_ =	strace s2  }
0x97: {  	_ =	strace $0x8FFFFFFF  }
0x98: {  	s18 =	sld [smem:$0x3FDB];
	_ =	sdelay $0x1  }
0x99: {  	s19 =	simm.s32 $_scs_section_size  }
0x9a: {  	s4 =	simm.s32 $_size__tile_overlayer_lowered;
	s5 =	simm.s32 $_tile_overlayer_lowered  }
0x9b: {  	s22 =	simm.s32 $0x1BFF;
	s21 =	sshll.u32 s5, $0x1;
	s2 =	sadd.s32 s19, s18  }
0x9c: {  	s6 =	simm.s32 $0x0;
	s20 =	sshll.u32 s4, $0x1;
	s4 =	sadd.s32 s21, s2  }
0x9d: {  	[timem:s6], [sflag:s22] =	dma.local [hbm:s4], s20  }
0x9e: {  	_ =	swait.ge [sflag:s22], s20  }
0x9f: {  	s3 =	ssub.s32 $0x0, s20;
	[sflag:s22] =	ssyncset.done $0x0  }
0xa0: {  	[sflag:s22] =	ssyncadd.s32 s3;
	_ =	sdelay $0x1  }
0xa1: {  	s23 =	simm.s32 $0x1B8B  }
0xa2: {  	_ =	swait.ge [sflag:s23], $0x1  }
0xa3: {  	[sflag:s23] =	ssyncset.done $0x0  }
0xa4: {  	s25 =	simm.s32 $0x1B8E;
	s24 =	sld [smem:$0x3FFE];
	[sflag:s23] =	ssyncadd.s32 $0xFFFFFFFF  }
0xa5: {  	s26 =	simm.s32 $execute0_lowered;
	[smem:$0x3FD2] =	sst s25  }
0xa6: {  	s4 =	sshll.u32 s26, $0x1;
	_ =	strace $0x80000046;
	[dreg:$0x1] =	wrdreg $0xFFFFFFFF  }
0xa7: {  	s28 =	simm.s32 $_size_execute0_lowered;
	s2 =	sadd.s32 s2, s4;
	[dreg:$0x0] =	wrdreg $0x0  }
0xa8: {  	s4 =	sshll.u32 s28, $0x1;
	[dreg:$0x2] =	wrdreg s2  }
0xa9: {  	[dreg:$0x3] =	wrdreg s4  }
0xaa: {  	[dreg:$0x4] =	wrdreg $0xC0  }
0xab: {  	_ =	task [dreg:s6], $0x5FFFF  }
0xac: {  	[dreg:$0x1] =	wrdreg $0xFFFFFFFF  }
0xad: {  	[dreg:$0x0] =	wrdreg $0x60  }
0xae: {  	[dreg:$0x2] =	wrdreg s24  }
0xaf: {  	[dreg:$0x3] =	wrdreg $0xA  }
0xb0: {  	_ =	task.clear_ibuf [dreg:s6], $0x4FFFF;
	_ =	strace $0x90000046  }
0xb1: {  	s29 =	simm.s32 $0xA;
	_ =	strace $0x80000048  }
0xb2: {  	_ =	swait.ge [sflag:s29], $0x1  }
0xb3: {  	[sflag:s29] =	ssyncadd.s32 $0xFFFFFFFF  }
0xb4: {  	_ =	strace $0x90000048  }
0xb5: {  	_ =	sfence  }
0xb6: {  	s30 =	sld [smem:$0x0];
	_ =	sdelay $0x2  }
0xb7: {  	s31 =	sshll.u32 s1, $0xD;
	s1 =	sshrl.u32 s1, $0x2  }
0xb8: {  	s3 =	sand.u32 $0x4000, s31;
	s1 =	sadd.s32 s1, s30  }
0xb9: {  	s0 =	sor.u32 s3, s0;
	s1 =	sshll.u32 s1, $0x11  }
0xba: {  	s0 =	sor.u32 s1, s0  }
0xbb: {  	s0 =	sadd.s32 $0x8F2B, s0  }
0xbc: {  	[sflag:s0] =	ssyncadd.remote.s32 $0x1  }
0xbd: {  	_ =	sfence.sel $0xFFFF  }
0xbe: {  	[dreg:$0x0] =	wrdreg $0xFFFFFFFF;
	(pc) =	sbr.abs _section_cstart, $3  }
0xbf: {  	[dreg:$0x1] =	wrdreg $0xFFFFFFFF  }
0xc0: {  	_ =	task.clear_ibuf [dreg:s6], $0x2FFFF;
	_ =	strace $0x9FFFFFFF  }
0xc1: {  	(tm) =	ssettm $0x7FFFFFFF  }
tec
execute0_lowered:
.L_overlay_start_1:
0x0: {  	(tag) =	ssettag $0x1  }
0x1: {  	s0 =	rddreg [dreg:$0x0];
	s2 =	simm.s32 $0x0  }
0x2: {  	s1 =	srdreg.scid;
	s3 =	stileid.u32;
	s17 =	simm.s32 $0x28  }
0x3: {  	s18 =	simm.s32 $0x5000;
	s19 =	simm.s32 $0x6400;
	s28 =	simm.s32 $0x2  }
0x4: {  	s29 =	simm.s32 $0x3;
	s30 =	simm.s32 $0x4;
	s31 =	simm.s32 $0xA000  }
0x5: {  	s14 =	simm.s32 $0x7;
	s15 =	simm.s32 $0x8;
	s16 =	simm.s32 $0x10400  }
0x6: {  	[smem:$0x7FF] =	sst s2;
	s1 =	sand.u32 $0x1, s1;
	s5 =	sshll.u32 s3, $0x1  }
0x7: {  	s3 =	sadd.s32 $0x17C00, s0;
	s4 =	sadd.s32 $0x3EE00, s0;
	s6 =	sor.u32 s1, s5  }
0x8: {  	s7 =	sadd.s32 $0x4000, s0;
	s1 =	ssub.s32 $0x2, s1;
	s5 =	smul.u32 $0x1388, s6  }
0x9: {  	s8 =	sadd.s32 $0xDE00, s0;
	s9 =	sshrl.u32 s1, $0x1;
	s10 =	smul.u32 $0x9C400, s6  }
0xa: {  	_ =	strace $0x80000047;
	s6 =	sadd.s32 $0x66000, s0;
	s20 =	ssub.s32 s1, s9  }
0xb: {  	s21 =	sshrl.u32 s5, $0x3;
	s10 =	sshrl.u32 s10, $0x3;
	s0 =	smax.u32 s20, $0x1  }
0xc: {  	s20 =	simm.s32 $0x7800;
	s22 =	sadd.s32 s7, s21;
	s23 =	sadd.s32 $0x4E20, s21  }
0xd: {  	s1 =	sadd.s32 s8, s21;
	s25 =	sadd.s32 s6, s10;
	[dreg:$0x7] =	wrdreg s0  }
0xe: {  	s21 =	simm.s32 $0x8C00;
	s0 =	simm.s32 $0x5;
	[dreg:$0x2] =	wrdreg s22  }
0xf: {  	s10 =	simm.s32 $0x0;
	[dreg:$0x3] =	wrdreg s1;
	s24 =	sadd.s32 s7, s23  }
0x10: {  	s26 =	sadd.s32 s8, s23;
	s1 =	sadd.s32 $0x13600, s25;
	[dreg:$0x4] =	wrdreg s24  }
0x11: {  	s23 =	simm.s32 $0xC800;
	s25 =	simm.s32 $0xF000;
	[dreg:$0x5] =	wrdreg s26  }
0x12: {  	s7 =	simm.s32 $0x9;
	s8 =	simm.s32 $0xA;
	[dreg:$0x6] =	wrdreg s1  }
0x13: {  	s24 =	simm.s32 $0xDC00;
	s26 =	simm.s32 $0x1;
	s1 =	simm.s32 $0x6  }
.LBB2_1:
0x14: {  	[dreg:$0x8] =	wrdreg s10  }
0x15: {  	s9 =	rddreg [dreg:$0x2];
	s10 =	simm.s32 $0xB  }
0x16: {  	[tilespmem:s2], [sflag:$0xB] =	stream.linear.gather [hbm4b:s9+s2], $0x1388, $0x38;
	[tilespmem:$0x11800] =	vst v63  }
0x17: {  	_ =	swait.ge [sflag:s10], $0x1388  }
0x18: {  	[sflag:s10] =	ssyncset.done $0x0  }
0x19: {  	s11 =	simm.s32 $0x1400;
	s22 =	rddreg [dreg:$0x3];
	[sflag:s10] =	ssyncadd.s32 $0xFFFFEC78  }
0x1a: {  	[tilespmem:s11], [sflag:$0xB] =	stream.linear.gather [hbm4b:s22+s2], $0x1388, $0x38;
	[tilespmem:$0x11800] =	vst v63  }
0x1b: {  	_ =	swait.ge [sflag:s10], $0x1388  }
0x1c: {  	[sflag:s10] =	ssyncset.done $0x0  }
0x1d: {  	s12 =	simm.s32 $0x2800;
	s11 =	rddreg [dreg:$0x4];
	[sflag:s10] =	ssyncadd.s32 $0xFFFFEC78  }
0x1e: {  	[tilespmem:s12], [sflag:$0xB] =	stream.linear.gather [hbm4b:s11+s2], $0x1388, $0x38;
	[tilespmem:$0x11800] =	vst v63  }
0x1f: {  	_ =	swait.ge [sflag:s10], $0x1388  }
0x20: {  	[sflag:s10] =	ssyncset.done $0x0  }
0x21: {  	s22 =	simm.s32 $0x3C00;
	s13 =	rddreg [dreg:$0x5];
	[sflag:s10] =	ssyncadd.s32 $0xFFFFEC78  }
0x22: {  	[tilespmem:s22], [sflag:$0xB] =	stream.linear.gather [hbm4b:s13+s2], $0x1388, $0x38;
	[tilespmem:$0x11800] =	vst v63  }
0x23: {  	_ =	swait.ge [sflag:s10], $0x1388  }
0x24: {  	[sflag:s10] =	ssyncset.done $0x0  }
0x25: {  	[sflag:s10] =	ssyncadd.s32 $0xFFFFEC78;
	s10 =	simm.s32 $0x0  }
.LBB2_2:
0x26: {  	s12 =	smul.u32 $0x50, s10;
	_ =	sdelay $0x1  }
0x27: {  	[tilespmem:s18], [sflag:$0x1] =	stream.indirect.gather [hbm4b:s3+s17], $0x80, s12, s17, $0xb8;
	[tilespmem:$0x11800] =	vst v63  }
0x28: {  	s9 =	sadd.s32 $0x1400, s12  }
0x29: {  	[tilespmem:s19], [sflag:$0x2] =	stream.indirect.gather [hbm4b:s4+s17], $0x80, s9, s17, $0xb8;
	[tilespmem:$0x11800] =	vst v63  }
0x2a: {  	s22 =	sadd.s32 $0x2800, s12  }
0x2b: {  	[tilespmem:s20], [sflag:$0x3] =	stream.indirect.gather [hbm4b:s3+s17], $0x80, s22, s17, $0xb8;
	[tilespmem:$0x11800] =	vst v63  }
0x2c: {  	s11 =	sadd.s32 $0x3C00, s12  }
0x2d: {  	[tilespmem:s21], [sflag:$0x4] =	stream.indirect.gather [hbm4b:s4+s17], $0x80, s11, s17, $0xb8;
	[tilespmem:$0x11800] =	vst v63  }
0x2e: {  	s13 =	simm.s32 $0xB400;
	s11 =	sadd.s32 $0x28, s12  }
0x2f: {  	[tilespmem:s13], [sflag:$0x5] =	stream.indirect.gather [hbm4b:s3+s17], $0x80, s11, s17, $0xb8;
	[tilespmem:$0x11800] =	vst v63  }
0x30: {  	s22 =	sadd.s32 $0x1428, s12  }
0x31: {  	[tilespmem:s23], [sflag:$0x6] =	stream.indirect.gather [hbm4b:s4+s17], $0x80, s22, s17, $0xb8;
	[tilespmem:$0x11800] =	vst v63  }
0x32: {  	s13 =	sadd.s32 $0x2828, s12  }
0x33: {  	[tilespmem:s24], [sflag:$0x7] =	stream.indirect.gather [hbm4b:s3+s17], $0x80, s13, s17, $0xb8;
	[tilespmem:$0x11800] =	vst v63  }
0x34: {  	s22 =	sadd.s32 $0x3C28, s12  }
0x35: {  	[tilespmem:s25], [sflag:$0x8] =	stream.indirect.gather [hbm4b:s4+s17], $0x80, s22, s17, $0xb8;
	[tilespmem:$0x11800] =	vst v63  }
0x36: {  	_ =	swait.ge [sflag:s26], $0x1400  }
0x37: {  	[sflag:s26] =	ssyncset.done $0x0  }
0x38: {  	[sflag:s26] =	ssyncadd.s32 $0xFFFFEC00  }
0x39: {  	_ =	swait.ge [sflag:s28], $0x1400  }
0x3a: {  	[sflag:s28] =	ssyncset.done $0x0  }
0x3b: {  	[sflag:s28] =	ssyncadd.s32 $0xFFFFEC00  }
0x3c: {  	_ =	swait.ge [sflag:s29], $0x1400  }
0x3d: {  	[sflag:s29] =	ssyncset.done $0x0  }
0x3e: {  	[sflag:s29] =	ssyncadd.s32 $0xFFFFEC00  }
0x3f: {  	_ =	swait.ge [sflag:s30], $0x1400  }
0x40: {  	[sflag:s30] =	ssyncset.done $0x0  }
0x41: {  	s13 =	simm.s32 $0x0;
	[sflag:s30] =	ssyncadd.s32 $0xFFFFEC00  }
0x42: {  	v0 =	vld [tilespmem:s13+$0x7830]  }
0x43: {  	v1 =	vld [tilespmem:s13+$0x8C30]  }
0x44: {  	v2 =	vld [tilespmem:s13+$0x7870]  }
0x45: {  	v3 =	vld [tilespmem:s13+$0x8C70]  }
0x46: {  	v4 =	vld [tilespmem:s13+$0x5000]  }
0x47: {  	v5 =	vld [tilespmem:s13+$0x6400]  }
0x48: {  	v6 =	vld [tilespmem:s13+$0x5040]  }
0x49: {  	v7 =	vld [tilespmem:s13+$0x6440]  }
0x4a: {  	v8 =	vld [tilespmem:s13+$0x7800]  }
0x4b: {  	v9 =	vld [tilespmem:s13+$0x8C40]  }
0x4c: {  	v10 =	vld [tilespmem:s13+$0x5010]  }
0x4d: {  	v0 =	vadd.f32 v1, v0;
	v1 =	vadd.f32 v3, v2;
	v2 =	vld [tilespmem:s13+$0x8C00]  }
0x4e: {  	v3 =	vld [tilespmem:s13+$0x7840];
	v4 =	vadd.f32 v5, v4  }
0x4f: {  	v5 =	vadd.f32 v7, v6;
	v6 =	vld [tilespmem:s13+$0x6450];
	v0 =	vadd.s32 $0x8000, v0;
	v1 =	vadd.s32 $0x8000, v1  }
0x50: {  	v7 =	vld [tilespmem:s13+$0x7850];
	v0 =	vshrl.u32 v0, $0x10;
	v1 =	vand.u32 $0xFFFF0000, v1  }
0x51: {  	v0 =	vor.u32 v0, v1;
	v1 =	vld [tilespmem:s13+$0x6410]  }
0x52: {  	[tilespmem:s13+$0xA070] =	vst v0;
	v0 =	vadd.s32 $0x8000, v4;
	v4 =	vadd.s32 $0x8000, v5;
	v5 =	vld [tilespmem:s13+$0x5050]  }
0x53: {  	v2 =	vadd.f32 v2, v8;
	v8 =	vld [tilespmem:s13+$0x8C50];
	v0 =	vshrl.u32 v0, $0x10;
	v4 =	vand.u32 $0xFFFF0000, v4  }
0x54: {  	v3 =	vadd.f32 v9, v3;
	v0 =	vor.u32 v0, v4;
	v4 =	vld [tilespmem:s13+$0x7810]  }
0x55: {  	[tilespmem:s13+$0xA000] =	vst v0;
	v0 =	vld [tilespmem:s13+$0x8C10]  }
0x56: {  	v2 =	vadd.s32 $0x8000, v2;
	v3 =	vadd.s32 $0x8000, v3  }
0x57: {  	v61 =	vld [tilespmem:s13+$0x6460];
	v2 =	vshrl.u32 v2, $0x10;
	v3 =	vand.u32 $0xFFFF0000, v3;
	v1 =	vadd.f32 v1, v10  }
0x58: {  	v2 =	vor.u32 v2, v3;
	v3 =	vld [tilespmem:s13+$0x5020];
	v5 =	vadd.f32 v6, v5  }
0x59: {  	[tilespmem:s13+$0xA040] =	vst v2;
	v2 =	vld [tilespmem:s13+$0x6420];
	v1 =	vadd.s32 $0x8000, v1  }
0x5a: {  	v6 =	vld [tilespmem:s13+$0x5060];
	v5 =	vadd.s32 $0x8000, v5;
	v0 =	vadd.f32 v0, v4;
	v4 =	vadd.f32 v8, v7  }
0x5b: {  	v1 =	vshrl.u32 v1, $0x10;
	v5 =	vand.u32 $0xFFFF0000, v5;
	v7 =	vld [tilespmem:s13+$0x7860]  }
0x5c: {  	v1 =	vor.u32 v1, v5;
	v5 =	vld [tilespmem:s13+$0x7820];
	v0 =	vadd.s32 $0x8000, v0;
	v4 =	vadd.s32 $0x8000, v4  }
0x5d: {  	[tilespmem:s13+$0xA010] =	vst v1;
	v1 =	vld [tilespmem:s13+$0x8C20];
	v0 =	vshrl.u32 v0, $0x10;
	v4 =	vand.u32 $0xFFFF0000, v4  }
0x5e: {  	v8 =	vld [tilespmem:s13+$0x8C60];
	v0 =	vor.u32 v0, v4  }
0x5f: {  	v62 =	vld [tilespmem:s13+$0x5030];
	[tilespmem:s13+$0xA050] =	vst v0;
	v0 =	vadd.f32 v2, v3;
	v3 =	vadd.f32 v61, v6  }
0x60: {  	v6 =	vld [tilespmem:s13+$0x6430]  }
0x61: {  	v4 =	vld [tilespmem:s13+$0x6470];
	v0 =	vadd.s32 $0x8000, v0;
	v3 =	vadd.s32 $0x8000, v3  }
0x62: {  	s9 =	simm.s32 $0x80;
	v2 =	vld [tilespmem:s13+$0x5070];
	v5 =	vadd.f32 v1, v5;
	v63 =	vshrl.u32 v0, $0x10;
	v1 =	vand.u32 $0xFFFF0000, v3  }
0x63: {  	v7 =	vadd.f32 v8, v7;
	v0 =	vld [tilespmem:s9+$0x7830];
	v3 =	vor.u32 v63, v1  }
0x64: {  	v1 =	vld [tilespmem:s9+$0x8C30];
	v5 =	vadd.s32 $0x8000, v5;
	[tilespmem:s13+$0xA020] =	vst v3  }
0x65: {  	s22 =	simm.s32 $0x400;
	v7 =	vadd.s32 $0x8000, v7;
	v5 =	vshrl.u32 v5, $0x10;
	v6 =	vadd.f32 v6, v62;
	v3 =	vld [tilespmem:s9+$0x7870]  }
.LBB2_3:
0x66: {  	p0 =	sne.s32 s22, $0x4E00;
	v8 =	vld [tilespmem:s9+$0x8C70];
	v7 =	vand.u32 $0xFFFF0000, v7  }
0x67: {  	v9 =	vld [tilespmem:s9+$0x5000];
	v5 =	vor.u32 v5, v7;
	v2 =	vadd.f32 v4, v2;
	v4 =	vadd.s32 $0x8000, v6  }
0x68: {  	v6 =	vld [tilespmem:s9+$0x6400];
	[tilespmem:s13+$0xA060] =	vst v5;
	v4 =	vshrl.u32 v4, $0x10  }
0x69: {  	v5 =	vld [tilespmem:s9+$0x5040];
	v2 =	vadd.s32 $0x8000, v2  }
0x6a: {  	v7 =	vld [tilespmem:s9+$0x6440];
	v2 =	vand.u32 $0xFFFF0000, v2  }
0x6b: {  	v0 =	vadd.f32 v1, v0;
	v10 =	vld [tilespmem:s9+$0x7800];
	v1 =	vadd.f32 v8, v3;
	v2 =	vor.u32 v4, v2  }
0x6c: {  	v3 =	vld [tilespmem:s9+$0x8C00];
	[tilespmem:s13+$0xA030] =	vst v2;
	s13 =	smov.u32 s9  }
0x6d: {  	v0 =	vadd.s32 $0x8000, v0;
	v2 =	vadd.f32 v6, v9;
	v4 =	vld [tilespmem:s13+$0x7840];
	v1 =	vadd.s32 $0x8000, v1  }
0x6e: {  	v0 =	vshrl.u32 v0, $0x10;
	v6 =	vld [tilespmem:s13+$0x8C40];
	v1 =	vand.u32 $0xFFFF0000, v1  }
0x6f: {  	v5 =	vadd.f32 v7, v5;
	v2 =	vadd.s32 $0x8000, v2;
	v7 =	vld [tilespmem:s13+$0x5010];
	v0 =	vor.u32 v0, v1  }
0x70: {  	v1 =	vshrl.u32 v2, $0x10;
	v2 =	vld [tilespmem:s13+$0x6410];
	[tilespmem:s13+$0xA070] =	vst v0  }
0x71: {  	v0 =	vadd.s32 $0x8000, v5;
	v3 =	vadd.f32 v3, v10;
	v5 =	vld [tilespmem:s13+$0x5050]  }
0x72: {  	v0 =	vand.u32 $0xFFFF0000, v0;
	v8 =	vld [tilespmem:s13+$0x6450]  }
0x73: {  	v0 =	vor.u32 v1, v0;
	v1 =	vadd.f32 v6, v4;
	v3 =	vadd.s32 $0x8000, v3;
	v4 =	vld [tilespmem:s13+$0x7810]  }
0x74: {  	[tilespmem:s13+$0xA000] =	vst v0;
	v0 =	vshrl.u32 v3, $0x10;
	v3 =	vld [tilespmem:s13+$0x8C10]  }
0x75: {  	v1 =	vadd.s32 $0x8000, v1;
	v2 =	vadd.f32 v2, v7;
	v6 =	vld [tilespmem:s13+$0x7850]  }
0x76: {  	v1 =	vand.u32 $0xFFFF0000, v1;
	v7 =	vld [tilespmem:s13+$0x8C50]  }
0x77: {  	v0 =	vor.u32 v0, v1;
	v1 =	vadd.f32 v8, v5;
	v2 =	vadd.s32 $0x8000, v2;
	v5 =	vld [tilespmem:s13+$0x5020]  }
0x78: {  	[tilespmem:s13+$0xA040] =	vst v0;
	v0 =	vshrl.u32 v2, $0x10;
	v2 =	vld [tilespmem:s13+$0x6420]  }
0x79: {  	v1 =	vadd.s32 $0x8000, v1;
	v3 =	vadd.f32 v3, v4;
	v4 =	vld [tilespmem:s13+$0x5060]  }
0x7a: {  	v1 =	vand.u32 $0xFFFF0000, v1;
	v8 =	vld [tilespmem:s13+$0x6460]  }
0x7b: {  	v0 =	vor.u32 v0, v1;
	v1 =	vadd.f32 v7, v6;
	v3 =	vadd.s32 $0x8000, v3;
	v6 =	vld [tilespmem:s13+$0x7820]  }
0x7c: {  	[tilespmem:s13+$0xA010] =	vst v0;
	v0 =	vshrl.u32 v3, $0x10;
	v3 =	vld [tilespmem:s13+$0x8C20]  }
0x7d: {  	v1 =	vadd.s32 $0x8000, v1;
	v2 =	vadd.f32 v2, v5;
	v5 =	vld [tilespmem:s13+$0x7860]  }
0x7e: {  	v1 =	vand.u32 $0xFFFF0000, v1;
	v7 =	vld [tilespmem:s13+$0x8C60]  }
0x7f: {  	v0 =	vor.u32 v0, v1;
	v1 =	vadd.f32 v8, v4;
	v2 =	vadd.s32 $0x8000, v2;
	v8 =	vld [tilespmem:s13+$0x5030]  }
0x80: {  	[tilespmem:s13+$0xA050] =	vst v0;
	v9 =	vshrl.u32 v2, $0x10;
	v10 =	vld [tilespmem:s13+$0x6430]  }
.Ltmp0:
0x81: {  	v0 =	vadd.s32 $0x8000, v1;
	v1 =	vadd.f32 v3, v6;
	v2 =	vld [tilespmem:s13+$0x5070];
	(pc) =	sbr.rel @p0 .LBB2_3-.Ltmp0, $4  }
0x82: {  	s9 =	sshra.s32 s22, $0x2;
	v3 =	vand.u32 $0xFFFF0000, v0;
	v4 =	vld [tilespmem:s13+$0x6470]  }
0x83: {  	v0 =	vld [tilespmem:s9+$0x7830];
	v3 =	vor.u32 v9, v3;
	v6 =	vadd.f32 v7, v5;
	v5 =	vadd.s32 $0x8000, v1  }
0x84: {  	v1 =	vld [tilespmem:s9+$0x8C30];
	[tilespmem:s13+$0xA020] =	vst v3;
	v5 =	vshrl.u32 v5, $0x10  }
0x85: {  	s22 =	sadd.s32 $0x200, s22;
	v3 =	vld [tilespmem:s9+$0x7870];
	v7 =	vadd.s32 $0x8000, v6;
	v6 =	vadd.f32 v10, v8  }
0x86: {  	v8 =	vld [tilespmem:s9+$0x8C70];
	v7 =	vand.u32 $0xFFFF0000, v7  }
0x87: {  	v9 =	vld [tilespmem:s9+$0x5000];
	v5 =	vor.u32 v5, v7;
	v2 =	vadd.f32 v4, v2  }
0x88: {  	v7 =	vld [tilespmem:s9+$0x6400];
	[tilespmem:s13+$0xA060] =	vst v5  }
0x89: {  	v5 =	vadd.s32 $0x8000, v6;
	v4 =	vld [tilespmem:s9+$0x5040];
	v2 =	vadd.s32 $0x8000, v2  }
0x8a: {  	v6 =	vld [tilespmem:s9+$0x6440];
	v5 =	vshrl.u32 v5, $0x10;
	v2 =	vand.u32 $0xFFFF0000, v2  }
0x8b: {  	v10 =	vld [tilespmem:s9+$0x7800];
	v2 =	vor.u32 v5, v2  }
0x8c: {  	v5 =	vld [tilespmem:s9+$0x8C00];
	[tilespmem:s13+$0xA030] =	vst v2  }
0x8d: {  	v2 =	vld [tilespmem:s9+$0x7840]  }
0x8e: {  	v0 =	vadd.f32 v1, v0;
	v1 =	vadd.f32 v8, v3;
	v3 =	vld [tilespmem:s9+$0x8C40]  }
0x8f: {  	v8 =	vld [tilespmem:s9+$0x5010]  }
0x90: {  	v0 =	vadd.s32 $0x8000, v0;
	v56 =	vld [tilespmem:s9+$0x8C50]  }
0x91: {  	v0 =	vshrl.u32 v0, $0x10;
	v1 =	vadd.s32 $0x8000, v1;
	v57 =	vld [tilespmem:s9+$0x8C60]  }
0x92: {  	v7 =	vadd.f32 v7, v9;
	v58 =	vld [tilespmem:s9+$0x5070];
	v1 =	vand.u32 $0xFFFF0000, v1;
	v4 =	vadd.f32 v6, v4  }
0x93: {  	v6 =	vld [tilespmem:s9+$0x5050];
	v0 =	vor.u32 v0, v1  }
0x94: {  	v1 =	vld [tilespmem:s9+$0x6410];
	[tilespmem:s9+$0xA070] =	vst v0;
	v0 =	vadd.s32 $0x8000, v7;
	v4 =	vadd.s32 $0x8000, v4  }
0x95: {  	v7 =	vld [tilespmem:s9+$0x6450];
	v5 =	vadd.f32 v5, v10;
	v0 =	vshrl.u32 v0, $0x10;
	v4 =	vand.u32 $0xFFFF0000, v4  }
0x96: {  	v0 =	vor.u32 v0, v4;
	v4 =	vld [tilespmem:s9+$0x7810]  }
0x97: {  	v2 =	vadd.f32 v3, v2;
	v3 =	vadd.s32 $0x8000, v5;
	v5 =	vld [tilespmem:s9+$0x7850]  }
0x98: {  	[tilespmem:s9+$0xA000] =	vst v0;
	v0 =	vld [tilespmem:s9+$0x8C10]  }
0x99: {  	v11 =	vld [tilespmem:s9+$0x6470]  }
0x9a: {  	v2 =	vadd.s32 $0x8000, v2;
	v1 =	vadd.f32 v1, v8;
	v8 =	vld [tilespmem:s9+$0x6460]  }
0x9b: {  	v3 =	vshrl.u32 v3, $0x10;
	v2 =	vand.u32 $0xFFFF0000, v2;
	v6 =	vadd.f32 v7, v6;
	v7 =	vld [tilespmem:s9+$0x5060]  }
0x9c: {  	v2 =	vor.u32 v3, v2;
	v3 =	vld [tilespmem:s9+$0x5020];
	v1 =	vadd.s32 $0x8000, v1  }
0x9d: {  	[tilespmem:s9+$0xA040] =	vst v2;
	v2 =	vld [tilespmem:s9+$0x6420];
	v6 =	vadd.s32 $0x8000, v6;
	v0 =	vadd.f32 v0, v4;
	v4 =	vadd.f32 v56, v5  }
0x9e: {  	v1 =	vshrl.u32 v1, $0x10;
	v6 =	vand.u32 $0xFFFF0000, v6;
	v5 =	vld [tilespmem:s9+$0x7860]  }
0x9f: {  	v1 =	vor.u32 v1, v6;
	v6 =	vld [tilespmem:s9+$0x7820];
	v0 =	vadd.s32 $0x8000, v0;
	v4 =	vadd.s32 $0x8000, v4  }
0xa0: {  	[tilespmem:s9+$0xA010] =	vst v1;
	v1 =	vld [tilespmem:s9+$0x8C20];
	v0 =	vshrl.u32 v0, $0x10;
	v4 =	vand.u32 $0xFFFF0000, v4  }
0xa1: {  	v0 =	vor.u32 v0, v4;
	v4 =	vld [tilespmem:s9+$0x5030]  }
0xa2: {  	v2 =	vadd.f32 v2, v3;
	v3 =	vadd.f32 v8, v7;
	[tilespmem:s9+$0xA050] =	vst v0;
	v0 =	vld [tilespmem:s9+$0x6430];
	_ =	sdelay $0x1  }
0xa3: {  	v2 =	vadd.s32 $0x8000, v2;
	v3 =	vadd.s32 $0x8000, v3  }
0xa4: {  	v5 =	vadd.f32 v57, v5;
	v2 =	vshrl.u32 v2, $0x10;
	v3 =	vand.u32 $0xFFFF0000, v3  }
0xa5: {  	v1 =	vadd.f32 v1, v6;
	v2 =	vor.u32 v2, v3  }
0xa6: {  	v3 =	vadd.s32 $0x8000, v5;
	v0 =	vadd.f32 v0, v4;
	v4 =	vadd.f32 v11, v58  }
0xa7: {  	v1 =	vadd.s32 $0x8000, v1;
	v3 =	vand.u32 $0xFFFF0000, v3  }
0xa8: {  	v1 =	vshrl.u32 v1, $0x10;
	v0 =	vadd.s32 $0x8000, v0;
	v4 =	vadd.s32 $0x8000, v4  }
0xa9: {  	s12 =	sadd.s32 s5, s12;
	[tilespmem:s9+$0xA020] =	vst v2;
	v1 =	vor.u32 v1, v3;
	v0 =	vshrl.u32 v0, $0x10;
	v2 =	vand.u32 $0xFFFF0000, v4  }
0xaa: {  	s12 =	sshll.u32 s12, $0x4;
	[tilespmem:s9+$0xA060] =	vst v1;
	v0 =	vor.u32 v0, v2  }
0xab: {  	s22 =	simm.s32 $0x0;
	s13 =	sadd.s32 s6, s12;
	[tilespmem:s9+$0xA030] =	vst v0  }
0xac: {  	[hbm4b:s13+s22] =	stream.linear.scatter [tilespmem:s31], [sflag:$0x9], $0x1400, $0x38;
	[tilespmem:$0x11800] =	vst v63  }
0xad: {  	_ =	swait.ge [sflag:s0], $0x1400  }
0xae: {  	[sflag:s0] =	ssyncset.done $0x0  }
0xaf: {  	[sflag:s0] =	ssyncadd.s32 $0xFFFFEC00  }
0xb0: {  	_ =	swait.ge [sflag:s1], $0x1400  }
0xb1: {  	[sflag:s1] =	ssyncset.done $0x0  }
0xb2: {  	[sflag:s1] =	ssyncadd.s32 $0xFFFFEC00  }
0xb3: {  	_ =	swait.ge [sflag:s14], $0x1400  }
0xb4: {  	[sflag:s14] =	ssyncset.done $0x0  }
0xb5: {  	[sflag:s14] =	ssyncadd.s32 $0xFFFFEC00  }
0xb6: {  	_ =	swait.ge [sflag:s15], $0x1400  }
0xb7: {  	[sflag:s15] =	ssyncset.done $0x0  }
0xb8: {  	s12 =	simm.s32 $0x0;
	[sflag:s15] =	ssyncadd.s32 $0xFFFFEC00  }
0xb9: {  	v0 =	vld [tilespmem:s12+$0xDC30]  }
0xba: {  	v1 =	vld [tilespmem:s12+$0xF030]  }
0xbb: {  	v2 =	vld [tilespmem:s12+$0xDC70]  }
0xbc: {  	v3 =	vld [tilespmem:s12+$0xF070]  }
0xbd: {  	v4 =	vld [tilespmem:s12+$0xB400]  }
0xbe: {  	v5 =	vld [tilespmem:s12+$0xC800]  }
0xbf: {  	v6 =	vld [tilespmem:s12+$0xB440]  }
0xc0: {  	v7 =	vld [tilespmem:s12+$0xC840]  }
0xc1: {  	v8 =	vld [tilespmem:s12+$0xDC00]  }
0xc2: {  	v59 =	vld [tilespmem:s12+$0xF040]  }
0xc3: {  	v60 =	vld [tilespmem:s12+$0xB410]  }
0xc4: {  	v0 =	vadd.f32 v1, v0;
	v1 =	vadd.f32 v3, v2;
	v2 =	vld [tilespmem:s12+$0xF000]  }
0xc5: {  	v3 =	vld [tilespmem:s12+$0xDC40];
	v4 =	vadd.f32 v5, v4  }
0xc6: {  	v5 =	vadd.f32 v7, v6;
	v6 =	vld [tilespmem:s12+$0xC850];
	v0 =	vadd.s32 $0x8000, v0;
	v1 =	vadd.s32 $0x8000, v1  }
0xc7: {  	v7 =	vld [tilespmem:s12+$0xDC50];
	v0 =	vshrl.u32 v0, $0x10;
	v1 =	vand.u32 $0xFFFF0000, v1  }
0xc8: {  	v0 =	vor.u32 v0, v1;
	v1 =	vld [tilespmem:s12+$0xC810]  }
0xc9: {  	[tilespmem:s12+$0x10470] =	vst v0;
	v0 =	vadd.s32 $0x8000, v4;
	v4 =	vadd.s32 $0x8000, v5;
	v5 =	vld [tilespmem:s12+$0xB450]  }
0xca: {  	v2 =	vadd.f32 v2, v8;
	v8 =	vld [tilespmem:s12+$0xF050];
	v0 =	vshrl.u32 v0, $0x10;
	v4 =	vand.u32 $0xFFFF0000, v4  }
0xcb: {  	v3 =	vadd.f32 v59, v3;
	v0 =	vor.u32 v0, v4;
	v4 =	vld [tilespmem:s12+$0xDC10]  }
0xcc: {  	[tilespmem:s12+$0x10400] =	vst v0;
	v0 =	vld [tilespmem:s12+$0xF010]  }
0xcd: {  	v2 =	vadd.s32 $0x8000, v2;
	v3 =	vadd.s32 $0x8000, v3  }
0xce: {  	v61 =	vld [tilespmem:s12+$0xC860];
	v2 =	vshrl.u32 v2, $0x10;
	v3 =	vand.u32 $0xFFFF0000, v3;
	v1 =	vadd.f32 v1, v60  }
0xcf: {  	v2 =	vor.u32 v2, v3;
	v3 =	vld [tilespmem:s12+$0xB420];
	v5 =	vadd.f32 v6, v5  }
0xd0: {  	[tilespmem:s12+$0x10440] =	vst v2;
	v2 =	vld [tilespmem:s12+$0xC820];
	v1 =	vadd.s32 $0x8000, v1  }
0xd1: {  	v6 =	vld [tilespmem:s12+$0xB460];
	v5 =	vadd.s32 $0x8000, v5;
	v0 =	vadd.f32 v0, v4;
	v4 =	vadd.f32 v8, v7  }
0xd2: {  	v1 =	vshrl.u32 v1, $0x10;
	v5 =	vand.u32 $0xFFFF0000, v5;
	v7 =	vld [tilespmem:s12+$0xDC60]  }
0xd3: {  	v1 =	vor.u32 v1, v5;
	v5 =	vld [tilespmem:s12+$0xDC20];
	v0 =	vadd.s32 $0x8000, v0;
	v4 =	vadd.s32 $0x8000, v4  }
0xd4: {  	[tilespmem:s12+$0x10410] =	vst v1;
	v1 =	vld [tilespmem:s12+$0xF020];
	v0 =	vshrl.u32 v0, $0x10;
	v4 =	vand.u32 $0xFFFF0000, v4  }
0xd5: {  	v8 =	vld [tilespmem:s12+$0xF060];
	v0 =	vor.u32 v0, v4  }
0xd6: {  	v62 =	vld [tilespmem:s12+$0xB430];
	[tilespmem:s12+$0x10450] =	vst v0;
	v0 =	vadd.f32 v2, v3;
	v3 =	vadd.f32 v61, v6  }
0xd7: {  	v6 =	vld [tilespmem:s12+$0xC830]  }
0xd8: {  	v4 =	vld [tilespmem:s12+$0xC870];
	v0 =	vadd.s32 $0x8000, v0;
	v3 =	vadd.s32 $0x8000, v3  }
0xd9: {  	s9 =	simm.s32 $0x80;
	v2 =	vld [tilespmem:s12+$0xB470];
	v5 =	vadd.f32 v1, v5;
	v63 =	vshrl.u32 v0, $0x10;
	v1 =	vand.u32 $0xFFFF0000, v3  }
0xda: {  	v7 =	vadd.f32 v8, v7;
	v0 =	vld [tilespmem:s9+$0xDC30];
	v3 =	vor.u32 v63, v1  }
0xdb: {  	v1 =	vld [tilespmem:s9+$0xF030];
	v5 =	vadd.s32 $0x8000, v5;
	[tilespmem:s12+$0x10420] =	vst v3  }
0xdc: {  	s13 =	simm.s32 $0x400;
	v7 =	vadd.s32 $0x8000, v7;
	v5 =	vshrl.u32 v5, $0x10;
	v6 =	vadd.f32 v6, v62;
	v3 =	vld [tilespmem:s9+$0xDC70]  }
.LBB2_5:
0xdd: {  	p0 =	sne.s32 s13, $0x4E00;
	v8 =	vld [tilespmem:s9+$0xF070];
	v7 =	vand.u32 $0xFFFF0000, v7  }
0xde: {  	v9 =	vld [tilespmem:s9+$0xB400];
	v5 =	vor.u32 v5, v7;
	v2 =	vadd.f32 v4, v2;
	v4 =	vadd.s32 $0x8000, v6  }
0xdf: {  	v6 =	vld [tilespmem:s9+$0xC800];
	[tilespmem:s12+$0x10460] =	vst v5;
	v4 =	vshrl.u32 v4, $0x10  }
0xe0: {  	v5 =	vld [tilespmem:s9+$0xB440];
	v2 =	vadd.s32 $0x8000, v2  }
0xe1: {  	v7 =	vld [tilespmem:s9+$0xC840];
	v2 =	vand.u32 $0xFFFF0000, v2  }
0xe2: {  	v0 =	vadd.f32 v1, v0;
	v10 =	vld [tilespmem:s9+$0xDC00];
	v1 =	vadd.f32 v8, v3;
	v2 =	vor.u32 v4, v2  }
0xe3: {  	v3 =	vld [tilespmem:s9+$0xF000];
	[tilespmem:s12+$0x10430] =	vst v2;
	s12 =	smov.u32 s9  }
0xe4: {  	v0 =	vadd.s32 $0x8000, v0;
	v2 =	vadd.f32 v6, v9;
	v4 =	vld [tilespmem:s12+$0xDC40];
	v1 =	vadd.s32 $0x8000, v1  }
0xe5: {  	v0 =	vshrl.u32 v0, $0x10;
	v6 =	vld [tilespmem:s12+$0xF040];
	v1 =	vand.u32 $0xFFFF0000, v1  }
0xe6: {  	v5 =	vadd.f32 v7, v5;
	v2 =	vadd.s32 $0x8000, v2;
	v7 =	vld [tilespmem:s12+$0xB410];
	v0 =	vor.u32 v0, v1  }
0xe7: {  	v1 =	vshrl.u32 v2, $0x10;
	v2 =	vld [tilespmem:s12+$0xC810];
	[tilespmem:s12+$0x10470] =	vst v0  }
0xe8: {  	v0 =	vadd.s32 $0x8000, v5;
	v3 =	vadd.f32 v3, v10;
	v5 =	vld [tilespmem:s12+$0xB450]  }
0xe9: {  	v0 =	vand.u32 $0xFFFF0000, v0;
	v8 =	vld [tilespmem:s12+$0xC850]  }
0xea: {  	v0 =	vor.u32 v1, v0;
	v1 =	vadd.f32 v6, v4;
	v3 =	vadd.s32 $0x8000, v3;
	v4 =	vld [tilespmem:s12+$0xDC10]  }
0xeb: {  	[tilespmem:s12+$0x10400] =	vst v0;
	v0 =	vshrl.u32 v3, $0x10;
	v3 =	vld [tilespmem:s12+$0xF010]  }
0xec: {  	v1 =	vadd.s32 $0x8000, v1;
	v2 =	vadd.f32 v2, v7;
	v6 =	vld [tilespmem:s12+$0xDC50]  }
0xed: {  	v1 =	vand.u32 $0xFFFF0000, v1;
	v7 =	vld [tilespmem:s12+$0xF050]  }
0xee: {  	v0 =	vor.u32 v0, v1;
	v1 =	vadd.f32 v8, v5;
	v2 =	vadd.s32 $0x8000, v2;
	v5 =	vld [tilespmem:s12+$0xB420]  }
0xef: {  	[tilespmem:s12+$0x10440] =	vst v0;
	v0 =	vshrl.u32 v2, $0x10;
	v2 =	vld [tilespmem:s12+$0xC820]  }
0xf0: {  	v1 =	vadd.s32 $0x8000, v1;
	v3 =	vadd.f32 v3, v4;
	v4 =	vld [tilespmem:s12+$0xB460]  }
0xf1: {  	v1 =	vand.u32 $0xFFFF0000, v1;
	v8 =	vld [tilespmem:s12+$0xC860]  }
0xf2: {  	v0 =	vor.u32 v0, v1;
	v1 =	vadd.f32 v7, v6;
	v3 =	vadd.s32 $0x8000, v3;
	v6 =	vld [tilespmem:s12+$0xDC20]  }
0xf3: {  	[tilespmem:s12+$0x10410] =	vst v0;
	v0 =	vshrl.u32 v3, $0x10;
	v3 =	vld [tilespmem:s12+$0xF020]  }
0xf4: {  	v1 =	vadd.s32 $0x8000, v1;
	v2 =	vadd.f32 v2, v5;
	v5 =	vld [tilespmem:s12+$0xDC60]  }
0xf5: {  	v1 =	vand.u32 $0xFFFF0000, v1;
	v7 =	vld [tilespmem:s12+$0xF060]  }
0xf6: {  	v0 =	vor.u32 v0, v1;
	v1 =	vadd.f32 v8, v4;
	v2 =	vadd.s32 $0x8000, v2;
	v8 =	vld [tilespmem:s12+$0xB430]  }
0xf7: {  	[tilespmem:s12+$0x10450] =	vst v0;
	v9 =	vshrl.u32 v2, $0x10;
	v10 =	vld [tilespmem:s12+$0xC830]  }
.Ltmp1:
0xf8: {  	v0 =	vadd.s32 $0x8000, v1;
	v1 =	vadd.f32 v3, v6;
	v2 =	vld [tilespmem:s12+$0xB470];
	(pc) =	sbr.rel @p0 .LBB2_5-.Ltmp1, $4  }
0xf9: {  	s9 =	sshra.s32 s13, $0x2;
	v3 =	vand.u32 $0xFFFF0000, v0;
	v4 =	vld [tilespmem:s12+$0xC870]  }
0xfa: {  	v0 =	vld [tilespmem:s9+$0xDC30];
	v3 =	vor.u32 v9, v3;
	v6 =	vadd.f32 v7, v5;
	v5 =	vadd.s32 $0x8000, v1  }
0xfb: {  	v1 =	vld [tilespmem:s9+$0xF030];
	[tilespmem:s12+$0x10420] =	vst v3;
	v5 =	vshrl.u32 v5, $0x10  }
0xfc: {  	s13 =	sadd.s32 $0x200, s13;
	v3 =	vld [tilespmem:s9+$0xDC70];
	v7 =	vadd.s32 $0x8000, v6;
	v6 =	vadd.f32 v10, v8  }
0xfd: {  	v8 =	vld [tilespmem:s9+$0xF070];
	v7 =	vand.u32 $0xFFFF0000, v7  }
0xfe: {  	v9 =	vld [tilespmem:s9+$0xB400];
	v5 =	vor.u32 v5, v7;
	v2 =	vadd.f32 v4, v2  }
0xff: {  	v31 =	vld [tilespmem:s9+$0xC800];
	[tilespmem:s12+$0x10460] =	vst v5  }
0x100: {  	v33 =	vadd.s32 $0x8000, v6;
	v32 =	vld [tilespmem:s9+$0xB440];
	v2 =	vadd.s32 $0x8000, v2  }
0x101: {  	v5 =	vshrl.u32 v33, $0x10;
	v34 =	vld [tilespmem:s9+$0xC840];
	v2 =	vand.u32 $0xFFFF0000, v2  }
0x102: {  	v10 =	vld [tilespmem:s9+$0xDC00];
	v2 =	vor.u32 v5, v2  }
0x103: {  	v35 =	vld [tilespmem:s9+$0xF000];
	[tilespmem:s12+$0x10430] =	vst v2  }
0x104: {  	v2 =	vld [tilespmem:s9+$0xDC40]  }
0x105: {  	v37 =	vld [tilespmem:s9+$0xF040]  }
0x106: {  	v38 =	vld [tilespmem:s9+$0xB410]  }
0x107: {  	v39 =	vld [tilespmem:s9+$0xC810]  }
0x108: {  	v41 =	vld [tilespmem:s9+$0xB450]  }
0x109: {  	v42 =	vld [tilespmem:s9+$0xC850]  }
0x10a: {  	v43 =	vld [tilespmem:s9+$0xDC10]  }
0x10b: {  	v44 =	vld [tilespmem:s9+$0xF010]  }
0x10c: {  	v46 =	vld [tilespmem:s9+$0xDC50]  }
0x10d: {  	v47 =	vld [tilespmem:s9+$0xF050]  }
0x10e: {  	v50 =	vld [tilespmem:s9+$0xB460]  }
0x10f: {  	v0 =	vadd.f32 v1, v0;
	v36 =	vadd.f32 v8, v3;
	v51 =	vld [tilespmem:s9+$0xC860]  }
0x110: {  	v55 =	vld [tilespmem:s9+$0xDC60]  }
0x111: {  	v0 =	vadd.s32 $0x8000, v0;
	v7 =	vadd.f32 v31, v9;
	v1 =	vadd.s32 $0x8000, v36;
	v56 =	vld [tilespmem:s9+$0xF060]  }
0x112: {  	v0 =	vshrl.u32 v0, $0x10;
	v59 =	vld [tilespmem:s9+$0xB470];
	v1 =	vand.u32 $0xFFFF0000, v1;
	v4 =	vadd.f32 v34, v32  }
0x113: {  	v40 =	vadd.s32 $0x8000, v7;
	v11 =	vld [tilespmem:s9+$0xC870];
	v5 =	vadd.f32 v35, v10;
	v0 =	vor.u32 v0, v1  }
0x114: {  	[tilespmem:s9+$0x10470] =	vst v0;
	v4 =	vadd.s32 $0x8000, v4;
	v0 =	vshrl.u32 v40, $0x10  }
0x115: {  	v48 =	vld [tilespmem:s9+$0xB420];
	v45 =	vadd.s32 $0x8000, v5;
	v2 =	vadd.f32 v37, v2;
	v1 =	vadd.f32 v39, v38  }
0x116: {  	v49 =	vld [tilespmem:s9+$0xC820];
	v4 =	vand.u32 $0xFFFF0000, v4;
	v6 =	vadd.f32 v42, v41;
	v53 =	vadd.f32 v47, v46  }
0x117: {  	v52 =	vld [tilespmem:s9+$0xDC20];
	v0 =	vor.u32 v0, v4;
	v60 =	vadd.f32 v51, v50;
	v5 =	vadd.f32 v56, v55  }
0x118: {  	v54 =	vld [tilespmem:s9+$0xF020];
	v3 =	vshrl.u32 v45, $0x10;
	v61 =	vadd.f32 v11, v59;
	[tilespmem:s9+$0x10400] =	vst v0;
	v0 =	vadd.f32 v44, v43  }
0x119: {  	v57 =	vld [tilespmem:s9+$0xB430];
	v2 =	vadd.s32 $0x8000, v2;
	v1 =	vadd.s32 $0x8000, v1;
	v6 =	vadd.s32 $0x8000, v6  }
0x11a: {  	v58 =	vld [tilespmem:s9+$0xC830];
	v4 =	vadd.s32 $0x8000, v53;
	v2 =	vand.u32 $0xFFFF0000, v2;
	v1 =	vshrl.u32 v1, $0x10  }
0x11b: {  	v6 =	vand.u32 $0xFFFF0000, v6;
	v0 =	vadd.s32 $0x8000, v0;
	v2 =	vor.u32 v3, v2  }
0x11c: {  	v4 =	vand.u32 $0xFFFF0000, v4;
	v1 =	vor.u32 v1, v6;
	v0 =	vshrl.u32 v0, $0x10;
	[tilespmem:s9+$0x10440] =	vst v2  }
0x11d: {  	v3 =	vadd.s32 $0x8000, v60;
	[tilespmem:s9+$0x10410] =	vst v1;
	v2 =	vadd.f32 v49, v48;
	v1 =	vadd.f32 v54, v52  }
0x11e: {  	v62 =	vadd.s32 $0x8000, v5;
	v0 =	vor.u32 v0, v4;
	v3 =	vand.u32 $0xFFFF0000, v3  }
0x11f: {  	[tilespmem:s9+$0x10450] =	vst v0;
	v0 =	vadd.f32 v58, v57;
	v2 =	vadd.s32 $0x8000, v2;
	v1 =	vadd.s32 $0x8000, v1  }
0x120: {  	v4 =	vadd.s32 $0x8000, v61;
	v2 =	vshrl.u32 v2, $0x10;
	v1 =	vshrl.u32 v1, $0x10  }
0x121: {  	v0 =	vadd.s32 $0x8000, v0;
	v2 =	vor.u32 v2, v3;
	v3 =	vand.u32 $0xFFFF0000, v62  }
0x122: {  	s11 =	sadd.s32 s5, s11;
	v63 =	vand.u32 $0xFFFF0000, v4;
	v0 =	vshrl.u32 v0, $0x10;
	[tilespmem:s9+$0x10420] =	vst v2;
	v1 =	vor.u32 v1, v3  }
0x123: {  	s11 =	sshll.u32 s11, $0x4;
	v0 =	vor.u32 v0, v63;
	[tilespmem:s9+$0x10460] =	vst v1  }
0x124: {  	s10 =	sadd.s32 $0x1, s10;
	s22 =	sadd.s32 s6, s11;
	[tilespmem:s9+$0x10430] =	vst v0  }
0x125: {  	[hbm4b:s22+s2] =	stream.linear.scatter [tilespmem:s16], [sflag:$0xA], $0x1400, $0x38;
	[tilespmem:$0x11800] =	vst v63  }
0x126: {  	p0 =	sne.s32 s10, $0x3E;
	_ =	swait.ge [sflag:s7], $0x1400  }
.Ltmp2:
0x127: {  	[sflag:s7] =	ssyncset.done $0x0;
	(pc) =	sbr.rel @p0 .LBB2_2-.Ltmp2, $4  }
0x128: {  	[sflag:s7] =	ssyncadd.s32 $0xFFFFEC00  }
0x129: {  	_ =	swait.ge [sflag:s8], $0x1400  }
0x12a: {  	[sflag:s8] =	ssyncset.done $0x0  }
0x12b: {  	[sflag:s8] =	ssyncadd.s32 $0xFFFFEC00  }
0x12c: {  	s9 =	simm.s32 $0x1360  }
0x12d: {  	[tilespmem:s18], [sflag:$0x1] =	stream.indirect.gather [hbm4b:s3+s17], $0x80, s9, s17, $0xb8;
	[tilespmem:$0x11800] =	vst v63  }
0x12e: {  	s12 =	simm.s32 $0x2760  }
0x12f: {  	[tilespmem:s19], [sflag:$0x2] =	stream.indirect.gather [hbm4b:s4+s17], $0x80, s12, s17, $0xb8;
	[tilespmem:$0x11800] =	vst v63  }
0x130: {  	s13 =	simm.s32 $0x3B60  }
0x131: {  	[tilespmem:s20], [sflag:$0x3] =	stream.indirect.gather [hbm4b:s3+s17], $0x80, s13, s17, $0xb8;
	[tilespmem:$0x11800] =	vst v63  }
0x132: {  	s22 =	simm.s32 $0x4F60  }
0x133: {  	[tilespmem:s21], [sflag:$0x4] =	stream.indirect.gather [hbm4b:s4+s17], $0x80, s22, s17, $0xb8;
	[tilespmem:$0x11800] =	vst v63  }
0x134: {  	_ =	swait.ge [sflag:s26], $0x1400  }
0x135: {  	[sflag:s26] =	ssyncset.done $0x0  }
0x136: {  	[sflag:s26] =	ssyncadd.s32 $0xFFFFEC00  }
0x137: {  	_ =	swait.ge [sflag:s28], $0x1400  }
0x138: {  	[sflag:s28] =	ssyncset.done $0x0  }
0x139: {  	[sflag:s28] =	ssyncadd.s32 $0xFFFFEC00  }
0x13a: {  	_ =	swait.ge [sflag:s29], $0x1400  }
0x13b: {  	[sflag:s29] =	ssyncset.done $0x0  }
0x13c: {  	[sflag:s29] =	ssyncadd.s32 $0xFFFFEC00  }
0x13d: {  	_ =	swait.ge [sflag:s30], $0x1400  }
0x13e: {  	[sflag:s30] =	ssyncset.done $0x0  }
0x13f: {  	s10 =	simm.s32 $0x0;
	[sflag:s30] =	ssyncadd.s32 $0xFFFFEC00  }
0x140: {  	v0 =	vld [tilespmem:s10+$0x7830]  }
0x141: {  	v1 =	vld [tilespmem:s10+$0x8C30]  }
0x142: {  	v2 =	vld [tilespmem:s10+$0x7870]  }
0x143: {  	v3 =	vld [tilespmem:s10+$0x8C70]  }
0x144: {  	v4 =	vld [tilespmem:s10+$0x5000]  }
0x145: {  	v5 =	vld [tilespmem:s10+$0x6400]  }
0x146: {  	v6 =	vld [tilespmem:s10+$0x5040]  }
0x147: {  	v7 =	vld [tilespmem:s10+$0x6440]  }
0x148: {  	v8 =	vld [tilespmem:s10+$0x7800]  }
0x149: {  	v9 =	vld [tilespmem:s10+$0x8C40]  }
0x14a: {  	v10 =	vld [tilespmem:s10+$0x5010]  }
0x14b: {  	v0 =	vadd.f32 v1, v0;
	v1 =	vadd.f32 v3, v2;
	v2 =	vld [tilespmem:s10+$0x8C00]  }
0x14c: {  	v3 =	vld [tilespmem:s10+$0x7840];
	v4 =	vadd.f32 v5, v4  }
0x14d: {  	v5 =	vadd.f32 v7, v6;
	v6 =	vld [tilespmem:s10+$0x6450];
	v0 =	vadd.s32 $0x8000, v0;
	v1 =	vadd.s32 $0x8000, v1  }
0x14e: {  	v7 =	vld [tilespmem:s10+$0x7850];
	v0 =	vshrl.u32 v0, $0x10;
	v1 =	vand.u32 $0xFFFF0000, v1  }
0x14f: {  	v0 =	vor.u32 v0, v1;
	v1 =	vld [tilespmem:s10+$0x6410]  }
0x150: {  	[tilespmem:s10+$0xA070] =	vst v0;
	v0 =	vadd.s32 $0x8000, v4;
	v4 =	vadd.s32 $0x8000, v5;
	v5 =	vld [tilespmem:s10+$0x5050]  }
0x151: {  	v2 =	vadd.f32 v2, v8;
	v8 =	vld [tilespmem:s10+$0x8C50];
	v0 =	vshrl.u32 v0, $0x10;
	v4 =	vand.u32 $0xFFFF0000, v4  }
0x152: {  	v3 =	vadd.f32 v9, v3;
	v0 =	vor.u32 v0, v4;
	v4 =	vld [tilespmem:s10+$0x7810]  }
0x153: {  	[tilespmem:s10+$0xA000] =	vst v0;
	v0 =	vld [tilespmem:s10+$0x8C10]  }
0x154: {  	v2 =	vadd.s32 $0x8000, v2;
	v3 =	vadd.s32 $0x8000, v3  }
0x155: {  	v61 =	vld [tilespmem:s10+$0x6460];
	v2 =	vshrl.u32 v2, $0x10;
	v3 =	vand.u32 $0xFFFF0000, v3;
	v1 =	vadd.f32 v1, v10  }
0x156: {  	v2 =	vor.u32 v2, v3;
	v3 =	vld [tilespmem:s10+$0x5020];
	v5 =	vadd.f32 v6, v5  }
0x157: {  	[tilespmem:s10+$0xA040] =	vst v2;
	v2 =	vld [tilespmem:s10+$0x6420];
	v1 =	vadd.s32 $0x8000, v1  }
0x158: {  	v6 =	vld [tilespmem:s10+$0x5060];
	v5 =	vadd.s32 $0x8000, v5;
	v0 =	vadd.f32 v0, v4;
	v4 =	vadd.f32 v8, v7  }
0x159: {  	v1 =	vshrl.u32 v1, $0x10;
	v5 =	vand.u32 $0xFFFF0000, v5;
	v7 =	vld [tilespmem:s10+$0x7860]  }
0x15a: {  	v1 =	vor.u32 v1, v5;
	v5 =	vld [tilespmem:s10+$0x7820];
	v0 =	vadd.s32 $0x8000, v0;
	v4 =	vadd.s32 $0x8000, v4  }
0x15b: {  	[tilespmem:s10+$0xA010] =	vst v1;
	v1 =	vld [tilespmem:s10+$0x8C20];
	v0 =	vshrl.u32 v0, $0x10;
	v4 =	vand.u32 $0xFFFF0000, v4  }
0x15c: {  	v8 =	vld [tilespmem:s10+$0x8C60];
	v0 =	vor.u32 v0, v4  }
0x15d: {  	v62 =	vld [tilespmem:s10+$0x5030];
	[tilespmem:s10+$0xA050] =	vst v0;
	v0 =	vadd.f32 v2, v3;
	v3 =	vadd.f32 v61, v6  }
0x15e: {  	v6 =	vld [tilespmem:s10+$0x6430]  }
0x15f: {  	v4 =	vld [tilespmem:s10+$0x6470];
	v0 =	vadd.s32 $0x8000, v0;
	v3 =	vadd.s32 $0x8000, v3  }
0x160: {  	s9 =	simm.s32 $0x80;
	v2 =	vld [tilespmem:s10+$0x5070];
	v5 =	vadd.f32 v1, v5;
	v63 =	vshrl.u32 v0, $0x10;
	v1 =	vand.u32 $0xFFFF0000, v3  }
0x161: {  	v7 =	vadd.f32 v8, v7;
	v0 =	vld [tilespmem:s9+$0x7830];
	v3 =	vor.u32 v63, v1  }
0x162: {  	v1 =	vld [tilespmem:s9+$0x8C30];
	v5 =	vadd.s32 $0x8000, v5;
	[tilespmem:s10+$0xA020] =	vst v3  }
0x163: {  	s11 =	simm.s32 $0x400;
	v7 =	vadd.s32 $0x8000, v7;
	v5 =	vshrl.u32 v5, $0x10;
	v6 =	vadd.f32 v6, v62;
	v3 =	vld [tilespmem:s9+$0x7870]  }
.LBB2_8:
0x164: {  	p0 =	sne.s32 s11, $0x4E00;
	v8 =	vld [tilespmem:s9+$0x8C70];
	v7 =	vand.u32 $0xFFFF0000, v7  }
0x165: {  	v9 =	vld [tilespmem:s9+$0x5000];
	v5 =	vor.u32 v5, v7;
	v2 =	vadd.f32 v4, v2;
	v4 =	vadd.s32 $0x8000, v6  }
0x166: {  	v6 =	vld [tilespmem:s9+$0x6400];
	[tilespmem:s10+$0xA060] =	vst v5;
	v4 =	vshrl.u32 v4, $0x10  }
0x167: {  	v5 =	vld [tilespmem:s9+$0x5040];
	v2 =	vadd.s32 $0x8000, v2  }
0x168: {  	v7 =	vld [tilespmem:s9+$0x6440];
	v2 =	vand.u32 $0xFFFF0000, v2  }
0x169: {  	v0 =	vadd.f32 v1, v0;
	v10 =	vld [tilespmem:s9+$0x7800];
	v1 =	vadd.f32 v8, v3;
	v2 =	vor.u32 v4, v2  }
0x16a: {  	v3 =	vld [tilespmem:s9+$0x8C00];
	[tilespmem:s10+$0xA030] =	vst v2;
	s10 =	smov.u32 s9  }
0x16b: {  	v0 =	vadd.s32 $0x8000, v0;
	v2 =	vadd.f32 v6, v9;
	v4 =	vld [tilespmem:s10+$0x7840];
	v1 =	vadd.s32 $0x8000, v1  }
0x16c: {  	v0 =	vshrl.u32 v0, $0x10;
	v6 =	vld [tilespmem:s10+$0x8C40];
	v1 =	vand.u32 $0xFFFF0000, v1  }
0x16d: {  	v5 =	vadd.f32 v7, v5;
	v2 =	vadd.s32 $0x8000, v2;
	v7 =	vld [tilespmem:s10+$0x5010];
	v0 =	vor.u32 v0, v1  }
0x16e: {  	v1 =	vshrl.u32 v2, $0x10;
	v2 =	vld [tilespmem:s10+$0x6410];
	[tilespmem:s10+$0xA070] =	vst v0  }
0x16f: {  	v0 =	vadd.s32 $0x8000, v5;
	v3 =	vadd.f32 v3, v10;
	v5 =	vld [tilespmem:s10+$0x5050]  }
0x170: {  	v0 =	vand.u32 $0xFFFF0000, v0;
	v8 =	vld [tilespmem:s10+$0x6450]  }
0x171: {  	v0 =	vor.u32 v1, v0;
	v1 =	vadd.f32 v6, v4;
	v3 =	vadd.s32 $0x8000, v3;
	v4 =	vld [tilespmem:s10+$0x7810]  }
0x172: {  	[tilespmem:s10+$0xA000] =	vst v0;
	v0 =	vshrl.u32 v3, $0x10;
	v3 =	vld [tilespmem:s10+$0x8C10]  }
0x173: {  	v1 =	vadd.s32 $0x8000, v1;
	v2 =	vadd.f32 v2, v7;
	v6 =	vld [tilespmem:s10+$0x7850]  }
0x174: {  	v1 =	vand.u32 $0xFFFF0000, v1;
	v7 =	vld [tilespmem:s10+$0x8C50]  }
0x175: {  	v0 =	vor.u32 v0, v1;
	v1 =	vadd.f32 v8, v5;
	v2 =	vadd.s32 $0x8000, v2;
	v5 =	vld [tilespmem:s10+$0x5020]  }
0x176: {  	[tilespmem:s10+$0xA040] =	vst v0;
	v0 =	vshrl.u32 v2, $0x10;
	v2 =	vld [tilespmem:s10+$0x6420]  }
0x177: {  	v1 =	vadd.s32 $0x8000, v1;
	v3 =	vadd.f32 v3, v4;
	v4 =	vld [tilespmem:s10+$0x5060]  }
0x178: {  	v1 =	vand.u32 $0xFFFF0000, v1;
	v8 =	vld [tilespmem:s10+$0x6460]  }
0x179: {  	v0 =	vor.u32 v0, v1;
	v1 =	vadd.f32 v7, v6;
	v3 =	vadd.s32 $0x8000, v3;
	v6 =	vld [tilespmem:s10+$0x7820]  }
0x17a: {  	[tilespmem:s10+$0xA010] =	vst v0;
	v0 =	vshrl.u32 v3, $0x10;
	v3 =	vld [tilespmem:s10+$0x8C20]  }
0x17b: {  	v1 =	vadd.s32 $0x8000, v1;
	v2 =	vadd.f32 v2, v5;
	v5 =	vld [tilespmem:s10+$0x7860]  }
0x17c: {  	v1 =	vand.u32 $0xFFFF0000, v1;
	v7 =	vld [tilespmem:s10+$0x8C60]  }
0x17d: {  	v0 =	vor.u32 v0, v1;
	v1 =	vadd.f32 v8, v4;
	v2 =	vadd.s32 $0x8000, v2;
	v8 =	vld [tilespmem:s10+$0x5030]  }
0x17e: {  	[tilespmem:s10+$0xA050] =	vst v0;
	v9 =	vshrl.u32 v2, $0x10;
	v10 =	vld [tilespmem:s10+$0x6430]  }
.Ltmp3:
0x17f: {  	v0 =	vadd.s32 $0x8000, v1;
	v1 =	vadd.f32 v3, v6;
	v2 =	vld [tilespmem:s10+$0x5070];
	(pc) =	sbr.rel @p0 .LBB2_8-.Ltmp3, $4  }
0x180: {  	s9 =	sshra.s32 s11, $0x2;
	v3 =	vand.u32 $0xFFFF0000, v0;
	v4 =	vld [tilespmem:s10+$0x6470]  }
0x181: {  	v0 =	vld [tilespmem:s9+$0x7830];
	v3 =	vor.u32 v9, v3;
	v6 =	vadd.f32 v7, v5;
	v5 =	vadd.s32 $0x8000, v1  }
0x182: {  	v1 =	vld [tilespmem:s9+$0x8C30];
	[tilespmem:s10+$0xA020] =	vst v3;
	v5 =	vshrl.u32 v5, $0x10  }
0x183: {  	s11 =	sadd.s32 $0x200, s11;
	v3 =	vld [tilespmem:s9+$0x7870];
	v7 =	vadd.s32 $0x8000, v6;
	v6 =	vadd.f32 v10, v8  }
0x184: {  	v8 =	vld [tilespmem:s9+$0x8C70];
	v7 =	vand.u32 $0xFFFF0000, v7  }
0x185: {  	v9 =	vld [tilespmem:s9+$0x5000];
	v5 =	vor.u32 v5, v7;
	v2 =	vadd.f32 v4, v2  }
0x186: {  	v31 =	vld [tilespmem:s9+$0x6400];
	[tilespmem:s10+$0xA060] =	vst v5  }
0x187: {  	v33 =	vadd.s32 $0x8000, v6;
	v32 =	vld [tilespmem:s9+$0x5040];
	v2 =	vadd.s32 $0x8000, v2  }
0x188: {  	v5 =	vshrl.u32 v33, $0x10;
	v34 =	vld [tilespmem:s9+$0x6440];
	v2 =	vand.u32 $0xFFFF0000, v2  }
0x189: {  	v10 =	vld [tilespmem:s9+$0x7800];
	v2 =	vor.u32 v5, v2  }
0x18a: {  	v35 =	vld [tilespmem:s9+$0x8C00];
	[tilespmem:s10+$0xA030] =	vst v2  }
0x18b: {  	v2 =	vld [tilespmem:s9+$0x7840]  }
0x18c: {  	v37 =	vld [tilespmem:s9+$0x8C40]  }
0x18d: {  	v38 =	vld [tilespmem:s9+$0x5010]  }
0x18e: {  	v39 =	vld [tilespmem:s9+$0x6410]  }
0x18f: {  	v41 =	vld [tilespmem:s9+$0x5050]  }
0x190: {  	v42 =	vld [tilespmem:s9+$0x6450]  }
0x191: {  	v43 =	vld [tilespmem:s9+$0x7810]  }
0x192: {  	v44 =	vld [tilespmem:s9+$0x8C10]  }
0x193: {  	v46 =	vld [tilespmem:s9+$0x7850]  }
0x194: {  	v47 =	vld [tilespmem:s9+$0x8C50]  }
0x195: {  	v50 =	vld [tilespmem:s9+$0x5060]  }
0x196: {  	v0 =	vadd.f32 v1, v0;
	v36 =	vadd.f32 v8, v3;
	v51 =	vld [tilespmem:s9+$0x6460]  }
0x197: {  	v55 =	vld [tilespmem:s9+$0x7860]  }
0x198: {  	v0 =	vadd.s32 $0x8000, v0;
	v7 =	vadd.f32 v31, v9;
	v1 =	vadd.s32 $0x8000, v36;
	v56 =	vld [tilespmem:s9+$0x8C60]  }
0x199: {  	v0 =	vshrl.u32 v0, $0x10;
	v59 =	vld [tilespmem:s9+$0x5070];
	v1 =	vand.u32 $0xFFFF0000, v1;
	v4 =	vadd.f32 v34, v32  }
0x19a: {  	v40 =	vadd.s32 $0x8000, v7;
	v11 =	vld [tilespmem:s9+$0x6470];
	v5 =	vadd.f32 v35, v10;
	v0 =	vor.u32 v0, v1  }
0x19b: {  	[tilespmem:s9+$0xA070] =	vst v0;
	v4 =	vadd.s32 $0x8000, v4;
	v0 =	vshrl.u32 v40, $0x10  }
0x19c: {  	v48 =	vld [tilespmem:s9+$0x5020];
	v45 =	vadd.s32 $0x8000, v5;
	v2 =	vadd.f32 v37, v2;
	v1 =	vadd.f32 v39, v38  }
0x19d: {  	v49 =	vld [tilespmem:s9+$0x6420];
	v4 =	vand.u32 $0xFFFF0000, v4;
	v6 =	vadd.f32 v42, v41;
	v53 =	vadd.f32 v47, v46  }
0x19e: {  	v52 =	vld [tilespmem:s9+$0x7820];
	v0 =	vor.u32 v0, v4;
	v60 =	vadd.f32 v51, v50;
	v5 =	vadd.f32 v56, v55  }
0x19f: {  	v54 =	vld [tilespmem:s9+$0x8C20];
	v3 =	vshrl.u32 v45, $0x10;
	v61 =	vadd.f32 v11, v59;
	[tilespmem:s9+$0xA000] =	vst v0;
	v0 =	vadd.f32 v44, v43  }
0x1a0: {  	v57 =	vld [tilespmem:s9+$0x5030];
	v2 =	vadd.s32 $0x8000, v2;
	v1 =	vadd.s32 $0x8000, v1;
	v6 =	vadd.s32 $0x8000, v6  }
0x1a1: {  	v58 =	vld [tilespmem:s9+$0x6430];
	v4 =	vadd.s32 $0x8000, v53;
	v2 =	vand.u32 $0xFFFF0000, v2;
	v1 =	vshrl.u32 v1, $0x10  }
0x1a2: {  	v6 =	vand.u32 $0xFFFF0000, v6;
	v0 =	vadd.s32 $0x8000, v0;
	v2 =	vor.u32 v3, v2  }
0x1a3: {  	v4 =	vand.u32 $0xFFFF0000, v4;
	v1 =	vor.u32 v1, v6;
	v0 =	vshrl.u32 v0, $0x10;
	[tilespmem:s9+$0xA040] =	vst v2  }
0x1a4: {  	v3 =	vadd.s32 $0x8000, v60;
	[tilespmem:s9+$0xA010] =	vst v1;
	v2 =	vadd.f32 v49, v48;
	v1 =	vadd.f32 v54, v52  }
0x1a5: {  	v62 =	vadd.s32 $0x8000, v5;
	v0 =	vor.u32 v0, v4;
	v3 =	vand.u32 $0xFFFF0000, v3  }
0x1a6: {  	[tilespmem:s9+$0xA050] =	vst v0;
	v0 =	vadd.f32 v58, v57;
	v2 =	vadd.s32 $0x8000, v2;
	v1 =	vadd.s32 $0x8000, v1  }
0x1a7: {  	v4 =	vadd.s32 $0x8000, v61;
	v2 =	vshrl.u32 v2, $0x10;
	v1 =	vshrl.u32 v1, $0x10  }
0x1a8: {  	v0 =	vadd.s32 $0x8000, v0;
	v2 =	vor.u32 v2, v3;
	v3 =	vand.u32 $0xFFFF0000, v62  }
0x1a9: {  	v63 =	vand.u32 $0xFFFF0000, v4;
	v0 =	vshrl.u32 v0, $0x10;
	[tilespmem:s9+$0xA020] =	vst v2;
	v1 =	vor.u32 v1, v3  }
0x1aa: {  	v0 =	vor.u32 v0, v63;
	[tilespmem:s9+$0xA060] =	vst v1  }
0x1ab: {  	s12 =	rddreg [dreg:$0x6];
	[tilespmem:s9+$0xA030] =	vst v0  }
0x1ac: {  	[hbm4b:s12+s2] =	stream.linear.scatter [tilespmem:s31], [sflag:$0x9], $0x1400, $0x38;
	[tilespmem:$0x11800] =	vst v63  }
0x1ad: {  	_ =	swait.ge [sflag:s7], $0x1400  }
0x1ae: {  	s13 =	rddreg [dreg:$0x8]  }
0x1af: {  	s22 =	rddreg [dreg:$0x7];
	s10 =	sadd.s32 $0x1, s13  }
0x1b0: {  	p0 =	sne.s32 s10, s22  }
.Ltmp4:
0x1b1: {  	_ = 	snop;
	(pc) =	sbr.rel @p0 .LBB2_1-.Ltmp4, $3  }
0x1b2: {  	_ =	sdelay $0x1  }
0x1b3: {  	[sflag:s7] =	ssyncset.done $0x0  }
0x1b4: {  	[sflag:s7] =	ssyncadd.s32 $0xFFFFEC00  }
0x1b5: {  	_ =	sfence.sel $0x180000  }
0x1b6: {  	[bflag:$0x0] =	sbarrier.arrive $0xFFFF  }
0x1b7: {  	_ =	strace $0x90000047  }
0x1b8: {  	s0 =	stileid.u32;
	[bflag:$0x2] =	sbarrier.arrive $0xFFFF  }
0x1b9: {  	p0 =	sne.s32 s0, $0x0;
	s0 =	rddreg [dreg:$0x1]  }
0x1ba: {  	s0 =	sadd.s32 @!p0 $0x100000, s0  }
0x1bb: {  	[sflag:s0] =	ssyncadd.tile.s32 @!p0 $0x1;
	_ =	shalt  }
.Lfunc_end2:
_tile_overlayer_lowered:
.L_overlay_start_2:
0x1bc: {  	(tag) =	ssettag $0x2  }
0x1bd: {  	s0 =	rddreg [dreg:$0x0];
	s2 =	stileid.u32  }
0x1be: {  	s1 =	rddreg [dreg:$0x1];
	p0 =	sne.s32 s2, $0x0  }
0x1bf: {  	s3 =	rddreg [dreg:$0x2];
	[bflag:$0x3] =	sbarrier.arrive $0xFFFF;
	s2 =	simm.s32 @!p0 $0x1C0B  }
0x1c0: {  	[timem:s3], [sflag:s2] =	dma.local @!p0 [hbm:s0], s1  }
0x1c1: {  	s0 =	simm.s32 @!p0 $0xB  }
0x1c2: {  	_ =	swait.ge @!p0 [sflag:s0], s1  }
0x1c3: {  	s1 =	ssub.s32 @!p0 $0x0, s1;
	[sflag:s0] =	ssyncset.done @!p0 $0x0  }
0x1c4: {  	[sflag:s0] =	ssyncadd.s32 @!p0 s1  }
0x1c5: {  	[bflag:$0x3] =	sbarrier.arrive $0xFFFF  }
0x1c6: {  	_ =	shalt  }

</sc_bundles>
